<compile_context>
chip_gen: v7x
topology: tpu7x:2x2x1
jax: 0.10.2.dev20260603
libtpu: 0.0.44.dev20260713+nightly
codegen_flags: <defaults>
</compile_context>

<pallas_src>
import jax
import jax.numpy as jnp
from jax import lax
from jax.experimental import pallas as pl
from jax.experimental.pallas import tpu as pltpu
from jax.experimental.pallas import tpu_sc as plsc

NS = 16
LANES = 16
CH = 128
_NEG = -1e30


def _make_edge_sweep(nr, eprows, n):
    rw = eprows // NS

    def body(src_hbm, dst_hbm, ale_hbm, idx2_hbm, als_hbm, ald_hbm, m_hbm,
             h_hbm, zn_hbm, zd_hbm, nout, dout,
             als_v, ald_v, m_v, src_v, dst_v, ale_v, p_v, idx2_v,
             rows_v, acc_n, acc_d, gsem):
        sid = lax.axis_index("s")
        base = sid * rw

        pltpu.sync_copy(als_hbm, als_v)
        pltpu.sync_copy(ald_hbm, ald_v)
        pltpu.sync_copy(m_hbm, m_v)
        pltpu.sync_copy(zn_hbm, acc_n)
        pltpu.sync_copy(zd_hbm, acc_d)

        mv = m_v[...]
        lane = lax.iota(jnp.int32, LANES)

        def chunk_body(c, carry):
            pltpu.sync_copy(src_hbm.at[base + c], src_v)
            pltpu.sync_copy(dst_hbm.at[base + c], dst_v)
            pltpu.sync_copy(ale_hbm.at[base + c], ale_v)
            pltpu.sync_copy(idx2_hbm.at[base + c], idx2_v)
            desc = pltpu.async_copy(h_hbm.at[src_v], rows_v, gsem)

            for g in range(CH // LANES):
                sl = pl.ds(g * LANES, LANES)
                a = plsc.load_gather(als_v, [src_v[sl]])
                d = plsc.load_gather(ald_v, [dst_v[sl]])
                z = a + d + ale_v[sl]
                l = jnp.where(z >= 0, z, z * jnp.float32(0.2))
                p = jnp.exp(l - mv)
                p_v[sl] = p
                tg = idx2_v[sl]
                plsc.addupdate_scatter(acc_d, [tg * LANES + lane], p)

            desc.wait()

            def scale_row(r, _):
                ridx = jnp.full((LANES,), r, jnp.int32)
                pr = plsc.load_gather(p_v, [ridx])
                tgs = plsc.load_gather(idx2_v, [ridx]) * 128
                for f in range(128 // LANES):
                    fs = pl.ds(f * LANES, LANES)
                    v = rows_v[r, fs] * pr
                    plsc.addupdate_scatter(acc_n, [tgs + f * LANES + lane],
                                           v)
                return 0

            lax.fori_loop(0, CH, scale_row, 0)
            return carry

        lax.fori_loop(0, rw, chunk_body, 0)

        plsc.subcore_barrier()
        pltpu.sync_copy(acc_n, nout.at[sid])
        pltpu.sync_copy(acc_d, dout.at[sid])

    mesh = plsc.VectorSubcoreMesh(core_axis_name="c", subcore_axis_name="s",
                                  num_cores=1, num_subcores=NS)
    return pl.kernel(
        body,
        out_type=[jax.ShapeDtypeStruct((NS, nr * 128), jnp.float32),
                  jax.ShapeDtypeStruct((NS, nr * 16), jnp.float32)],
        mesh=mesh,
        compiler_params=pltpu.CompilerParams(needs_layout_passes=False),
        scratch_types=[
            pltpu.VMEM((n,), jnp.float32),
            pltpu.VMEM((n,), jnp.float32),
            pltpu.VMEM((16,), jnp.float32),
            pltpu.VMEM((CH,), jnp.int32),
            pltpu.VMEM((CH,), jnp.int32),
            pltpu.VMEM((CH,), jnp.float32),
            pltpu.VMEM((CH,), jnp.float32),
            pltpu.VMEM((CH,), jnp.int32),
            pltpu.VMEM((CH, 128), jnp.float32),
            pltpu.VMEM((nr * 128,), jnp.float32),
            pltpu.VMEM((nr * 16,), jnp.float32),
            pltpu.SemaphoreType.DMA,
        ],
        name=f"gat_edge_sweep_nr{nr}",
    )


def _stage_a(x, w_in, lin1, asrc1, adst1, nb, blk):
    def body(x_ref, wi_ref, l1_ref, as_ref, ad_ref,
             h1_ref, als_ref, ald_ref, amx_ref, bmx_ref):
        i = pl.program_id(0)
        h1 = (x_ref[...] @ wi_ref[...]) @ l1_ref[...]
        h1_ref[...] = h1
        als = h1 @ as_ref[...]
        ald = h1 @ ad_ref[...]
        als_ref[...] = als
        ald_ref[...] = ald

        @pl.when(i == 0)
        def _():
            amx_ref[...] = jnp.full((1, 1), _NEG, jnp.float32)
            bmx_ref[...] = jnp.full((1, 1), _NEG, jnp.float32)

        amx_ref[...] = jnp.maximum(amx_ref[...], jnp.max(als))
        bmx_ref[...] = jnp.maximum(bmx_ref[...], jnp.max(ald))

    n = x.shape[0]
    return pl.pallas_call(
        body,
        grid=(nb,),
        in_specs=[
            pl.BlockSpec((blk, 128), lambda i: (i, 0)),
            pl.BlockSpec((128, 128), lambda i: (0, 0)),
            pl.BlockSpec((128, 128), lambda i: (0, 0)),
            pl.BlockSpec((128, 1), lambda i: (0, 0)),
            pl.BlockSpec((128, 1), lambda i: (0, 0)),
        ],
        out_specs=[
            pl.BlockSpec((blk, 128), lambda i: (i, 0)),
            pl.BlockSpec((blk, 1), lambda i: (i, 0)),
            pl.BlockSpec((blk, 1), lambda i: (i, 0)),
            pl.BlockSpec((1, 1), lambda i: (0, 0)),
            pl.BlockSpec((1, 1), lambda i: (0, 0)),
        ],
        out_shape=[
            jax.ShapeDtypeStruct((n, 128), jnp.float32),
            jax.ShapeDtypeStruct((n, 1), jnp.float32),
            jax.ShapeDtypeStruct((n, 1), jnp.float32),
            jax.ShapeDtypeStruct((1, 1), jnp.float32),
            jax.ShapeDtypeStruct((1, 1), jnp.float32),
        ],
    )(x, w_in, lin1, asrc1, adst1)


def _stage_edges(ea2d, wsel1, wsel2, nb, blk):
    def body(ea_ref, w1_ref, w2_ref, a1_ref, a2_ref, s_ref, m1_ref, m2_ref):
        i = pl.program_id(0)
        xb = ea_ref[...]
        y1 = xb @ w1_ref[...]
        y2 = xb @ w2_ref[...]
        a1_ref[...] = y1
        a2_ref[...] = y2

        @pl.when(i == 0)
        def _():
            s_ref[...] = jnp.zeros((1, 128), jnp.float32)
            m1_ref[...] = jnp.full((1, 32), _NEG, jnp.float32)
            m2_ref[...] = jnp.full((1, 32), _NEG, jnp.float32)

        s_ref[...] = s_ref[...] + jnp.sum(xb, axis=0, keepdims=True)
        m1_ref[...] = jnp.maximum(m1_ref[...],
                                  jnp.max(y1, axis=0, keepdims=True))
        m2_ref[...] = jnp.maximum(m2_ref[...],
                                  jnp.max(y2, axis=0, keepdims=True))

    er = ea2d.shape[0]
    return pl.pallas_call(
        body,
        grid=(nb,),
        in_specs=[
            pl.BlockSpec((blk, 128), lambda i: (i, 0)),
            pl.BlockSpec((128, 32), lambda i: (0, 0)),
            pl.BlockSpec((128, 32), lambda i: (0, 0)),
        ],
        out_specs=[
            pl.BlockSpec((blk, 32), lambda i: (i, 0)),
            pl.BlockSpec((blk, 32), lambda i: (i, 0)),
            pl.BlockSpec((1, 128), lambda i: (0, 0)),
            pl.BlockSpec((1, 32), lambda i: (0, 0)),
            pl.BlockSpec((1, 32), lambda i: (0, 0)),
        ],
        out_shape=[
            jax.ShapeDtypeStruct((er, 32), jnp.float32),
            jax.ShapeDtypeStruct((er, 32), jnp.float32),
            jax.ShapeDtypeStruct((1, 128), jnp.float32),
            jax.ShapeDtypeStruct((1, 32), jnp.float32),
            jax.ShapeDtypeStruct((1, 32), jnp.float32),
        ],
    )(ea2d, wsel1, wsel2)


def _stage_c(na, dsum, h1, als1, ald1, m1, c1, b1, lin2, asrc2, adst2,
             ngrid, blk):
    def body(na_ref, ds_ref, h1_ref, as1_ref, ad1_ref, m1_ref,
             c1_ref, b1_ref, l2_ref, as2_ref, ad2_ref,
             h2_ref, als2_ref, ald2_ref, amx_ref, bmx_ref):
        i = pl.program_id(0)
        initl = as1_ref[...] + ad1_ref[...] + c1_ref[0, 0]
        initl = jnp.where(initl >= 0, initl, initl * jnp.float32(0.2))
        ini_d = jnp.exp(initl - m1_ref[0, 0])
        h1 = h1_ref[...]
        numer = na_ref[...] + ini_d * h1
        den = ds_ref[...] + ini_d + jnp.float32(1e-16)
        out1 = numer / den
        hr = jnp.maximum(out1 + b1_ref[...], 0.0)
        h2 = hr @ l2_ref[...]
        h2_ref[...] = h2
        als2 = h2 @ as2_ref[...]
        ald2 = h2 @ ad2_ref[...]
        als2_ref[...] = als2
        ald2_ref[...] = ald2

        @pl.when(i == 0)
        def _():
            amx_ref[...] = jnp.full((1, 1), _NEG, jnp.float32)
            bmx_ref[...] = jnp.full((1, 1), _NEG, jnp.float32)

        amx_ref[...] = jnp.maximum(amx_ref[...], jnp.max(als2))
        bmx_ref[...] = jnp.maximum(bmx_ref[...], jnp.max(ald2))

    n = h1.shape[0]
    return pl.pallas_call(
        body,
        grid=(ngrid,),
        in_specs=[
            pl.BlockSpec((blk, 128), lambda i: (i, 0)),
            pl.BlockSpec((blk, 1), lambda i: (i, 0)),
            pl.BlockSpec((blk, 128), lambda i: (i, 0)),
            pl.BlockSpec((blk, 1), lambda i: (i, 0)),
            pl.BlockSpec((blk, 1), lambda i: (i, 0)),
            pl.BlockSpec((1, 1), lambda i: (0, 0)),
            pl.BlockSpec((1, 1), lambda i: (0, 0)),
            pl.BlockSpec((1, 128), lambda i: (0, 0)),
            pl.BlockSpec((128, 128), lambda i: (0, 0)),
            pl.BlockSpec((128, 1), lambda i: (0, 0)),
            pl.BlockSpec((128, 1), lambda i: (0, 0)),
        ],
        out_specs=[
            pl.BlockSpec((blk, 128), lambda i: (i, 0)),
            pl.BlockSpec((blk, 1), lambda i: (i, 0)),
            pl.BlockSpec((blk, 1), lambda i: (i, 0)),
            pl.BlockSpec((1, 1), lambda i: (0, 0)),
            pl.BlockSpec((1, 1), lambda i: (0, 0)),
        ],
        out_shape=[
            jax.ShapeDtypeStruct((n, 128), jnp.float32),
            jax.ShapeDtypeStruct((n, 1), jnp.float32),
            jax.ShapeDtypeStruct((n, 1), jnp.float32),
            jax.ShapeDtypeStruct((1, 1), jnp.float32),
            jax.ShapeDtypeStruct((1, 1), jnp.float32),
        ],
    )(na, dsum, h1, als1, ald1, m1, c1, b1, lin2, asrc2, adst2)


def _stage_e(n2, oh, h2, als2, ald2, d2, m2, c2, b2, wd1, bd1, gamma, beta,
             wd2p, bd2p):
    def body(n2_ref, oh_ref, h2_ref, als2_ref, ald2_ref, d2_ref, m2_ref,
             c2_ref, b2_ref, w1_ref, b1_ref, g_ref, be_ref, w2_ref, bb_ref,
             o_ref):
        oh = oh_ref[...]
        h2p = oh @ h2_ref[...]
        als2p = oh @ als2_ref[...]
        ald2p = oh @ ald2_ref[...]
        initl = als2p + ald2p + c2_ref[0, 0]
        initl = jnp.where(initl >= 0, initl, initl * jnp.float32(0.2))
        selfd = jnp.exp(initl - m2_ref[0, 0])
        xs = (n2_ref[...] + selfd * h2p) / \
            (d2_ref[...] + selfd + jnp.float32(1e-16)) + b2_ref[...]
        y = jnp.maximum(xs @ w1_ref[...] + b1_ref[...], 0.0)
        mu = jnp.mean(y, axis=-1, keepdims=True)
        var = jnp.mean((y - mu) * (y - mu), axis=-1, keepdims=True)
        z = (y - mu) / jnp.sqrt(var + jnp.float32(1e-5)) * g_ref[...] \
            + be_ref[...]
        o = jax.nn.sigmoid(z @ w2_ref[...] + bb_ref[...])
        o_ref[...] = o

    return pl.pallas_call(
        body,
        out_shape=jax.ShapeDtypeStruct((16, 128), jnp.float32),
    )(n2, oh, h2, als2, ald2, d2, m2, c2, b2, wd1, bd1, gamma, beta,
      wd2p, bd2p)


def _lrelu(v):
    return jnp.where(v >= 0, v, v * jnp.float32(0.2))


def kernel(x, edge_index, edge_attr, batch_num_nodes, W_in, lin1, asrc1,
           adst1, line1, aedge1, b1, lin2, asrc2, adst2, line2, aedge2, b2,
           Wd1, bd1, gamma, beta, Wd2, bd2):
    n, _ = x.shape
    e = edge_index.shape[1]
    de = edge_attr.shape[1]
    nbatch = batch_num_nodes.shape[0]
    nt = Wd2.shape[1]
    f32 = jnp.float32

    perrow = 128 // de
    ea2d = edge_attr.reshape(e // perrow, 128)
    ep = ((e + NS * CH - 1) // (NS * CH)) * (NS * CH)
    eprows = ep // CH
    src_p = jnp.pad(edge_index[0], (0, ep - e)).reshape(eprows, CH)
    dst_p = jnp.pad(edge_index[1], (0, ep - e)).reshape(eprows, CH)

    we1 = line1 @ aedge1
    we2 = line2 @ aedge2
    ii = jnp.arange(128)
    sel = (ii[:, None] // de == jnp.arange(perrow)[None, :]).astype(f32)
    wsel1 = sel * we1[jnp.arange(128) % de][:, None]
    wsel2 = sel * we2[jnp.arange(128) % de][:, None]

    blk, nb = 400, n // 400
    h1, als1, ald1, amx1, bmx1 = _stage_a(
        x, W_in, lin1, asrc1.reshape(128, 1), adst1.reshape(128, 1), nb, blk)

    eb = ea2d.shape[0] // 400
    ale1p, ale2p, easum, alemx1, alemx2 = _stage_edges(
        ea2d, wsel1, wsel2, eb, 400)

    mean_ea = easum.reshape(perrow, de).sum(0) / f32(e)
    c1 = (mean_ea @ we1).reshape(1, 1)
    c2 = (mean_ea @ we2).reshape(1, 1)
    m1 = _lrelu(amx1[0, 0] + bmx1[0, 0]
                + jnp.maximum(jnp.max(alemx1), c1[0, 0])).reshape(1, 1)

    ale1 = jnp.pad(ale1p.reshape(e), (0, ep - e),
                   constant_values=_NEG).reshape(eprows, CH)
    ale2 = jnp.pad(ale2p.reshape(e), (0, ep - e),
                   constant_values=_NEG).reshape(eprows, CH)

    alsf = als1.reshape(n)
    aldf = ald1.reshape(n)
    srcf = edge_index[0]
    dstf = edge_index[1]
    alef = ale1.reshape(eprows * CH)[:e]
    pe = jnp.exp(_lrelu(alsf[srcf] + aldf[dstf] + alef) - m1[0, 0])
    numer1 = jax.ops.segment_sum(h1[srcf] * pe[:, None], dstf,
                                 num_segments=n)
    dsum1 = jax.ops.segment_sum(pe, dstf, num_segments=n).reshape(n, 1)

    h2, als2, ald2, amx2, bmx2 = _stage_c(
        numer1, dsum1, h1, als1, ald1, m1, c1,
        b1.reshape(1, 128), lin2, asrc2.reshape(128, 1),
        adst2.reshape(128, 1), nb, blk)

    m2 = _lrelu(amx2[0, 0] + bmx2[0, 0]
                + jnp.maximum(jnp.max(alemx2), c2[0, 0])).reshape(1, 1)
    m2vec = jnp.broadcast_to(m2.reshape(1), (16,))

    poolidx = jnp.cumsum(batch_num_nodes) - 1
    match = (jnp.arange(n, dtype=jnp.int32)[None, :]
             == poolidx[:, None].astype(jnp.int32))
    eqp = (dst_p[None, :, :] == poolidx[:, None, None].astype(jnp.int32))
    pid = (eqp * (jnp.arange(nbatch, dtype=jnp.int32)[:, None, None]
                  + 1)).sum(0)
    idx_p = jnp.where(pid > 0, pid - 1, nbatch).astype(jnp.int32)

    zn = jnp.zeros((32 * 128,), f32)
    zd = jnp.zeros((32 * 16,), f32)
    sweep2 = _make_edge_sweep(32, eprows, n)
    n2out, d2out = sweep2(src_p, dst_p, ale2, idx_p, als2.reshape(n),
                          ald2.reshape(n), m2vec, h2, zn, zd)
    n2 = n2out.reshape(NS, 32, 128).sum(0)[:16, :]
    d2 = d2out.reshape(NS, 32, 16).sum(0).sum(-1)[:16].reshape(16, 1)

    oh = match.astype(f32)
    wd2p = jnp.pad(Wd2, ((0, 0), (0, 128 - nt)))
    bd2p = jnp.pad(bd2, (0, 128 - nt)).reshape(1, 128)
    o = _stage_e(n2, oh, h2, als2, ald2, d2, m2, c2, b2.reshape(1, 128),
                 Wd1, bd1.reshape(1, 128), gamma.reshape(1, 128),
                 beta.reshape(1, 128), wd2p, bd2p)
    return o[:, :nt]

# --- scband reference (transcript-rebuilt; emitter-appended) ---
"""Pipeline reference for scband-my-model-62337155334870 (READ-ONLY COPY).

The authoritative reference and input builder live on the scoring server;
editing this copy changes nothing except your own understanding.
"""

import jax, jax.numpy as jnp
import numpy as np

N = 10000
E = 320000
D = 128
C = 128
DE = 4
NT = 15
B = 16


def _layernorm(x, gamma, beta, eps=1e-5):
    mu = jnp.mean(x, axis=-1, keepdims=True)
    var = jnp.var(x, axis=-1, keepdims=True)
    return (x - mu) / jnp.sqrt(var + eps) * gamma + beta


def _gat_conv(x, src, dst, ea, lin, a_src, a_dst, lin_e, a_e, bias, n):
    # GATConv (heads=1) with edge features, add_self_loops=True, fill_value='mean'
    loops = jnp.arange(n, dtype=src.dtype)
    src2 = jnp.concatenate([src, loops])
    dst2 = jnp.concatenate([dst, loops])
    mean_ea = jnp.mean(ea, axis=0, keepdims=True)
    ea2 = jnp.concatenate([ea, jnp.broadcast_to(mean_ea, (n, ea.shape[1]))], axis=0)
    h = x @ lin
    al_src = (h * a_src).sum(-1)
    al_dst = (h * a_dst).sum(-1)
    he = ea2 @ lin_e
    al_e = (he * a_e).sum(-1)
    alpha = jax.nn.leaky_relu(al_src[src2] + al_dst[dst2] + al_e, negative_slope=0.2)
    amax = jax.ops.segment_max(alpha, dst2, num_segments=n)
    alpha = jnp.exp(alpha - amax[dst2])
    denom = jax.ops.segment_sum(alpha, dst2, num_segments=n)
    alpha = alpha / (denom[dst2] + 1e-16)
    out = jax.ops.segment_sum(h[src2] * alpha[:, None], dst2, num_segments=n)
    return out + bias


def setup_inputs(seed: int = 0):
    key = jax.random.key(seed)
    ks = jax.random.split(key, 20)
    s = 0.05
    inp = {}
    inp['x'] = jax.random.normal(ks[0], (N, D), dtype=jnp.float32)
    inp['edge_index'] = jax.random.randint(ks[1], (2, E), 0, N, dtype=jnp.int32)
    inp['edge_attr'] = jax.random.normal(ks[2], (E, DE), dtype=jnp.float32)
    inp['batch_num_nodes'] = jnp.full((B,), N // B, dtype=jnp.int32)
    inp['W_in'] = jax.random.normal(ks[3], (D, C), dtype=jnp.float32) * s
    inp['lin1'] = jax.random.normal(ks[4], (C, C), dtype=jnp.float32) * s
    inp['asrc1'] = jax.random.normal(ks[5], (C,), dtype=jnp.float32) * s
    inp['adst1'] = jax.random.normal(ks[6], (C,), dtype=jnp.float32) * s
    inp['line1'] = jax.random.normal(ks[7], (DE, C), dtype=jnp.float32) * s
    inp['aedge1'] = jax.random.normal(ks[8], (C,), dtype=jnp.float32) * s
    inp['b1'] = jnp.zeros((C,), dtype=jnp.float32)
    inp['lin2'] = jax.random.normal(ks[9], (C, C), dtype=jnp.float32) * s
    inp['asrc2'] = jax.random.normal(ks[10], (C,), dtype=jnp.float32) * s
    inp['adst2'] = jax.random.normal(ks[11], (C,), dtype=jnp.float32) * s
    inp['line2'] = jax.random.normal(ks[12], (DE, C), dtype=jnp.float32) * s
    inp['aedge2'] = jax.random.normal(ks[13], (C,), dtype=jnp.float32) * s
    inp['b2'] = jnp.zeros((C,), dtype=jnp.float32)
    inp['Wd1'] = jax.random.normal(ks[14], (C, C), dtype=jnp.float32) * s
    inp['bd1'] = jnp.zeros((C,), dtype=jnp.float32)
    inp['gamma'] = jnp.ones((C,), dtype=jnp.float32)
    inp['beta'] = jnp.zeros((C,), dtype=jnp.float32)
    inp['Wd2'] = jax.random.normal(ks[15], (C, NT), dtype=jnp.float32) * s
    inp['bd2'] = jnp.zeros((NT,), dtype=jnp.float32)
    return inp


def reference(x, edge_index, edge_attr, batch_num_nodes, W_in, lin1, asrc1, adst1, line1, aedge1, b1, lin2, asrc2, adst2, line2, aedge2, b2, Wd1, bd1, gamma, beta, Wd2, bd2):
    n = x.shape[0]
    src, dst = edge_index[0], edge_index[1]
    # LayerIn (bias=False), dropout p=0 is identity
    node_in = x @ W_in
    # GAT encoder: 2 layers, ReLU between, none after last (torch_geometric models.GAT)
    h = jax.nn.relu(_gat_conv(node_in, src, dst, edge_attr, lin1, asrc1, adst1, line1, aedge1, b1, n))
    hs = _gat_conv(h, src, dst, edge_attr, lin2, asrc2, adst2, line2, aedge2, b2, n)
    # pool: select last node of each graph via one-hot matmul (eye(N)[poolidx] @ hs)
    poolidx = jnp.cumsum(batch_num_nodes) - 1
    onehot = jax.nn.one_hot(poolidx, n, dtype=hs.dtype)
    xs = onehot @ hs
    # SimpleDecoder: Linear -> ReLU -> LayerNorm -> Linear -> Sigmoid
    y = jax.nn.relu(xs @ Wd1 + bd1)
    y = _layernorm(y, gamma, beta)
    y = jax.nn.sigmoid(y @ Wd2 + bd2)
    return y

if __name__ == "__main__":
    import jax
    _d = setup_inputs()
    print(jax.jit(kernel)(*tuple(_d.values())))

</pallas_src>

<mosaic_0001>
#map = affine_map<(d0, d1) -> (0, 0)>
#map1 = affine_map<(d0, d1) -> (0)>
module attributes {stable_mosaic.version = 14 : i64} {
  func.func @gat_edge_sweep_nr32(%arg0: i32, %arg1: i32, %arg2: memref<2512x128xi32, #tpu.memory_space<hbm>>, %arg3: memref<2512x128xi32, #tpu.memory_space<hbm>>, %arg4: memref<2512x128xf32, #tpu.memory_space<hbm>>, %arg5: memref<2512x128xi32, #tpu.memory_space<hbm>>, %arg6: memref<10000xf32, #tpu.memory_space<hbm>>, %arg7: memref<10000xf32, #tpu.memory_space<hbm>>, %arg8: memref<16xf32, #tpu.memory_space<hbm>>, %arg9: memref<10000x128xf32, #tpu.memory_space<hbm>>, %arg10: memref<4096xf32, #tpu.memory_space<hbm>>, %arg11: memref<512xf32, #tpu.memory_space<hbm>>, %arg12: memref<16x4096xf32, #tpu.memory_space<hbm>>, %arg13: memref<16x512xf32, #tpu.memory_space<hbm>>, %arg14: memref<10000xf32, #tpu.memory_space<vmem>>, %arg15: memref<10000xf32, #tpu.memory_space<vmem>>, %arg16: memref<16xf32, #tpu.memory_space<vmem>>, %arg17: memref<128xi32, #tpu.memory_space<vmem>>, %arg18: memref<128xi32, #tpu.memory_space<vmem>>, %arg19: memref<128xf32, #tpu.memory_space<vmem>>, %arg20: memref<128xf32, #tpu.memory_space<vmem>>, %arg21: memref<128xi32, #tpu.memory_space<vmem>>, %arg22: memref<128x128xf32, #tpu.memory_space<vmem>>, %arg23: memref<4096xf32, #tpu.memory_space<vmem>>, %arg24: memref<512xf32, #tpu.memory_space<vmem>>, %arg25: memref<!tpu.dma_semaphore, #tpu.memory_space<semaphore_mem>>) attributes {dimension_semantics = [#tpu.dimension_semantics<core_parallel>, #tpu.dimension_semantics<subcore_parallel>], iteration_bounds = array<i64: 1, 16>, scalar_prefetch = 0 : i64, scratch_operands = 12 : i64, tpu.core_type = #tpu.core_type<sc_vector_subcore>, window_params = [{transform_indices = #map}, {transform_indices = #map}, {transform_indices = #map}, {transform_indices = #map}, {transform_indices = #map1}, {transform_indices = #map1}, {transform_indices = #map1}, {transform_indices = #map}, {transform_indices = #map1}, {transform_indices = #map1}, {transform_indices = #map}, {transform_indices = #map}]} {
    %mul3A = arith.constant 157 : i32
    %mul3A_0 = arith.muli %arg1, %mul3A : i32
    "tpu.region"() ({
      %run_scoped3A = tpu.sem_alloc : memref<!tpu.dma_semaphore, #tpu.memory_space<semaphore_mem>>
      tpu.enqueue_dma source(%arg6 : memref<10000xf32, #tpu.memory_space<hbm>>) target(%arg14 : memref<10000xf32, #tpu.memory_space<vmem>>) target_semaphore(%run_scoped3A : memref<!tpu.dma_semaphore, #tpu.memory_space<semaphore_mem>>)
      tpu.wait_dma2 semaphore(%run_scoped3A : memref<!tpu.dma_semaphore, #tpu.memory_space<semaphore_mem>>) src(%arg6 : memref<10000xf32, #tpu.memory_space<hbm>>) dst(%arg14 : memref<10000xf32, #tpu.memory_space<vmem>>)
      tpu.yield
    }) : () -> ()
    "tpu.region"() ({
      %run_scoped3A = tpu.sem_alloc : memref<!tpu.dma_semaphore, #tpu.memory_space<semaphore_mem>>
      tpu.enqueue_dma source(%arg7 : memref<10000xf32, #tpu.memory_space<hbm>>) target(%arg15 : memref<10000xf32, #tpu.memory_space<vmem>>) target_semaphore(%run_scoped3A : memref<!tpu.dma_semaphore, #tpu.memory_space<semaphore_mem>>)
      tpu.wait_dma2 semaphore(%run_scoped3A : memref<!tpu.dma_semaphore, #tpu.memory_space<semaphore_mem>>) src(%arg7 : memref<10000xf32, #tpu.memory_space<hbm>>) dst(%arg15 : memref<10000xf32, #tpu.memory_space<vmem>>)
      tpu.yield
    }) : () -> ()
    "tpu.region"() ({
      %run_scoped3A = tpu.sem_alloc : memref<!tpu.dma_semaphore, #tpu.memory_space<semaphore_mem>>
      tpu.enqueue_dma source(%arg8 : memref<16xf32, #tpu.memory_space<hbm>>) target(%arg16 : memref<16xf32, #tpu.memory_space<vmem>>) target_semaphore(%run_scoped3A : memref<!tpu.dma_semaphore, #tpu.memory_space<semaphore_mem>>)
      tpu.wait_dma2 semaphore(%run_scoped3A : memref<!tpu.dma_semaphore, #tpu.memory_space<semaphore_mem>>) src(%arg8 : memref<16xf32, #tpu.memory_space<hbm>>) dst(%arg16 : memref<16xf32, #tpu.memory_space<vmem>>)
      tpu.yield
    }) : () -> ()
    "tpu.region"() ({
      %run_scoped3A = tpu.sem_alloc : memref<!tpu.dma_semaphore, #tpu.memory_space<semaphore_mem>>
      tpu.enqueue_dma source(%arg10 : memref<4096xf32, #tpu.memory_space<hbm>>) target(%arg23 : memref<4096xf32, #tpu.memory_space<vmem>>) target_semaphore(%run_scoped3A : memref<!tpu.dma_semaphore, #tpu.memory_space<semaphore_mem>>)
      tpu.wait_dma2 semaphore(%run_scoped3A : memref<!tpu.dma_semaphore, #tpu.memory_space<semaphore_mem>>) src(%arg10 : memref<4096xf32, #tpu.memory_space<hbm>>) dst(%arg23 : memref<4096xf32, #tpu.memory_space<vmem>>)
      tpu.yield
    }) : () -> ()
    "tpu.region"() ({
      %run_scoped3A = tpu.sem_alloc : memref<!tpu.dma_semaphore, #tpu.memory_space<semaphore_mem>>
      tpu.enqueue_dma source(%arg11 : memref<512xf32, #tpu.memory_space<hbm>>) target(%arg24 : memref<512xf32, #tpu.memory_space<vmem>>) target_semaphore(%run_scoped3A : memref<!tpu.dma_semaphore, #tpu.memory_space<semaphore_mem>>)
      tpu.wait_dma2 semaphore(%run_scoped3A : memref<!tpu.dma_semaphore, #tpu.memory_space<semaphore_mem>>) src(%arg11 : memref<512xf32, #tpu.memory_space<hbm>>) dst(%arg24 : memref<512xf32, #tpu.memory_space<vmem>>)
      tpu.yield
    }) : () -> ()
    %get3A = arith.constant 0 : index
    %get3A_1 = tpu.vector_load %arg16[%get3A] {strides = array<i32>} : memref<16xf32, #tpu.memory_space<vmem>>, vector<16xf32>,
    %iota3A = tpu.iota {dimensions = array<i32: 0>} : vector<16xi32>
    %scan3A = arith.constant 0 : i32
    %scan3A_2 = arith.constant 0 : i32
    %scan3A_3 = arith.constant 157 : i32
    %scan3A_4 = arith.addi %scan3A_2, %scan3A_3 : i32
    %scan3A_5 = arith.constant 1 : i32
    scf.for %scan3A_7 = %scan3A_2 to %scan3A_4 step %scan3A_5  : i32 {
      %add3A = arith.addi %mul3A_0, %scan3A_7 : i32
      "tpu.region"() ({
        %run_scoped3A = tpu.sem_alloc : memref<!tpu.dma_semaphore, #tpu.memory_space<semaphore_mem>>
        %dma_start3A_232 = arith.constant 0 : i32
        %dma_start3A_233 = tpu.memref_slice %arg2[%add3A, %dma_start3A_232] : memref<2512x128xi32, #tpu.memory_space<hbm>> -> memref<1x128xi32, #tpu.memory_space<hbm>>
        %dma_start3A_234 = tpu.memref_squeeze %dma_start3A_233 : memref<1x128xi32, #tpu.memory_space<hbm>> -> memref<128xi32, #tpu.memory_space<hbm>>
        %dma_start3A_235 = arith.constant 0 : i32
        %dma_start3A_236 = tpu.memref_slice %arg2[%add3A, %dma_start3A_235] : memref<2512x128xi32, #tpu.memory_space<hbm>> -> memref<1x128xi32, #tpu.memory_space<hbm>>
        %dma_start3A_237 = tpu.memref_squeeze %dma_start3A_236 : memref<1x128xi32, #tpu.memory_space<hbm>> -> memref<128xi32, #tpu.memory_space<hbm>>
        tpu.enqueue_dma source(%dma_start3A_237 : memref<128xi32, #tpu.memory_space<hbm>>) target(%arg17 : memref<128xi32, #tpu.memory_space<vmem>>) target_semaphore(%run_scoped3A : memref<!tpu.dma_semaphore, #tpu.memory_space<semaphore_mem>>)
        %dma_wait3A_238 = arith.constant 0 : i32
        %dma_wait3A_239 = tpu.memref_slice %arg2[%add3A, %dma_wait3A_238] : memref<2512x128xi32, #tpu.memory_space<hbm>> -> memref<1x128xi32, #tpu.memory_space<hbm>>
        %dma_wait3A_240 = tpu.memref_squeeze %dma_wait3A_239 : memref<1x128xi32, #tpu.memory_space<hbm>> -> memref<128xi32, #tpu.memory_space<hbm>>
        %dma_wait3A_241 = arith.constant 0 : i32
        %dma_wait3A_242 = tpu.memref_slice %arg2[%add3A, %dma_wait3A_241] : memref<2512x128xi32, #tpu.memory_space<hbm>> -> memref<1x128xi32, #tpu.memory_space<hbm>>
        %dma_wait3A_243 = tpu.memref_squeeze %dma_wait3A_242 : memref<1x128xi32, #tpu.memory_space<hbm>> -> memref<128xi32, #tpu.memory_space<hbm>>
        tpu.wait_dma2 semaphore(%run_scoped3A : memref<!tpu.dma_semaphore, #tpu.memory_space<semaphore_mem>>) src(%dma_wait3A_243 : memref<128xi32, #tpu.memory_space<hbm>>) dst(%arg17 : memref<128xi32, #tpu.memory_space<vmem>>)
        tpu.yield
      }) : () -> ()
      %add3A_8 = arith.addi %mul3A_0, %scan3A_7 : i32
      "tpu.region"() ({
        %run_scoped3A = tpu.sem_alloc : memref<!tpu.dma_semaphore, #tpu.memory_space<semaphore_mem>>
        %dma_start3A_232 = arith.constant 0 : i32
        %dma_start3A_233 = tpu.memref_slice %arg3[%add3A_8, %dma_start3A_232] : memref<2512x128xi32, #tpu.memory_space<hbm>> -> memref<1x128xi32, #tpu.memory_space<hbm>>
        %dma_start3A_234 = tpu.memref_squeeze %dma_start3A_233 : memref<1x128xi32, #tpu.memory_space<hbm>> -> memref<128xi32, #tpu.memory_space<hbm>>
        %dma_start3A_235 = arith.constant 0 : i32
        %dma_start3A_236 = tpu.memref_slice %arg3[%add3A_8, %dma_start3A_235] : memref<2512x128xi32, #tpu.memory_space<hbm>> -> memref<1x128xi32, #tpu.memory_space<hbm>>
        %dma_start3A_237 = tpu.memref_squeeze %dma_start3A_236 : memref<1x128xi32, #tpu.memory_space<hbm>> -> memref<128xi32, #tpu.memory_space<hbm>>
        tpu.enqueue_dma source(%dma_start3A_237 : memref<128xi32, #tpu.memory_space<hbm>>) target(%arg18 : memref<128xi32, #tpu.memory_space<vmem>>) target_semaphore(%run_scoped3A : memref<!tpu.dma_semaphore, #tpu.memory_space<semaphore_mem>>)
        %dma_wait3A_238 = arith.constant 0 : i32
        %dma_wait3A_239 = tpu.memref_slice %arg3[%add3A_8, %dma_wait3A_238] : memref<2512x128xi32, #tpu.memory_space<hbm>> -> memref<1x128xi32, #tpu.memory_space<hbm>>
        %dma_wait3A_240 = tpu.memref_squeeze %dma_wait3A_239 : memref<1x128xi32, #tpu.memory_space<hbm>> -> memref<128xi32, #tpu.memory_space<hbm>>
        %dma_wait3A_241 = arith.constant 0 : i32
        %dma_wait3A_242 = tpu.memref_slice %arg3[%add3A_8, %dma_wait3A_241] : memref<2512x128xi32, #tpu.memory_space<hbm>> -> memref<1x128xi32, #tpu.memory_space<hbm>>
        %dma_wait3A_243 = tpu.memref_squeeze %dma_wait3A_242 : memref<1x128xi32, #tpu.memory_space<hbm>> -> memref<128xi32, #tpu.memory_space<hbm>>
        tpu.wait_dma2 semaphore(%run_scoped3A : memref<!tpu.dma_semaphore, #tpu.memory_space<semaphore_mem>>) src(%dma_wait3A_243 : memref<128xi32, #tpu.memory_space<hbm>>) dst(%arg18 : memref<128xi32, #tpu.memory_space<vmem>>)
        tpu.yield
      }) : () -> ()
      %add3A_9 = arith.addi %mul3A_0, %scan3A_7 : i32
      "tpu.region"() ({
        %run_scoped3A = tpu.sem_alloc : memref<!tpu.dma_semaphore, #tpu.memory_space<semaphore_mem>>
        %dma_start3A_232 = arith.constant 0 : i32
        %dma_start3A_233 = tpu.memref_slice %arg4[%add3A_9, %dma_start3A_232] : memref<2512x128xf32, #tpu.memory_space<hbm>> -> memref<1x128xf32, #tpu.memory_space<hbm>>
        %dma_start3A_234 = tpu.memref_squeeze %dma_start3A_233 : memref<1x128xf32, #tpu.memory_space<hbm>> -> memref<128xf32, #tpu.memory_space<hbm>>
        %dma_start3A_235 = arith.constant 0 : i32
        %dma_start3A_236 = tpu.memref_slice %arg4[%add3A_9, %dma_start3A_235] : memref<2512x128xf32, #tpu.memory_space<hbm>> -> memref<1x128xf32, #tpu.memory_space<hbm>>
        %dma_start3A_237 = tpu.memref_squeeze %dma_start3A_236 : memref<1x128xf32, #tpu.memory_space<hbm>> -> memref<128xf32, #tpu.memory_space<hbm>>
        tpu.enqueue_dma source(%dma_start3A_237 : memref<128xf32, #tpu.memory_space<hbm>>) target(%arg19 : memref<128xf32, #tpu.memory_space<vmem>>) target_semaphore(%run_scoped3A : memref<!tpu.dma_semaphore, #tpu.memory_space<semaphore_mem>>)
        %dma_wait3A_238 = arith.constant 0 : i32
        %dma_wait3A_239 = tpu.memref_slice %arg4[%add3A_9, %dma_wait3A_238] : memref<2512x128xf32, #tpu.memory_space<hbm>> -> memref<1x128xf32, #tpu.memory_space<hbm>>
        %dma_wait3A_240 = tpu.memref_squeeze %dma_wait3A_239 : memref<1x128xf32, #tpu.memory_space<hbm>> -> memref<128xf32, #tpu.memory_space<hbm>>
        %dma_wait3A_241 = arith.constant 0 : i32
        %dma_wait3A_242 = tpu.memref_slice %arg4[%add3A_9, %dma_wait3A_241] : memref<2512x128xf32, #tpu.memory_space<hbm>> -> memref<1x128xf32, #tpu.memory_space<hbm>>
        %dma_wait3A_243 = tpu.memref_squeeze %dma_wait3A_242 : memref<1x128xf32, #tpu.memory_space<hbm>> -> memref<128xf32, #tpu.memory_space<hbm>>
        tpu.wait_dma2 semaphore(%run_scoped3A : memref<!tpu.dma_semaphore, #tpu.memory_space<semaphore_mem>>) src(%dma_wait3A_243 : memref<128xf32, #tpu.memory_space<hbm>>) dst(%arg19 : memref<128xf32, #tpu.memory_space<vmem>>)
        tpu.yield
      }) : () -> ()
      %add3A_10 = arith.addi %mul3A_0, %scan3A_7 : i32
      "tpu.region"() ({
        %run_scoped3A = tpu.sem_alloc : memref<!tpu.dma_semaphore, #tpu.memory_space<semaphore_mem>>
        %dma_start3A_232 = arith.constant 0 : i32
        %dma_start3A_233 = tpu.memref_slice %arg5[%add3A_10, %dma_start3A_232] : memref<2512x128xi32, #tpu.memory_space<hbm>> -> memref<1x128xi32, #tpu.memory_space<hbm>>
        %dma_start3A_234 = tpu.memref_squeeze %dma_start3A_233 : memref<1x128xi32, #tpu.memory_space<hbm>> -> memref<128xi32, #tpu.memory_space<hbm>>
        %dma_start3A_235 = arith.constant 0 : i32
        %dma_start3A_236 = tpu.memref_slice %arg5[%add3A_10, %dma_start3A_235] : memref<2512x128xi32, #tpu.memory_space<hbm>> -> memref<1x128xi32, #tpu.memory_space<hbm>>
        %dma_start3A_237 = tpu.memref_squeeze %dma_start3A_236 : memref<1x128xi32, #tpu.memory_space<hbm>> -> memref<128xi32, #tpu.memory_space<hbm>>
        tpu.enqueue_dma source(%dma_start3A_237 : memref<128xi32, #tpu.memory_space<hbm>>) target(%arg21 : memref<128xi32, #tpu.memory_space<vmem>>) target_semaphore(%run_scoped3A : memref<!tpu.dma_semaphore, #tpu.memory_space<semaphore_mem>>)
        %dma_wait3A_238 = arith.constant 0 : i32
        %dma_wait3A_239 = tpu.memref_slice %arg5[%add3A_10, %dma_wait3A_238] : memref<2512x128xi32, #tpu.memory_space<hbm>> -> memref<1x128xi32, #tpu.memory_space<hbm>>
        %dma_wait3A_240 = tpu.memref_squeeze %dma_wait3A_239 : memref<1x128xi32, #tpu.memory_space<hbm>> -> memref<128xi32, #tpu.memory_space<hbm>>
        %dma_wait3A_241 = arith.constant 0 : i32
        %dma_wait3A_242 = tpu.memref_slice %arg5[%add3A_10, %dma_wait3A_241] : memref<2512x128xi32, #tpu.memory_space<hbm>> -> memref<1x128xi32, #tpu.memory_space<hbm>>
        %dma_wait3A_243 = tpu.memref_squeeze %dma_wait3A_242 : memref<1x128xi32, #tpu.memory_space<hbm>> -> memref<128xi32, #tpu.memory_space<hbm>>
        tpu.wait_dma2 semaphore(%run_scoped3A : memref<!tpu.dma_semaphore, #tpu.memory_space<semaphore_mem>>) src(%dma_wait3A_243 : memref<128xi32, #tpu.memory_space<hbm>>) dst(%arg21 : memref<128xi32, #tpu.memory_space<vmem>>)
        tpu.yield
      }) : () -> ()
      %dma_start3A = arith.constant 0 : i32
      %dma_start3A_11 = arith.constant 0 : i32
      %dma_start3A_12 = tpu.memref_slice %arg9[%dma_start3A, %dma_start3A_11] : memref<10000x128xf32, #tpu.memory_space<hbm>> -> memref<10000x128xf32, #tpu.memory_space<hbm>>
      tpu.enqueue_indirect_dma source(%dma_start3A_12 : memref<10000x128xf32, #tpu.memory_space<hbm>>) target(%arg22 : memref<128x128xf32, #tpu.memory_space<vmem>>) offsets(%arg17 : memref<128xi32, #tpu.memory_space<vmem>>) semaphore(%arg25 : memref<!tpu.dma_semaphore, #tpu.memory_space<semaphore_mem>>)
      %get3A_13 = arith.constant 0 : index
      %get3A_14 = tpu.vector_load %arg17[%get3A_13] {strides = array<i32>} : memref<128xi32, #tpu.memory_space<vmem>>, vector<16xi32>,
      %gather3A = tpu.vector_load_idx %arg14[%get3A_14] : memref<10000xf32, #tpu.memory_space<vmem>>[vector<16xi32>], vector<16xf32>,
      %get3A_15 = arith.constant 0 : index
      %get3A_16 = tpu.vector_load %arg18[%get3A_15] {strides = array<i32>} : memref<128xi32, #tpu.memory_space<vmem>>, vector<16xi32>,
      %gather3A_17 = tpu.vector_load_idx %arg15[%get3A_16] : memref<10000xf32, #tpu.memory_space<vmem>>[vector<16xi32>], vector<16xf32>,
      %add3A_18 = arith.addf %gather3A, %gather3A_17 : vector<16xf32>
      %get3A_19 = arith.constant 0 : index
      %get3A_20 = tpu.vector_load %arg19[%get3A_19] {strides = array<i32>} : memref<128xf32, #tpu.memory_space<vmem>>, vector<16xf32>,
      %add3A_21 = arith.addf %add3A_18, %get3A_20 : vector<16xf32>
      %ge3A = arith.constant 0.000000e+00 : f32
      %ge3A_22 = vector.broadcast %ge3A : f32 to vector<16xf32>
      %ge3A_23 = arith.cmpf oge, %add3A_21, %ge3A_22 : vector<16xf32>
      %mul3A_24 = arith.constant 2.000000e-01 : f32
      %mul3A_25 = vector.broadcast %mul3A_24 : f32 to vector<16xf32>
      %mul3A_26 = arith.mulf %add3A_21, %mul3A_25 : vector<16xf32>
      %select_n3A = arith.select %ge3A_23, %add3A_21, %mul3A_26 : vector<16xi1>, vector<16xf32>
      %sub3A = arith.subf %select_n3A, %get3A_1 : vector<16xf32>
      %exp3A = math.exp %sub3A : vector<16xf32>
      %swap3A = arith.constant 0 : index
      %swap3A_27 = tpu.vector_load %arg20[%swap3A] {strides = array<i32>} : memref<128xf32, #tpu.memory_space<vmem>>, vector<16xf32>,
      tpu.vector_store %arg20[%swap3A], %exp3A {strides = array<i32>} : memref<128xf32, #tpu.memory_space<vmem>>, vector<16xf32>,
      %get3A_28 = arith.constant 0 : index
      %get3A_29 = tpu.vector_load %arg21[%get3A_28] {strides = array<i32>} : memref<128xi32, #tpu.memory_space<vmem>>, vector<16xi32>,
      %mul3A_30 = arith.constant 16 : i32
      %mul3A_31 = vector.broadcast %mul3A_30 : i32 to vector<16xi32>
      %mul3A_32 = arith.muli %get3A_29, %mul3A_31 : vector<16xi32>
      %add3A_33 = arith.addi %mul3A_32, %iota3A : vector<16xi32>
      tpu.vector_store_idx %arg24[%add3A_33], %exp3A {add = true} : memref<512xf32, #tpu.memory_space<vmem>>[vector<16xi32>], vector<16xf32>,
      %get3A_34 = arith.constant 16 : index
      %get3A_35 = tpu.vector_load %arg17[%get3A_34] {strides = array<i32>} : memref<128xi32, #tpu.memory_space<vmem>>, vector<16xi32>,
      %gather3A_36 = tpu.vector_load_idx %arg14[%get3A_35] : memref<10000xf32, #tpu.memory_space<vmem>>[vector<16xi32>], vector<16xf32>,
      %get3A_37 = arith.constant 16 : index
      %get3A_38 = tpu.vector_load %arg18[%get3A_37] {strides = array<i32>} : memref<128xi32, #tpu.memory_space<vmem>>, vector<16xi32>,
      %gather3A_39 = tpu.vector_load_idx %arg15[%get3A_38] : memref<10000xf32, #tpu.memory_space<vmem>>[vector<16xi32>], vector<16xf32>,
      %add3A_40 = arith.addf %gather3A_36, %gather3A_39 : vector<16xf32>
      %get3A_41 = arith.constant 16 : index
      %get3A_42 = tpu.vector_load %arg19[%get3A_41] {strides = array<i32>} : memref<128xf32, #tpu.memory_space<vmem>>, vector<16xf32>,
      %add3A_43 = arith.addf %add3A_40, %get3A_42 : vector<16xf32>
      %ge3A_44 = arith.constant 0.000000e+00 : f32
      %ge3A_45 = vector.broadcast %ge3A_44 : f32 to vector<16xf32>
      %ge3A_46 = arith.cmpf oge, %add3A_43, %ge3A_45 : vector<16xf32>
      %mul3A_47 = arith.constant 2.000000e-01 : f32
      %mul3A_48 = vector.broadcast %mul3A_47 : f32 to vector<16xf32>
      %mul3A_49 = arith.mulf %add3A_43, %mul3A_48 : vector<16xf32>
      %select_n3A_50 = arith.select %ge3A_46, %add3A_43, %mul3A_49 : vector<16xi1>, vector<16xf32>
      %sub3A_51 = arith.subf %select_n3A_50, %get3A_1 : vector<16xf32>
      %exp3A_52 = math.exp %sub3A_51 : vector<16xf32>
      %swap3A_53 = arith.constant 16 : index
      %swap3A_54 = tpu.vector_load %arg20[%swap3A_53] {strides = array<i32>} : memref<128xf32, #tpu.memory_space<vmem>>, vector<16xf32>,
      tpu.vector_store %arg20[%swap3A_53], %exp3A_52 {strides = array<i32>} : memref<128xf32, #tpu.memory_space<vmem>>, vector<16xf32>,
      %get3A_55 = arith.constant 16 : index
      %get3A_56 = tpu.vector_load %arg21[%get3A_55] {strides = array<i32>} : memref<128xi32, #tpu.memory_space<vmem>>, vector<16xi32>,
      %mul3A_57 = arith.constant 16 : i32
      %mul3A_58 = vector.broadcast %mul3A_57 : i32 to vector<16xi32>
      %mul3A_59 = arith.muli %get3A_56, %mul3A_58 : vector<16xi32>
      %add3A_60 = arith.addi %mul3A_59, %iota3A : vector<16xi32>
      tpu.vector_store_idx %arg24[%add3A_60], %exp3A_52 {add = true} : memref<512xf32, #tpu.memory_space<vmem>>[vector<16xi32>], vector<16xf32>,
      %get3A_61 = arith.constant 32 : index
      %get3A_62 = tpu.vector_load %arg17[%get3A_61] {strides = array<i32>} : memref<128xi32, #tpu.memory_space<vmem>>, vector<16xi32>,
      %gather3A_63 = tpu.vector_load_idx %arg14[%get3A_62] : memref<10000xf32, #tpu.memory_space<vmem>>[vector<16xi32>], vector<16xf32>,
      %get3A_64 = arith.constant 32 : index
      %get3A_65 = tpu.vector_load %arg18[%get3A_64] {strides = array<i32>} : memref<128xi32, #tpu.memory_space<vmem>>, vector<16xi32>,
      %gather3A_66 = tpu.vector_load_idx %arg15[%get3A_65] : memref<10000xf32, #tpu.memory_space<vmem>>[vector<16xi32>], vector<16xf32>,
      %add3A_67 = arith.addf %gather3A_63, %gather3A_66 : vector<16xf32>
      %get3A_68 = arith.constant 32 : index
      %get3A_69 = tpu.vector_load %arg19[%get3A_68] {strides = array<i32>} : memref<128xf32, #tpu.memory_space<vmem>>, vector<16xf32>,
      %add3A_70 = arith.addf %add3A_67, %get3A_69 : vector<16xf32>
      %ge3A_71 = arith.constant 0.000000e+00 : f32
      %ge3A_72 = vector.broadcast %ge3A_71 : f32 to vector<16xf32>
      %ge3A_73 = arith.cmpf oge, %add3A_70, %ge3A_72 : vector<16xf32>
      %mul3A_74 = arith.constant 2.000000e-01 : f32
      %mul3A_75 = vector.broadcast %mul3A_74 : f32 to vector<16xf32>
      %mul3A_76 = arith.mulf %add3A_70, %mul3A_75 : vector<16xf32>
      %select_n3A_77 = arith.select %ge3A_73, %add3A_70, %mul3A_76 : vector<16xi1>, vector<16xf32>
      %sub3A_78 = arith.subf %select_n3A_77, %get3A_1 : vector<16xf32>
      %exp3A_79 = math.exp %sub3A_78 : vector<16xf32>
      %swap3A_80 = arith.constant 32 : index
      %swap3A_81 = tpu.vector_load %arg20[%swap3A_80] {strides = array<i32>} : memref<128xf32, #tpu.memory_space<vmem>>, vector<16xf32>,
      tpu.vector_store %arg20[%swap3A_80], %exp3A_79 {strides = array<i32>} : memref<128xf32, #tpu.memory_space<vmem>>, vector<16xf32>,
      %get3A_82 = arith.constant 32 : index
      %get3A_83 = tpu.vector_load %arg21[%get3A_82] {strides = array<i32>} : memref<128xi32, #tpu.memory_space<vmem>>, vector<16xi32>,
      %mul3A_84 = arith.constant 16 : i32
      %mul3A_85 = vector.broadcast %mul3A_84 : i32 to vector<16xi32>
      %mul3A_86 = arith.muli %get3A_83, %mul3A_85 : vector<16xi32>
      %add3A_87 = arith.addi %mul3A_86, %iota3A : vector<16xi32>
      tpu.vector_store_idx %arg24[%add3A_87], %exp3A_79 {add = true} : memref<512xf32, #tpu.memory_space<vmem>>[vector<16xi32>], vector<16xf32>,
      %get3A_88 = arith.constant 48 : index
      %get3A_89 = tpu.vector_load %arg17[%get3A_88] {strides = array<i32>} : memref<128xi32, #tpu.memory_space<vmem>>, vector<16xi32>,
      %gather3A_90 = tpu.vector_load_idx %arg14[%get3A_89] : memref<10000xf32, #tpu.memory_space<vmem>>[vector<16xi32>], vector<16xf32>,
      %get3A_91 = arith.constant 48 : index
      %get3A_92 = tpu.vector_load %arg18[%get3A_91] {strides = array<i32>} : memref<128xi32, #tpu.memory_space<vmem>>, vector<16xi32>,
      %gather3A_93 = tpu.vector_load_idx %arg15[%get3A_92] : memref<10000xf32, #tpu.memory_space<vmem>>[vector<16xi32>], vector<16xf32>,
      %add3A_94 = arith.addf %gather3A_90, %gather3A_93 : vector<16xf32>
      %get3A_95 = arith.constant 48 : index
      %get3A_96 = tpu.vector_load %arg19[%get3A_95] {strides = array<i32>} : memref<128xf32, #tpu.memory_space<vmem>>, vector<16xf32>,
      %add3A_97 = arith.addf %add3A_94, %get3A_96 : vector<16xf32>
      %ge3A_98 = arith.constant 0.000000e+00 : f32
      %ge3A_99 = vector.broadcast %ge3A_98 : f32 to vector<16xf32>
      %ge3A_100 = arith.cmpf oge, %add3A_97, %ge3A_99 : vector<16xf32>
      %mul3A_101 = arith.constant 2.000000e-01 : f32
      %mul3A_102 = vector.broadcast %mul3A_101 : f32 to vector<16xf32>
      %mul3A_103 = arith.mulf %add3A_97, %mul3A_102 : vector<16xf32>
      %select_n3A_104 = arith.select %ge3A_100, %add3A_97, %mul3A_103 : vector<16xi1>, vector<16xf32>
      %sub3A_105 = arith.subf %select_n3A_104, %get3A_1 : vector<16xf32>
      %exp3A_106 = math.exp %sub3A_105 : vector<16xf32>
      %swap3A_107 = arith.constant 48 : index
      %swap3A_108 = tpu.vector_load %arg20[%swap3A_107] {strides = array<i32>} : memref<128xf32, #tpu.memory_space<vmem>>, vector<16xf32>,
      tpu.vector_store %arg20[%swap3A_107], %exp3A_106 {strides = array<i32>} : memref<128xf32, #tpu.memory_space<vmem>>, vector<16xf32>,
      %get3A_109 = arith.constant 48 : index
      %get3A_110 = tpu.vector_load %arg21[%get3A_109] {strides = array<i32>} : memref<128xi32, #tpu.memory_space<vmem>>, vector<16xi32>,
      %mul3A_111 = arith.constant 16 : i32
      %mul3A_112 = vector.broadcast %mul3A_111 : i32 to vector<16xi32>
      %mul3A_113 = arith.muli %get3A_110, %mul3A_112 : vector<16xi32>
      %add3A_114 = arith.addi %mul3A_113, %iota3A : vector<16xi32>
      tpu.vector_store_idx %arg24[%add3A_114], %exp3A_106 {add = true} : memref<512xf32, #tpu.memory_space<vmem>>[vector<16xi32>], vector<16xf32>,
      %get3A_115 = arith.constant 64 : index
      %get3A_116 = tpu.vector_load %arg17[%get3A_115] {strides = array<i32>} : memref<128xi32, #tpu.memory_space<vmem>>, vector<16xi32>,
      %gather3A_117 = tpu.vector_load_idx %arg14[%get3A_116] : memref<10000xf32, #tpu.memory_space<vmem>>[vector<16xi32>], vector<16xf32>,
      %get3A_118 = arith.constant 64 : index
      %get3A_119 = tpu.vector_load %arg18[%get3A_118] {strides = array<i32>} : memref<128xi32, #tpu.memory_space<vmem>>, vector<16xi32>,
      %gather3A_120 = tpu.vector_load_idx %arg15[%get3A_119] : memref<10000xf32, #tpu.memory_space<vmem>>[vector<16xi32>], vector<16xf32>,
      %add3A_121 = arith.addf %gather3A_117, %gather3A_120 : vector<16xf32>
      %get3A_122 = arith.constant 64 : index
      %get3A_123 = tpu.vector_load %arg19[%get3A_122] {strides = array<i32>} : memref<128xf32, #tpu.memory_space<vmem>>, vector<16xf32>,
      %add3A_124 = arith.addf %add3A_121, %get3A_123 : vector<16xf32>
      %ge3A_125 = arith.constant 0.000000e+00 : f32
      %ge3A_126 = vector.broadcast %ge3A_125 : f32 to vector<16xf32>
      %ge3A_127 = arith.cmpf oge, %add3A_124, %ge3A_126 : vector<16xf32>
      %mul3A_128 = arith.constant 2.000000e-01 : f32
      %mul3A_129 = vector.broadcast %mul3A_128 : f32 to vector<16xf32>
      %mul3A_130 = arith.mulf %add3A_124, %mul3A_129 : vector<16xf32>
      %select_n3A_131 = arith.select %ge3A_127, %add3A_124, %mul3A_130 : vector<16xi1>, vector<16xf32>
      %sub3A_132 = arith.subf %select_n3A_131, %get3A_1 : vector<16xf32>
      %exp3A_133 = math.exp %sub3A_132 : vector<16xf32>
      %swap3A_134 = arith.constant 64 : index
      %swap3A_135 = tpu.vector_load %arg20[%swap3A_134] {strides = array<i32>} : memref<128xf32, #tpu.memory_space<vmem>>, vector<16xf32>,
      tpu.vector_store %arg20[%swap3A_134], %exp3A_133 {strides = array<i32>} : memref<128xf32, #tpu.memory_space<vmem>>, vector<16xf32>,
      %get3A_136 = arith.constant 64 : index
      %get3A_137 = tpu.vector_load %arg21[%get3A_136] {strides = array<i32>} : memref<128xi32, #tpu.memory_space<vmem>>, vector<16xi32>,
      %mul3A_138 = arith.constant 16 : i32
      %mul3A_139 = vector.broadcast %mul3A_138 : i32 to vector<16xi32>
      %mul3A_140 = arith.muli %get3A_137, %mul3A_139 : vector<16xi32>
      %add3A_141 = arith.addi %mul3A_140, %iota3A : vector<16xi32>
      tpu.vector_store_idx %arg24[%add3A_141], %exp3A_133 {add = true} : memref<512xf32, #tpu.memory_space<vmem>>[vector<16xi32>], vector<16xf32>,
      %get3A_142 = arith.constant 80 : index
      %get3A_143 = tpu.vector_load %arg17[%get3A_142] {strides = array<i32>} : memref<128xi32, #tpu.memory_space<vmem>>, vector<16xi32>,
      %gather3A_144 = tpu.vector_load_idx %arg14[%get3A_143] : memref<10000xf32, #tpu.memory_space<vmem>>[vector<16xi32>], vector<16xf32>,
      %get3A_145 = arith.constant 80 : index
      %get3A_146 = tpu.vector_load %arg18[%get3A_145] {strides = array<i32>} : memref<128xi32, #tpu.memory_space<vmem>>, vector<16xi32>,
      %gather3A_147 = tpu.vector_load_idx %arg15[%get3A_146] : memref<10000xf32, #tpu.memory_space<vmem>>[vector<16xi32>], vector<16xf32>,
      %add3A_148 = arith.addf %gather3A_144, %gather3A_147 : vector<16xf32>
      %get3A_149 = arith.constant 80 : index
      %get3A_150 = tpu.vector_load %arg19[%get3A_149] {strides = array<i32>} : memref<128xf32, #tpu.memory_space<vmem>>, vector<16xf32>,
      %add3A_151 = arith.addf %add3A_148, %get3A_150 : vector<16xf32>
      %ge3A_152 = arith.constant 0.000000e+00 : f32
      %ge3A_153 = vector.broadcast %ge3A_152 : f32 to vector<16xf32>
      %ge3A_154 = arith.cmpf oge, %add3A_151, %ge3A_153 : vector<16xf32>
      %mul3A_155 = arith.constant 2.000000e-01 : f32
      %mul3A_156 = vector.broadcast %mul3A_155 : f32 to vector<16xf32>
      %mul3A_157 = arith.mulf %add3A_151, %mul3A_156 : vector<16xf32>
      %select_n3A_158 = arith.select %ge3A_154, %add3A_151, %mul3A_157 : vector<16xi1>, vector<16xf32>
      %sub3A_159 = arith.subf %select_n3A_158, %get3A_1 : vector<16xf32>
      %exp3A_160 = math.exp %sub3A_159 : vector<16xf32>
      %swap3A_161 = arith.constant 80 : index
      %swap3A_162 = tpu.vector_load %arg20[%swap3A_161] {strides = array<i32>} : memref<128xf32, #tpu.memory_space<vmem>>, vector<16xf32>,
      tpu.vector_store %arg20[%swap3A_161], %exp3A_160 {strides = array<i32>} : memref<128xf32, #tpu.memory_space<vmem>>, vector<16xf32>,
      %get3A_163 = arith.constant 80 : index
      %get3A_164 = tpu.vector_load %arg21[%get3A_163] {strides = array<i32>} : memref<128xi32, #tpu.memory_space<vmem>>, vector<16xi32>,
      %mul3A_165 = arith.constant 16 : i32
      %mul3A_166 = vector.broadcast %mul3A_165 : i32 to vector<16xi32>
      %mul3A_167 = arith.muli %get3A_164, %mul3A_166 : vector<16xi32>
      %add3A_168 = arith.addi %mul3A_167, %iota3A : vector<16xi32>
      tpu.vector_store_idx %arg24[%add3A_168], %exp3A_160 {add = true} : memref<512xf32, #tpu.memory_space<vmem>>[vector<16xi32>], vector<16xf32>,
      %get3A_169 = arith.constant 96 : index
      %get3A_170 = tpu.vector_load %arg17[%get3A_169] {strides = array<i32>} : memref<128xi32, #tpu.memory_space<vmem>>, vector<16xi32>,
      %gather3A_171 = tpu.vector_load_idx %arg14[%get3A_170] : memref<10000xf32, #tpu.memory_space<vmem>>[vector<16xi32>], vector<16xf32>,
      %get3A_172 = arith.constant 96 : index
      %get3A_173 = tpu.vector_load %arg18[%get3A_172] {strides = array<i32>} : memref<128xi32, #tpu.memory_space<vmem>>, vector<16xi32>,
      %gather3A_174 = tpu.vector_load_idx %arg15[%get3A_173] : memref<10000xf32, #tpu.memory_space<vmem>>[vector<16xi32>], vector<16xf32>,
      %add3A_175 = arith.addf %gather3A_171, %gather3A_174 : vector<16xf32>
      %get3A_176 = arith.constant 96 : index
      %get3A_177 = tpu.vector_load %arg19[%get3A_176] {strides = array<i32>} : memref<128xf32, #tpu.memory_space<vmem>>, vector<16xf32>,
      %add3A_178 = arith.addf %add3A_175, %get3A_177 : vector<16xf32>
      %ge3A_179 = arith.constant 0.000000e+00 : f32
      %ge3A_180 = vector.broadcast %ge3A_179 : f32 to vector<16xf32>
      %ge3A_181 = arith.cmpf oge, %add3A_178, %ge3A_180 : vector<16xf32>
      %mul3A_182 = arith.constant 2.000000e-01 : f32
      %mul3A_183 = vector.broadcast %mul3A_182 : f32 to vector<16xf32>
      %mul3A_184 = arith.mulf %add3A_178, %mul3A_183 : vector<16xf32>
      %select_n3A_185 = arith.select %ge3A_181, %add3A_178, %mul3A_184 : vector<16xi1>, vector<16xf32>
      %sub3A_186 = arith.subf %select_n3A_185, %get3A_1 : vector<16xf32>
      %exp3A_187 = math.exp %sub3A_186 : vector<16xf32>
      %swap3A_188 = arith.constant 96 : index
      %swap3A_189 = tpu.vector_load %arg20[%swap3A_188] {strides = array<i32>} : memref<128xf32, #tpu.memory_space<vmem>>, vector<16xf32>,
      tpu.vector_store %arg20[%swap3A_188], %exp3A_187 {strides = array<i32>} : memref<128xf32, #tpu.memory_space<vmem>>, vector<16xf32>,
      %get3A_190 = arith.constant 96 : index
      %get3A_191 = tpu.vector_load %arg21[%get3A_190] {strides = array<i32>} : memref<128xi32, #tpu.memory_space<vmem>>, vector<16xi32>,
      %mul3A_192 = arith.constant 16 : i32
      %mul3A_193 = vector.broadcast %mul3A_192 : i32 to vector<16xi32>
      %mul3A_194 = arith.muli %get3A_191, %mul3A_193 : vector<16xi32>
      %add3A_195 = arith.addi %mul3A_194, %iota3A : vector<16xi32>
      tpu.vector_store_idx %arg24[%add3A_195], %exp3A_187 {add = true} : memref<512xf32, #tpu.memory_space<vmem>>[vector<16xi32>], vector<16xf32>,
      %get3A_196 = arith.constant 112 : index
      %get3A_197 = tpu.vector_load %arg17[%get3A_196] {strides = array<i32>} : memref<128xi32, #tpu.memory_space<vmem>>, vector<16xi32>,
      %gather3A_198 = tpu.vector_load_idx %arg14[%get3A_197] : memref<10000xf32, #tpu.memory_space<vmem>>[vector<16xi32>], vector<16xf32>,
      %get3A_199 = arith.constant 112 : index
      %get3A_200 = tpu.vector_load %arg18[%get3A_199] {strides = array<i32>} : memref<128xi32, #tpu.memory_space<vmem>>, vector<16xi32>,
      %gather3A_201 = tpu.vector_load_idx %arg15[%get3A_200] : memref<10000xf32, #tpu.memory_space<vmem>>[vector<16xi32>], vector<16xf32>,
      %add3A_202 = arith.addf %gather3A_198, %gather3A_201 : vector<16xf32>
      %get3A_203 = arith.constant 112 : index
      %get3A_204 = tpu.vector_load %arg19[%get3A_203] {strides = array<i32>} : memref<128xf32, #tpu.memory_space<vmem>>, vector<16xf32>,
      %add3A_205 = arith.addf %add3A_202, %get3A_204 : vector<16xf32>
      %ge3A_206 = arith.constant 0.000000e+00 : f32
      %ge3A_207 = vector.broadcast %ge3A_206 : f32 to vector<16xf32>
      %ge3A_208 = arith.cmpf oge, %add3A_205, %ge3A_207 : vector<16xf32>
      %mul3A_209 = arith.constant 2.000000e-01 : f32
      %mul3A_210 = vector.broadcast %mul3A_209 : f32 to vector<16xf32>
      %mul3A_211 = arith.mulf %add3A_205, %mul3A_210 : vector<16xf32>
      %select_n3A_212 = arith.select %ge3A_208, %add3A_205, %mul3A_211 : vector<16xi1>, vector<16xf32>
      %sub3A_213 = arith.subf %select_n3A_212, %get3A_1 : vector<16xf32>
      %exp3A_214 = math.exp %sub3A_213 : vector<16xf32>
      %swap3A_215 = arith.constant 112 : index
      %swap3A_216 = tpu.vector_load %arg20[%swap3A_215] {strides = array<i32>} : memref<128xf32, #tpu.memory_space<vmem>>, vector<16xf32>,
      tpu.vector_store %arg20[%swap3A_215], %exp3A_214 {strides = array<i32>} : memref<128xf32, #tpu.memory_space<vmem>>, vector<16xf32>,
      %get3A_217 = arith.constant 112 : index
      %get3A_218 = tpu.vector_load %arg21[%get3A_217] {strides = array<i32>} : memref<128xi32, #tpu.memory_space<vmem>>, vector<16xi32>,
      %mul3A_219 = arith.constant 16 : i32
      %mul3A_220 = vector.broadcast %mul3A_219 : i32 to vector<16xi32>
      %mul3A_221 = arith.muli %get3A_218, %mul3A_220 : vector<16xi32>
      %add3A_222 = arith.addi %mul3A_221, %iota3A : vector<16xi32>
      tpu.vector_store_idx %arg24[%add3A_222], %exp3A_214 {add = true} : memref<512xf32, #tpu.memory_space<vmem>>[vector<16xi32>], vector<16xf32>,
      %dma_wait3A = arith.constant 0 : i32
      %dma_wait3A_223 = arith.constant 0 : i32
      %dma_wait3A_224 = tpu.memref_slice %arg9[%dma_wait3A, %dma_wait3A_223] : memref<10000x128xf32, #tpu.memory_space<hbm>> -> memref<10000x128xf32, #tpu.memory_space<hbm>>
      tpu.wait_indirect_dma semaphore(%arg25 : memref<!tpu.dma_semaphore, #tpu.memory_space<semaphore_mem>>) src(%dma_wait3A_224 : memref<10000x128xf32, #tpu.memory_space<hbm>>) dst(%arg22 : memref<128x128xf32, #tpu.memory_space<vmem>>)
      %scan3A_225 = arith.constant 0 : i32
      %scan3A_226 = arith.constant 0 : i32
      %scan3A_227 = arith.constant 128 : i32
      %scan3A_228 = arith.addi %scan3A_226, %scan3A_227 : i32
      %scan3A_229 = arith.constant 1 : i32
      %scan3A_230 = scf.for %scan3A_232 = %scan3A_226 to %scan3A_228 step %scan3A_229 iter_args(%scan3A_233 = %scan3A_225) -> (i32)  : i32 {
        %broadcast_in_dim3A = vector.broadcast %scan3A_232 : i32 to vector<16xi32>
        %gather3A_234 = tpu.vector_load_idx %arg20[%broadcast_in_dim3A] : memref<128xf32, #tpu.memory_space<vmem>>[vector<16xi32>], vector<16xf32>,
        %gather3A_235 = tpu.vector_load_idx %arg21[%broadcast_in_dim3A] : memref<128xi32, #tpu.memory_space<vmem>>[vector<16xi32>], vector<16xi32>,
        %mul3A_236 = arith.constant 128 : i32
        %mul3A_237 = vector.broadcast %mul3A_236 : i32 to vector<16xi32>
        %mul3A_238 = arith.muli %gather3A_235, %mul3A_237 : vector<16xi32>
        %get3A_239 = arith.index_cast %scan3A_232 : i32 to index
        %get3A_240 = arith.constant 0 : index
        %get3A_241 = tpu.vector_load %arg22[%get3A_239, %get3A_240] {strides = array<i32>} : memref<128x128xf32, #tpu.memory_space<vmem>>, vector<16xf32>,
        %mul3A_242 = arith.mulf %get3A_241, %gather3A_234 : vector<16xf32>
        %add3A_243 = arith.constant 0 : i32
        %add3A_244 = vector.broadcast %add3A_243 : i32 to vector<16xi32>
        %add3A_245 = arith.addi %mul3A_238, %add3A_244 : vector<16xi32>
        %add3A_246 = arith.addi %add3A_245, %iota3A : vector<16xi32>
        tpu.vector_store_idx %arg23[%add3A_246], %mul3A_242 {add = true} : memref<4096xf32, #tpu.memory_space<vmem>>[vector<16xi32>], vector<16xf32>,
        %get3A_247 = arith.index_cast %scan3A_232 : i32 to index
        %get3A_248 = arith.constant 16 : index
        %get3A_249 = tpu.vector_load %arg22[%get3A_247, %get3A_248] {strides = array<i32>} : memref<128x128xf32, #tpu.memory_space<vmem>>, vector<16xf32>,
        %mul3A_250 = arith.mulf %get3A_249, %gather3A_234 : vector<16xf32>
        %add3A_251 = arith.constant 16 : i32
        %add3A_252 = vector.broadcast %add3A_251 : i32 to vector<16xi32>
        %add3A_253 = arith.addi %mul3A_238, %add3A_252 : vector<16xi32>
        %add3A_254 = arith.addi %add3A_253, %iota3A : vector<16xi32>
        tpu.vector_store_idx %arg23[%add3A_254], %mul3A_250 {add = true} : memref<4096xf32, #tpu.memory_space<vmem>>[vector<16xi32>], vector<16xf32>,
        %get3A_255 = arith.index_cast %scan3A_232 : i32 to index
        %get3A_256 = arith.constant 32 : index
        %get3A_257 = tpu.vector_load %arg22[%get3A_255, %get3A_256] {strides = array<i32>} : memref<128x128xf32, #tpu.memory_space<vmem>>, vector<16xf32>,
        %mul3A_258 = arith.mulf %get3A_257, %gather3A_234 : vector<16xf32>
        %add3A_259 = arith.constant 32 : i32
        %add3A_260 = vector.broadcast %add3A_259 : i32 to vector<16xi32>
        %add3A_261 = arith.addi %mul3A_238, %add3A_260 : vector<16xi32>
        %add3A_262 = arith.addi %add3A_261, %iota3A : vector<16xi32>
        tpu.vector_store_idx %arg23[%add3A_262], %mul3A_258 {add = true} : memref<4096xf32, #tpu.memory_space<vmem>>[vector<16xi32>], vector<16xf32>,
        %get3A_263 = arith.index_cast %scan3A_232 : i32 to index
        %get3A_264 = arith.constant 48 : index
        %get3A_265 = tpu.vector_load %arg22[%get3A_263, %get3A_264] {strides = array<i32>} : memref<128x128xf32, #tpu.memory_space<vmem>>, vector<16xf32>,
        %mul3A_266 = arith.mulf %get3A_265, %gather3A_234 : vector<16xf32>
        %add3A_267 = arith.constant 48 : i32
        %add3A_268 = vector.broadcast %add3A_267 : i32 to vector<16xi32>
        %add3A_269 = arith.addi %mul3A_238, %add3A_268 : vector<16xi32>
        %add3A_270 = arith.addi %add3A_269, %iota3A : vector<16xi32>
        tpu.vector_store_idx %arg23[%add3A_270], %mul3A_266 {add = true} : memref<4096xf32, #tpu.memory_space<vmem>>[vector<16xi32>], vector<16xf32>,
        %get3A_271 = arith.index_cast %scan3A_232 : i32 to index
        %get3A_272 = arith.constant 64 : index
        %get3A_273 = tpu.vector_load %arg22[%get3A_271, %get3A_272] {strides = array<i32>} : memref<128x128xf32, #tpu.memory_space<vmem>>, vector<16xf32>,
        %mul3A_274 = arith.mulf %get3A_273, %gather3A_234 : vector<16xf32>
        %add3A_275 = arith.constant 64 : i32
        %add3A_276 = vector.broadcast %add3A_275 : i32 to vector<16xi32>
        %add3A_277 = arith.addi %mul3A_238, %add3A_276 : vector<16xi32>
        %add3A_278 = arith.addi %add3A_277, %iota3A : vector<16xi32>
        tpu.vector_store_idx %arg23[%add3A_278], %mul3A_274 {add = true} : memref<4096xf32, #tpu.memory_space<vmem>>[vector<16xi32>], vector<16xf32>,
        %get3A_279 = arith.index_cast %scan3A_232 : i32 to index
        %get3A_280 = arith.constant 80 : index
        %get3A_281 = tpu.vector_load %arg22[%get3A_279, %get3A_280] {strides = array<i32>} : memref<128x128xf32, #tpu.memory_space<vmem>>, vector<16xf32>,
        %mul3A_282 = arith.mulf %get3A_281, %gather3A_234 : vector<16xf32>
        %add3A_283 = arith.constant 80 : i32
        %add3A_284 = vector.broadcast %add3A_283 : i32 to vector<16xi32>
        %add3A_285 = arith.addi %mul3A_238, %add3A_284 : vector<16xi32>
        %add3A_286 = arith.addi %add3A_285, %iota3A : vector<16xi32>
        tpu.vector_store_idx %arg23[%add3A_286], %mul3A_282 {add = true} : memref<4096xf32, #tpu.memory_space<vmem>>[vector<16xi32>], vector<16xf32>,
        %get3A_287 = arith.index_cast %scan3A_232 : i32 to index
        %get3A_288 = arith.constant 96 : index
        %get3A_289 = tpu.vector_load %arg22[%get3A_287, %get3A_288] {strides = array<i32>} : memref<128x128xf32, #tpu.memory_space<vmem>>, vector<16xf32>,
        %mul3A_290 = arith.mulf %get3A_289, %gather3A_234 : vector<16xf32>
        %add3A_291 = arith.constant 96 : i32
        %add3A_292 = vector.broadcast %add3A_291 : i32 to vector<16xi32>
        %add3A_293 = arith.addi %mul3A_238, %add3A_292 : vector<16xi32>
        %add3A_294 = arith.addi %add3A_293, %iota3A : vector<16xi32>
        tpu.vector_store_idx %arg23[%add3A_294], %mul3A_290 {add = true} : memref<4096xf32, #tpu.memory_space<vmem>>[vector<16xi32>], vector<16xf32>,
        %get3A_295 = arith.index_cast %scan3A_232 : i32 to index
        %get3A_296 = arith.constant 112 : index
        %get3A_297 = tpu.vector_load %arg22[%get3A_295, %get3A_296] {strides = array<i32>} : memref<128x128xf32, #tpu.memory_space<vmem>>, vector<16xf32>,
        %mul3A_298 = arith.mulf %get3A_297, %gather3A_234 : vector<16xf32>
        %add3A_299 = arith.constant 112 : i32
        %add3A_300 = vector.broadcast %add3A_299 : i32 to vector<16xi32>
        %add3A_301 = arith.addi %mul3A_238, %add3A_300 : vector<16xi32>
        %add3A_302 = arith.addi %add3A_301, %iota3A : vector<16xi32>
        tpu.vector_store_idx %arg23[%add3A_302], %mul3A_298 {add = true} : memref<4096xf32, #tpu.memory_space<vmem>>[vector<16xi32>], vector<16xf32>,
        %scan3A_303 = arith.constant 0 : i32
        scf.yield %scan3A_303 : i32
      }
      %scan3A_231 = arith.constant 128 : i32
    }
    %scan3A_6 = arith.constant 157 : i32
    %barrier3A = arith.constant 0 : index
    tpu.barrier barrier_id(%barrier3A)
    "tpu.region"() ({
      %run_scoped3A = tpu.sem_alloc : memref<!tpu.dma_semaphore, #tpu.memory_space<semaphore_mem>>
      %dma_start3A = arith.constant 0 : i32
      %dma_start3A_7 = tpu.memref_slice %arg12[%arg1, %dma_start3A] : memref<16x4096xf32, #tpu.memory_space<hbm>> -> memref<1x4096xf32, #tpu.memory_space<hbm>>
      %dma_start3A_8 = tpu.memref_squeeze %dma_start3A_7 : memref<1x4096xf32, #tpu.memory_space<hbm>> -> memref<4096xf32, #tpu.memory_space<hbm>>
      %dma_start3A_9 = arith.constant 0 : i32
      %dma_start3A_10 = tpu.memref_slice %arg12[%arg1, %dma_start3A_9] : memref<16x4096xf32, #tpu.memory_space<hbm>> -> memref<1x4096xf32, #tpu.memory_space<hbm>>
      %dma_start3A_11 = tpu.memref_squeeze %dma_start3A_10 : memref<1x4096xf32, #tpu.memory_space<hbm>> -> memref<4096xf32, #tpu.memory_space<hbm>>
      tpu.enqueue_dma source(%arg23 : memref<4096xf32, #tpu.memory_space<vmem>>) target(%dma_start3A_11 : memref<4096xf32, #tpu.memory_space<hbm>>) target_semaphore(%run_scoped3A : memref<!tpu.dma_semaphore, #tpu.memory_space<semaphore_mem>>)
      %dma_wait3A = arith.constant 0 : i32
      %dma_wait3A_12 = tpu.memref_slice %arg12[%arg1, %dma_wait3A] : memref<16x4096xf32, #tpu.memory_space<hbm>> -> memref<1x4096xf32, #tpu.memory_space<hbm>>
      %dma_wait3A_13 = tpu.memref_squeeze %dma_wait3A_12 : memref<1x4096xf32, #tpu.memory_space<hbm>> -> memref<4096xf32, #tpu.memory_space<hbm>>
      %dma_wait3A_14 = arith.constant 0 : i32
      %dma_wait3A_15 = tpu.memref_slice %arg12[%arg1, %dma_wait3A_14] : memref<16x4096xf32, #tpu.memory_space<hbm>> -> memref<1x4096xf32, #tpu.memory_space<hbm>>
      %dma_wait3A_16 = tpu.memref_squeeze %dma_wait3A_15 : memref<1x4096xf32, #tpu.memory_space<hbm>> -> memref<4096xf32, #tpu.memory_space<hbm>>
      tpu.wait_dma2 semaphore(%run_scoped3A : memref<!tpu.dma_semaphore, #tpu.memory_space<semaphore_mem>>) src(%arg23 : memref<4096xf32, #tpu.memory_space<vmem>>) dst(%dma_wait3A_16 : memref<4096xf32, #tpu.memory_space<hbm>>)
      tpu.yield
    }) : () -> ()
    "tpu.region"() ({
      %run_scoped3A = tpu.sem_alloc : memref<!tpu.dma_semaphore, #tpu.memory_space<semaphore_mem>>
      %dma_start3A = arith.constant 0 : i32
      %dma_start3A_7 = tpu.memref_slice %arg13[%arg1, %dma_start3A] : memref<16x512xf32, #tpu.memory_space<hbm>> -> memref<1x512xf32, #tpu.memory_space<hbm>>
      %dma_start3A_8 = tpu.memref_squeeze %dma_start3A_7 : memref<1x512xf32, #tpu.memory_space<hbm>> -> memref<512xf32, #tpu.memory_space<hbm>>
      %dma_start3A_9 = arith.constant 0 : i32
      %dma_start3A_10 = tpu.memref_slice %arg13[%arg1, %dma_start3A_9] : memref<16x512xf32, #tpu.memory_space<hbm>> -> memref<1x512xf32, #tpu.memory_space<hbm>>
      %dma_start3A_11 = tpu.memref_squeeze %dma_start3A_10 : memref<1x512xf32, #tpu.memory_space<hbm>> -> memref<512xf32, #tpu.memory_space<hbm>>
      tpu.enqueue_dma source(%arg24 : memref<512xf32, #tpu.memory_space<vmem>>) target(%dma_start3A_11 : memref<512xf32, #tpu.memory_space<hbm>>) target_semaphore(%run_scoped3A : memref<!tpu.dma_semaphore, #tpu.memory_space<semaphore_mem>>)
      %dma_wait3A = arith.constant 0 : i32
      %dma_wait3A_12 = tpu.memref_slice %arg13[%arg1, %dma_wait3A] : memref<16x512xf32, #tpu.memory_space<hbm>> -> memref<1x512xf32, #tpu.memory_space<hbm>>
      %dma_wait3A_13 = tpu.memref_squeeze %dma_wait3A_12 : memref<1x512xf32, #tpu.memory_space<hbm>> -> memref<512xf32, #tpu.memory_space<hbm>>
      %dma_wait3A_14 = arith.constant 0 : i32
      %dma_wait3A_15 = tpu.memref_slice %arg13[%arg1, %dma_wait3A_14] : memref<16x512xf32, #tpu.memory_space<hbm>> -> memref<1x512xf32, #tpu.memory_space<hbm>>
      %dma_wait3A_16 = tpu.memref_squeeze %dma_wait3A_15 : memref<1x512xf32, #tpu.memory_space<hbm>> -> memref<512xf32, #tpu.memory_space<hbm>>
      tpu.wait_dma2 semaphore(%run_scoped3A : memref<!tpu.dma_semaphore, #tpu.memory_space<semaphore_mem>>) src(%arg24 : memref<512xf32, #tpu.memory_space<vmem>>) dst(%dma_wait3A_16 : memref<512xf32, #tpu.memory_space<hbm>>)
      tpu.yield
    }) : () -> ()
    return
  }
}

module attributes {stable_mosaic.version = 14 : i64} {
  func.func @body(%arg0: i32, %arg1: memref<400x128xf32, #tpu.memory_space<vmem>>, %arg2: memref<128x32xf32, #tpu.memory_space<vmem>>, %arg3: memref<128x32xf32, #tpu.memory_space<vmem>>, %arg4: memref<400x32xf32, #tpu.memory_space<vmem>>, %arg5: memref<400x32xf32, #tpu.memory_space<vmem>>, %arg6: memref<1x128xf32, #tpu.memory_space<vmem>>, %arg7: memref<1x32xf32, #tpu.memory_space<vmem>>, %arg8: memref<1x32xf32, #tpu.memory_space<vmem>>) attributes {dimension_semantics = [#tpu.dimension_semantics<arbitrary>], iteration_bounds = array<i64: 25>, scalar_prefetch = 0 : i64, scratch_operands = 0 : i64, tpu.core_type = #tpu.core_type<tc>, window_params = [{transform_indices = @transform_0, window_bounds = array<i64: 400, 128>}, {pipeline_mode = #tpu.pipeline_mode<synchronous>, transform_indices = @transform_1, window_bounds = array<i64: 128, 32>}, {pipeline_mode = #tpu.pipeline_mode<synchronous>, transform_indices = @transform_2, window_bounds = array<i64: 128, 32>}, {transform_indices = @transform_3, window_bounds = array<i64: 400, 32>}, {transform_indices = @transform_4, window_bounds = array<i64: 400, 32>}, {pipeline_mode = #tpu.pipeline_mode<synchronous>, transform_indices = @transform_5, window_bounds = array<i64: 1, 128>}, {pipeline_mode = #tpu.pipeline_mode<synchronous>, transform_indices = @transform_6, window_bounds = array<i64: 1, 32>}, {pipeline_mode = #tpu.pipeline_mode<synchronous>, transform_indices = @transform_7, window_bounds = array<i64: 1, 32>}]} {
    %get3A = arith.constant 0 : index
    %get3A_0 = arith.constant 0 : index
    %get3A_1 = vector.load %arg1[%get3A, %get3A_0] : memref<400x128xf32, #tpu.memory_space<vmem>>, vector<400x128xf32>
    %get3A_2 = arith.constant 0 : index
    %get3A_3 = arith.constant 0 : index
    %get3A_4 = vector.load %arg2[%get3A_2, %get3A_3] : memref<128x32xf32, #tpu.memory_space<vmem>>, vector<128x32xf32>
    %dot_general3A = arith.constant dense<0.000000e+00> : vector<400x32xf32>
    %dot_general3A_5 = tpu.matmul %get3A_1, %get3A_4, %dot_general3A {dimension_numbers = #tpu.dot_dimension_numbers<[1], [0], [0], [1], [0, 0, 1, 1], [], []>, transpose_lhs_hint = false} : vector<400x128xf32>, vector<128x32xf32>, vector<400x32xf32> -> vector<400x32xf32>
    %get3A_6 = arith.constant 0 : index
    %get3A_7 = arith.constant 0 : index
    %get3A_8 = vector.load %arg3[%get3A_6, %get3A_7] : memref<128x32xf32, #tpu.memory_space<vmem>>, vector<128x32xf32>
    %dot_general3A_9 = arith.constant dense<0.000000e+00> : vector<400x32xf32>
    %dot_general3A_10 = tpu.matmul %get3A_1, %get3A_8, %dot_general3A_9 {dimension_numbers = #tpu.dot_dimension_numbers<[1], [0], [0], [1], [0, 0, 1, 1], [], []>, transpose_lhs_hint = false} : vector<400x128xf32>, vector<128x32xf32>, vector<400x32xf32> -> vector<400x32xf32>
    %swap3A = arith.constant 0 : index
    %swap3A_11 = arith.constant 0 : index
    %swap3A_12 = vector.load %arg4[%swap3A, %swap3A_11] : memref<400x32xf32, #tpu.memory_space<vmem>>, vector<400x32xf32>
    tpu.vector_store %arg4[%swap3A, %swap3A_11], %dot_general3A_5 {strides = array<i32>} : memref<400x32xf32, #tpu.memory_space<vmem>>, vector<400x32xf32>,
    %swap3A_13 = arith.constant 0 : index
    %swap3A_14 = arith.constant 0 : index
    %swap3A_15 = vector.load %arg5[%swap3A_13, %swap3A_14] : memref<400x32xf32, #tpu.memory_space<vmem>>, vector<400x32xf32>
    tpu.vector_store %arg5[%swap3A_13, %swap3A_14], %dot_general3A_10 {strides = array<i32>} : memref<400x32xf32, #tpu.memory_space<vmem>>, vector<400x32xf32>,
    %eq3A = arith.constant 0 : i32
    %eq3A_16 = arith.cmpi eq, %arg0, %eq3A : i32
    %convert_element_type3A = arith.extui %eq3A_16 : i1 to i32
    %cond3A = arith.constant 0 : i32
    %cond3A_17 = arith.cmpi ne, %convert_element_type3A, %cond3A : i32
    scf.if %cond3A_17 {
      %broadcast_in_dim3A_43 = arith.constant 0.000000e+00 : f32
      %broadcast_in_dim3A_44 = vector.broadcast %broadcast_in_dim3A_43 : f32 to vector<1x128xf32>
      %swap3A_45 = arith.constant 0 : index
      %swap3A_46 = arith.constant 0 : index
      %swap3A_47 = vector.load %arg6[%swap3A_45, %swap3A_46] : memref<1x128xf32, #tpu.memory_space<vmem>>, vector<1x128xf32>
      tpu.vector_store %arg6[%swap3A_45, %swap3A_46], %broadcast_in_dim3A_44 {strides = array<i32>} : memref<1x128xf32, #tpu.memory_space<vmem>>, vector<1x128xf32>,
      %broadcast_in_dim3A_48 = arith.constant -1.000000e+30 : f32
      %broadcast_in_dim3A_49 = vector.broadcast %broadcast_in_dim3A_48 : f32 to vector<1x32xf32>
      %swap3A_50 = arith.constant 0 : index
      %swap3A_51 = arith.constant 0 : index
      %swap3A_52 = vector.load %arg7[%swap3A_50, %swap3A_51] : memref<1x32xf32, #tpu.memory_space<vmem>>, vector<1x32xf32>
      tpu.vector_store %arg7[%swap3A_50, %swap3A_51], %broadcast_in_dim3A_49 {strides = array<i32>} : memref<1x32xf32, #tpu.memory_space<vmem>>, vector<1x32xf32>,
      %broadcast_in_dim3A_53 = arith.constant -1.000000e+30 : f32
      %broadcast_in_dim3A_54 = vector.broadcast %broadcast_in_dim3A_53 : f32 to vector<1x32xf32>
      %swap3A_55 = arith.constant 0 : index
      %swap3A_56 = arith.constant 0 : index
      %swap3A_57 = vector.load %arg8[%swap3A_55, %swap3A_56] : memref<1x32xf32, #tpu.memory_space<vmem>>, vector<1x32xf32>
      tpu.vector_store %arg8[%swap3A_55, %swap3A_56], %broadcast_in_dim3A_54 {strides = array<i32>} : memref<1x32xf32, #tpu.memory_space<vmem>>, vector<1x32xf32>,
    } else {
    }
    %get3A_18 = arith.constant 0 : index
    %get3A_19 = arith.constant 0 : index
    %get3A_20 = vector.load %arg6[%get3A_18, %get3A_19] : memref<1x128xf32, #tpu.memory_space<vmem>>, vector<1x128xf32>
    %reduce_sum3A = arith.constant dense<0.000000e+00> : vector<128xf32>
    %reduce_sum3A_21 = vector.multi_reduction <add>, %get3A_1, %reduce_sum3A [0] : vector<400x128xf32> to vector<128xf32>
    %broadcast_in_dim3A = vector.shape_cast %reduce_sum3A_21 : vector<128xf32> to vector<1x128xf32>
    %add3A = arith.addf %get3A_20, %broadcast_in_dim3A : vector<1x128xf32>
    %swap3A_22 = arith.constant 0 : index
    %swap3A_23 = arith.constant 0 : index
    %swap3A_24 = vector.load %arg6[%swap3A_22, %swap3A_23] : memref<1x128xf32, #tpu.memory_space<vmem>>, vector<1x128xf32>
    tpu.vector_store %arg6[%swap3A_22, %swap3A_23], %add3A {strides = array<i32>} : memref<1x128xf32, #tpu.memory_space<vmem>>, vector<1x128xf32>,
    %get3A_25 = arith.constant 0 : index
    %get3A_26 = arith.constant 0 : index
    %get3A_27 = vector.load %arg7[%get3A_25, %get3A_26] : memref<1x32xf32, #tpu.memory_space<vmem>>, vector<1x32xf32>
    %reduce_max3A = arith.constant dense<0xFF800000> : vector<32xf32>
    %reduce_max3A_28 = vector.multi_reduction <maximumf>, %dot_general3A_5, %reduce_max3A [0] : vector<400x32xf32> to vector<32xf32>
    %broadcast_in_dim3A_29 = vector.shape_cast %reduce_max3A_28 : vector<32xf32> to vector<1x32xf32>
    %max3A = arith.maximumf %get3A_27, %broadcast_in_dim3A_29 : vector<1x32xf32>
    %swap3A_30 = arith.constant 0 : index
    %swap3A_31 = arith.constant 0 : index
    %swap3A_32 = vector.load %arg7[%swap3A_30, %swap3A_31] : memref<1x32xf32, #tpu.memory_space<vmem>>, vector<1x32xf32>
    tpu.vector_store %arg7[%swap3A_30, %swap3A_31], %max3A {strides = array<i32>} : memref<1x32xf32, #tpu.memory_space<vmem>>, vector<1x32xf32>,
    %get3A_33 = arith.constant 0 : index
    %get3A_34 = arith.constant 0 : index
    %get3A_35 = vector.load %arg8[%get3A_33, %get3A_34] : memref<1x32xf32, #tpu.memory_space<vmem>>, vector<1x32xf32>
    %reduce_max3A_36 = arith.constant dense<0xFF800000> : vector<32xf32>
    %reduce_max3A_37 = vector.multi_reduction <maximumf>, %dot_general3A_10, %reduce_max3A_36 [0] : vector<400x32xf32> to vector<32xf32>
    %broadcast_in_dim3A_38 = vector.shape_cast %reduce_max3A_37 : vector<32xf32> to vector<1x32xf32>
    %max3A_39 = arith.maximumf %get3A_35, %broadcast_in_dim3A_38 : vector<1x32xf32>
    %swap3A_40 = arith.constant 0 : index
    %swap3A_41 = arith.constant 0 : index
    %swap3A_42 = vector.load %arg8[%swap3A_40, %swap3A_41] : memref<1x32xf32, #tpu.memory_space<vmem>>, vector<1x32xf32>
    tpu.vector_store %arg8[%swap3A_40, %swap3A_41], %max3A_39 {strides = array<i32>} : memref<1x32xf32, #tpu.memory_space<vmem>>, vector<1x32xf32>,
    return
  }
  func.func @transform_0(%arg0: i32) -> (i32, i32) {
    %c0_i32 = arith.constant 0 : i32
    %c0_i32_0 = arith.constant 0 : i32
    return %arg0, %c0_i32 : i32, i32
  }
  func.func @transform_1(%arg0: i32) -> (i32, i32) {
    %c0_i32 = arith.constant 0 : i32
    %c0_i32_0 = arith.constant 0 : i32
    %c0_i32_1 = arith.constant 0 : i32
    return %c0_i32, %c0_i32_0 : i32, i32
  }
  func.func @transform_2(%arg0: i32) -> (i32, i32) {
    %c0_i32 = arith.constant 0 : i32
    %c0_i32_0 = arith.constant 0 : i32
    %c0_i32_1 = arith.constant 0 : i32
    return %c0_i32, %c0_i32_0 : i32, i32
  }
  func.func @transform_3(%arg0: i32) -> (i32, i32) {
    %c0_i32 = arith.constant 0 : i32
    %c0_i32_0 = arith.constant 0 : i32
    return %arg0, %c0_i32 : i32, i32
  }
  func.func @transform_4(%arg0: i32) -> (i32, i32) {
    %c0_i32 = arith.constant 0 : i32
    %c0_i32_0 = arith.constant 0 : i32
    return %arg0, %c0_i32 : i32, i32
  }
  func.func @transform_5(%arg0: i32) -> (i32, i32) {
    %c0_i32 = arith.constant 0 : i32
    %c0_i32_0 = arith.constant 0 : i32
    %c0_i32_1 = arith.constant 0 : i32
    return %c0_i32, %c0_i32_0 : i32, i32
  }
  func.func @transform_6(%arg0: i32) -> (i32, i32) {
    %c0_i32 = arith.constant 0 : i32
    %c0_i32_0 = arith.constant 0 : i32
    %c0_i32_1 = arith.constant 0 : i32
    return %c0_i32, %c0_i32_0 : i32, i32
  }
  func.func @transform_7(%arg0: i32) -> (i32, i32) {
    %c0_i32 = arith.constant 0 : i32
    %c0_i32_0 = arith.constant 0 : i32
    %c0_i32_1 = arith.constant 0 : i32
    return %c0_i32, %c0_i32_0 : i32, i32
  }
}

module attributes {stable_mosaic.version = 14 : i64} {
  func.func @body(%arg0: i32, %arg1: memref<400x128xf32, #tpu.memory_space<vmem>>, %arg2: memref<128x128xf32, #tpu.memory_space<vmem>>, %arg3: memref<128x128xf32, #tpu.memory_space<vmem>>, %arg4: memref<128x1xf32, #tpu.memory_space<vmem>>, %arg5: memref<128x1xf32, #tpu.memory_space<vmem>>, %arg6: memref<400x128xf32, #tpu.memory_space<vmem>>, %arg7: memref<400x1xf32, #tpu.memory_space<vmem>>, %arg8: memref<400x1xf32, #tpu.memory_space<vmem>>, %arg9: memref<1x1xf32, #tpu.memory_space<vmem>>, %arg10: memref<1x1xf32, #tpu.memory_space<vmem>>) attributes {dimension_semantics = [#tpu.dimension_semantics<arbitrary>], iteration_bounds = array<i64: 25>, scalar_prefetch = 0 : i64, scratch_operands = 0 : i64, tpu.core_type = #tpu.core_type<tc>, window_params = [{transform_indices = @transform_0, window_bounds = array<i64: 400, 128>}, {pipeline_mode = #tpu.pipeline_mode<synchronous>, transform_indices = @transform_1, window_bounds = array<i64: 128, 128>}, {pipeline_mode = #tpu.pipeline_mode<synchronous>, transform_indices = @transform_2, window_bounds = array<i64: 128, 128>}, {pipeline_mode = #tpu.pipeline_mode<synchronous>, transform_indices = @transform_3, window_bounds = array<i64: 128, 1>}, {pipeline_mode = #tpu.pipeline_mode<synchronous>, transform_indices = @transform_4, window_bounds = array<i64: 128, 1>}, {transform_indices = @transform_5, window_bounds = array<i64: 400, 128>}, {transform_indices = @transform_6, window_bounds = array<i64: 400, 1>}, {transform_indices = @transform_7, window_bounds = array<i64: 400, 1>}, {pipeline_mode = #tpu.pipeline_mode<synchronous>, transform_indices = @transform_8, window_bounds = array<i64: 1, 1>}, {pipeline_mode = #tpu.pipeline_mode<synchronous>, transform_indices = @transform_9, window_bounds = array<i64: 1, 1>}]} {
    %get3A = arith.constant 0 : index
    %get3A_0 = arith.constant 0 : index
    %get3A_1 = vector.load %arg1[%get3A, %get3A_0] : memref<400x128xf32, #tpu.memory_space<vmem>>, vector<400x128xf32>
    %get3A_2 = arith.constant 0 : index
    %get3A_3 = arith.constant 0 : index
    %get3A_4 = vector.load %arg2[%get3A_2, %get3A_3] : memref<128x128xf32, #tpu.memory_space<vmem>>, vector<128x128xf32>
    %dot_general3A = arith.constant dense<0.000000e+00> : vector<400x128xf32>
    %dot_general3A_5 = tpu.matmul %get3A_1, %get3A_4, %dot_general3A {dimension_numbers = #tpu.dot_dimension_numbers<[1], [0], [0], [1], [0, 0, 1, 1], [], []>, transpose_lhs_hint = false} : vector<400x128xf32>, vector<128x128xf32>, vector<400x128xf32> -> vector<400x128xf32>
    %get3A_6 = arith.constant 0 : index
    %get3A_7 = arith.constant 0 : index
    %get3A_8 = vector.load %arg3[%get3A_6, %get3A_7] : memref<128x128xf32, #tpu.memory_space<vmem>>, vector<128x128xf32>
    %dot_general3A_9 = arith.constant dense<0.000000e+00> : vector<400x128xf32>
    %dot_general3A_10 = tpu.matmul %dot_general3A_5, %get3A_8, %dot_general3A_9 {dimension_numbers = #tpu.dot_dimension_numbers<[1], [0], [0], [1], [0, 0, 1, 1], [], []>, transpose_lhs_hint = false} : vector<400x128xf32>, vector<128x128xf32>, vector<400x128xf32> -> vector<400x128xf32>
    %swap3A = arith.constant 0 : index
    %swap3A_11 = arith.constant 0 : index
    %swap3A_12 = vector.load %arg6[%swap3A, %swap3A_11] : memref<400x128xf32, #tpu.memory_space<vmem>>, vector<400x128xf32>
    tpu.vector_store %arg6[%swap3A, %swap3A_11], %dot_general3A_10 {strides = array<i32>} : memref<400x128xf32, #tpu.memory_space<vmem>>, vector<400x128xf32>,
    %get3A_13 = arith.constant 0 : index
    %get3A_14 = arith.constant 0 : index
    %get3A_15 = vector.load %arg4[%get3A_13, %get3A_14] : memref<128x1xf32, #tpu.memory_space<vmem>>, vector<128x1xf32>
    %dot_general3A_16 = arith.constant dense<0.000000e+00> : vector<400x1xf32>
    %dot_general3A_17 = tpu.matmul %dot_general3A_10, %get3A_15, %dot_general3A_16 {dimension_numbers = #tpu.dot_dimension_numbers<[1], [0], [0], [1], [0, 0, 1, 1], [], []>, transpose_lhs_hint = false} : vector<400x128xf32>, vector<128x1xf32>, vector<400x1xf32> -> vector<400x1xf32>
    %get3A_18 = arith.constant 0 : index
    %get3A_19 = arith.constant 0 : index
    %get3A_20 = vector.load %arg5[%get3A_18, %get3A_19] : memref<128x1xf32, #tpu.memory_space<vmem>>, vector<128x1xf32>
    %dot_general3A_21 = arith.constant dense<0.000000e+00> : vector<400x1xf32>
    %dot_general3A_22 = tpu.matmul %dot_general3A_10, %get3A_20, %dot_general3A_21 {dimension_numbers = #tpu.dot_dimension_numbers<[1], [0], [0], [1], [0, 0, 1, 1], [], []>, transpose_lhs_hint = false} : vector<400x128xf32>, vector<128x1xf32>, vector<400x1xf32> -> vector<400x1xf32>
    %swap3A_23 = arith.constant 0 : index
    %swap3A_24 = arith.constant 0 : index
    %swap3A_25 = vector.load %arg7[%swap3A_23, %swap3A_24] : memref<400x1xf32, #tpu.memory_space<vmem>>, vector<400x1xf32>
    tpu.vector_store %arg7[%swap3A_23, %swap3A_24], %dot_general3A_17 {strides = array<i32>} : memref<400x1xf32, #tpu.memory_space<vmem>>, vector<400x1xf32>,
    %swap3A_26 = arith.constant 0 : index
    %swap3A_27 = arith.constant 0 : index
    %swap3A_28 = vector.load %arg8[%swap3A_26, %swap3A_27] : memref<400x1xf32, #tpu.memory_space<vmem>>, vector<400x1xf32>
    tpu.vector_store %arg8[%swap3A_26, %swap3A_27], %dot_general3A_22 {strides = array<i32>} : memref<400x1xf32, #tpu.memory_space<vmem>>, vector<400x1xf32>,
    %eq3A = arith.constant 0 : i32
    %eq3A_29 = arith.cmpi eq, %arg0, %eq3A : i32
    %convert_element_type3A = arith.extui %eq3A_29 : i1 to i32
    %cond3A = arith.constant 0 : i32
    %cond3A_30 = arith.cmpi ne, %convert_element_type3A, %cond3A : i32
    scf.if %cond3A_30 {
      %broadcast_in_dim3A = arith.constant -1.000000e+30 : f32
      %broadcast_in_dim3A_55 = vector.broadcast %broadcast_in_dim3A : f32 to vector<1x1xf32>
      %swap3A_56 = arith.constant 0 : index
      %swap3A_57 = arith.constant 0 : index
      %swap3A_58 = vector.load %arg9[%swap3A_56, %swap3A_57] : memref<1x1xf32, #tpu.memory_space<vmem>>, vector<1x1xf32>
      tpu.vector_store %arg9[%swap3A_56, %swap3A_57], %broadcast_in_dim3A_55 {strides = array<i32>} : memref<1x1xf32, #tpu.memory_space<vmem>>, vector<1x1xf32>,
      %broadcast_in_dim3A_59 = arith.constant -1.000000e+30 : f32
      %broadcast_in_dim3A_60 = vector.broadcast %broadcast_in_dim3A_59 : f32 to vector<1x1xf32>
      %swap3A_61 = arith.constant 0 : index
      %swap3A_62 = arith.constant 0 : index
      %swap3A_63 = vector.load %arg10[%swap3A_61, %swap3A_62] : memref<1x1xf32, #tpu.memory_space<vmem>>, vector<1x1xf32>
      tpu.vector_store %arg10[%swap3A_61, %swap3A_62], %broadcast_in_dim3A_60 {strides = array<i32>} : memref<1x1xf32, #tpu.memory_space<vmem>>, vector<1x1xf32>,
    } else {
    }
    %get3A_31 = arith.constant 0 : index
    %get3A_32 = arith.constant 0 : index
    %get3A_33 = vector.load %arg9[%get3A_31, %get3A_32] : memref<1x1xf32, #tpu.memory_space<vmem>>, vector<1x1xf32>
    %reduce_max3A = vector.shape_cast %dot_general3A_17 : vector<400x1xf32> to vector<1x400x1xf32>
    %reduce_max3A_34 = arith.constant dense<0xFF800000> : vector<1xf32>
    %reduce_max3A_35 = vector.multi_reduction <maximumf>, %reduce_max3A, %reduce_max3A_34 [1, 2] : vector<1x400x1xf32> to vector<1xf32>
    %reduce_max3A_36 = vector.shape_cast %reduce_max3A_35 : vector<1xf32> to vector<1x1x1xf32>
    %reduce_max3A_37 = vector.extract %reduce_max3A_36[0, 0, 0] : f32 from vector<1x1x1xf32>
    %max3A = vector.broadcast %reduce_max3A_37 : f32 to vector<1x1xf32>
    %max3A_38 = arith.maximumf %get3A_33, %max3A : vector<1x1xf32>
    %swap3A_39 = arith.constant 0 : index
    %swap3A_40 = arith.constant 0 : index
    %swap3A_41 = vector.load %arg9[%swap3A_39, %swap3A_40] : memref<1x1xf32, #tpu.memory_space<vmem>>, vector<1x1xf32>
    tpu.vector_store %arg9[%swap3A_39, %swap3A_40], %max3A_38 {strides = array<i32>} : memref<1x1xf32, #tpu.memory_space<vmem>>, vector<1x1xf32>,
    %get3A_42 = arith.constant 0 : index
    %get3A_43 = arith.constant 0 : index
    %get3A_44 = vector.load %arg10[%get3A_42, %get3A_43] : memref<1x1xf32, #tpu.memory_space<vmem>>, vector<1x1xf32>
    %reduce_max3A_45 = vector.shape_cast %dot_general3A_22 : vector<400x1xf32> to vector<1x400x1xf32>
    %reduce_max3A_46 = arith.constant dense<0xFF800000> : vector<1xf32>
    %reduce_max3A_47 = vector.multi_reduction <maximumf>, %reduce_max3A_45, %reduce_max3A_46 [1, 2] : vector<1x400x1xf32> to vector<1xf32>
    %reduce_max3A_48 = vector.shape_cast %reduce_max3A_47 : vector<1xf32> to vector<1x1x1xf32>
    %reduce_max3A_49 = vector.extract %reduce_max3A_48[0, 0, 0] : f32 from vector<1x1x1xf32>
    %max3A_50 = vector.broadcast %reduce_max3A_49 : f32 to vector<1x1xf32>
    %max3A_51 = arith.maximumf %get3A_44, %max3A_50 : vector<1x1xf32>
    %swap3A_52 = arith.constant 0 : index
    %swap3A_53 = arith.constant 0 : index
    %swap3A_54 = vector.load %arg10[%swap3A_52, %swap3A_53] : memref<1x1xf32, #tpu.memory_space<vmem>>, vector<1x1xf32>
    tpu.vector_store %arg10[%swap3A_52, %swap3A_53], %max3A_51 {strides = array<i32>} : memref<1x1xf32, #tpu.memory_space<vmem>>, vector<1x1xf32>,
    return
  }
  func.func @transform_0(%arg0: i32) -> (i32, i32) {
    %c0_i32 = arith.constant 0 : i32
    %c0_i32_0 = arith.constant 0 : i32
    return %arg0, %c0_i32 : i32, i32
  }
  func.func @transform_1(%arg0: i32) -> (i32, i32) {
    %c0_i32 = arith.constant 0 : i32
    %c0_i32_0 = arith.constant 0 : i32
    %c0_i32_1 = arith.constant 0 : i32
    return %c0_i32, %c0_i32_0 : i32, i32
  }
  func.func @transform_2(%arg0: i32) -> (i32, i32) {
    %c0_i32 = arith.constant 0 : i32
    %c0_i32_0 = arith.constant 0 : i32
    %c0_i32_1 = arith.constant 0 : i32
    return %c0_i32, %c0_i32_0 : i32, i32
  }
  func.func @transform_3(%arg0: i32) -> (i32, i32) {
    %c0_i32 = arith.constant 0 : i32
    %c0_i32_0 = arith.constant 0 : i32
    %c0_i32_1 = arith.constant 0 : i32
    return %c0_i32, %c0_i32_0 : i32, i32
  }
  func.func @transform_4(%arg0: i32) -> (i32, i32) {
    %c0_i32 = arith.constant 0 : i32
    %c0_i32_0 = arith.constant 0 : i32
    %c0_i32_1 = arith.constant 0 : i32
    return %c0_i32, %c0_i32_0 : i32, i32
  }
  func.func @transform_5(%arg0: i32) -> (i32, i32) {
    %c0_i32 = arith.constant 0 : i32
    %c0_i32_0 = arith.constant 0 : i32
    return %arg0, %c0_i32 : i32, i32
  }
  func.func @transform_6(%arg0: i32) -> (i32, i32) {
    %c0_i32 = arith.constant 0 : i32
    %c0_i32_0 = arith.constant 0 : i32
    return %arg0, %c0_i32 : i32, i32
  }
  func.func @transform_7(%arg0: i32) -> (i32, i32) {
    %c0_i32 = arith.constant 0 : i32
    %c0_i32_0 = arith.constant 0 : i32
    return %arg0, %c0_i32 : i32, i32
  }
  func.func @transform_8(%arg0: i32) -> (i32, i32) {
    %c0_i32 = arith.constant 0 : i32
    %c0_i32_0 = arith.constant 0 : i32
    %c0_i32_1 = arith.constant 0 : i32
    return %c0_i32, %c0_i32_0 : i32, i32
  }
  func.func @transform_9(%arg0: i32) -> (i32, i32) {
    %c0_i32 = arith.constant 0 : i32
    %c0_i32_0 = arith.constant 0 : i32
    %c0_i32_1 = arith.constant 0 : i32
    return %c0_i32, %c0_i32_0 : i32, i32
  }
}

module attributes {stable_mosaic.version = 14 : i64} {
  func.func @body(%arg0: i32, %arg1: memref<400x128xf32, #tpu.memory_space<vmem>>, %arg2: memref<400x1xf32, #tpu.memory_space<vmem>>, %arg3: memref<400x128xf32, #tpu.memory_space<vmem>>, %arg4: memref<400x1xf32, #tpu.memory_space<vmem>>, %arg5: memref<400x1xf32, #tpu.memory_space<vmem>>, %arg6: memref<1x1xf32, #tpu.memory_space<vmem>>, %arg7: memref<1x1xf32, #tpu.memory_space<vmem>>, %arg8: memref<1x128xf32, #tpu.memory_space<vmem>>, %arg9: memref<128x128xf32, #tpu.memory_space<vmem>>, %arg10: memref<128x1xf32, #tpu.memory_space<vmem>>, %arg11: memref<128x1xf32, #tpu.memory_space<vmem>>, %arg12: memref<400x128xf32, #tpu.memory_space<vmem>>, %arg13: memref<400x1xf32, #tpu.memory_space<vmem>>, %arg14: memref<400x1xf32, #tpu.memory_space<vmem>>, %arg15: memref<1x1xf32, #tpu.memory_space<vmem>>, %arg16: memref<1x1xf32, #tpu.memory_space<vmem>>) attributes {dimension_semantics = [#tpu.dimension_semantics<arbitrary>], iteration_bounds = array<i64: 25>, scalar_prefetch = 0 : i64, scratch_operands = 0 : i64, tpu.core_type = #tpu.core_type<tc>, window_params = [{transform_indices = @transform_0, window_bounds = array<i64: 400, 128>}, {transform_indices = @transform_1, window_bounds = array<i64: 400, 1>}, {transform_indices = @transform_2, window_bounds = array<i64: 400, 128>}, {transform_indices = @transform_3, window_bounds = array<i64: 400, 1>}, {transform_indices = @transform_4, window_bounds = array<i64: 400, 1>}, {pipeline_mode = #tpu.pipeline_mode<synchronous>, transform_indices = @transform_5, window_bounds = array<i64: 1, 1>}, {pipeline_mode = #tpu.pipeline_mode<synchronous>, transform_indices = @transform_6, window_bounds = array<i64: 1, 1>}, {pipeline_mode = #tpu.pipeline_mode<synchronous>, transform_indices = @transform_7, window_bounds = array<i64: 1, 128>}, {pipeline_mode = #tpu.pipeline_mode<synchronous>, transform_indices = @transform_8, window_bounds = array<i64: 128, 128>}, {pipeline_mode = #tpu.pipeline_mode<synchronous>, transform_indices = @transform_9, window_bounds = array<i64: 128, 1>}, {pipeline_mode = #tpu.pipeline_mode<synchronous>, transform_indices = @transform_10, window_bounds = array<i64: 128, 1>}, {transform_indices = @transform_11, window_bounds = array<i64: 400, 128>}, {transform_indices = @transform_12, window_bounds = array<i64: 400, 1>}, {transform_indices = @transform_13, window_bounds = array<i64: 400, 1>}, {pipeline_mode = #tpu.pipeline_mode<synchronous>, transform_indices = @transform_14, window_bounds = array<i64: 1, 1>}, {pipeline_mode = #tpu.pipeline_mode<synchronous>, transform_indices = @transform_15, window_bounds = array<i64: 1, 1>}]} {
    %get3A = arith.constant 0 : index
    %get3A_0 = arith.constant 0 : index
    %get3A_1 = vector.load %arg4[%get3A, %get3A_0] : memref<400x1xf32, #tpu.memory_space<vmem>>, vector<400x1xf32>
    %get3A_2 = arith.constant 0 : index
    %get3A_3 = arith.constant 0 : index
    %get3A_4 = vector.load %arg5[%get3A_2, %get3A_3] : memref<400x1xf32, #tpu.memory_space<vmem>>, vector<400x1xf32>
    %add3A = arith.addf %get3A_1, %get3A_4 : vector<400x1xf32>
    %get3A_5 = arith.constant 0 : index
    %get3A_6 = arith.constant 0 : index
    %get3A_7 = vector.load %arg7[%get3A_5, %get3A_6] : memref<1x1xf32, #tpu.memory_space<vmem>>, vector<1x1xf32>
    %get3A_8 = vector.extract %get3A_7[0, 0] : f32 from vector<1x1xf32>
    %add3A_9 = vector.broadcast %get3A_8 : f32 to vector<400x1xf32>
    %add3A_10 = arith.addf %add3A, %add3A_9 : vector<400x1xf32>
    %ge3A = arith.constant 0.000000e+00 : f32
    %ge3A_11 = vector.broadcast %ge3A : f32 to vector<400x1xf32>
    %ge3A_12 = arith.cmpf oge, %add3A_10, %ge3A_11 : vector<400x1xf32>
    %mul3A = arith.constant 2.000000e-01 : f32
    %mul3A_13 = vector.broadcast %mul3A : f32 to vector<400x1xf32>
    %mul3A_14 = arith.mulf %add3A_10, %mul3A_13 : vector<400x1xf32>
    %select_n3A = arith.select %ge3A_12, %add3A_10, %mul3A_14 : vector<400x1xi1>, vector<400x1xf32>
    %get3A_15 = arith.constant 0 : index
    %get3A_16 = arith.constant 0 : index
    %get3A_17 = vector.load %arg6[%get3A_15, %get3A_16] : memref<1x1xf32, #tpu.memory_space<vmem>>, vector<1x1xf32>
    %get3A_18 = vector.extract %get3A_17[0, 0] : f32 from vector<1x1xf32>
    %sub3A = vector.broadcast %get3A_18 : f32 to vector<400x1xf32>
    %sub3A_19 = arith.subf %select_n3A, %sub3A : vector<400x1xf32>
    %exp3A = math.exp %sub3A_19 : vector<400x1xf32>
    %get3A_20 = arith.constant 0 : index
    %get3A_21 = arith.constant 0 : index
    %get3A_22 = vector.load %arg3[%get3A_20, %get3A_21] : memref<400x128xf32, #tpu.memory_space<vmem>>, vector<400x128xf32>
    %get3A_23 = arith.constant 0 : index
    %get3A_24 = arith.constant 0 : index
    %get3A_25 = vector.load %arg1[%get3A_23, %get3A_24] : memref<400x128xf32, #tpu.memory_space<vmem>>, vector<400x128xf32>
    %mul3A_26 = vector.broadcast %exp3A : vector<400x1xf32> to vector<400x128xf32>
    %mul3A_27 = arith.mulf %mul3A_26, %get3A_22 : vector<400x128xf32>
    %add3A_28 = arith.addf %get3A_25, %mul3A_27 : vector<400x128xf32>
    %get3A_29 = arith.constant 0 : index
    %get3A_30 = arith.constant 0 : index
    %get3A_31 = vector.load %arg2[%get3A_29, %get3A_30] : memref<400x1xf32, #tpu.memory_space<vmem>>, vector<400x1xf32>
    %add3A_32 = arith.addf %get3A_31, %exp3A : vector<400x1xf32>
    %add3A_33 = arith.constant 1.000000e-16 : f32
    %add3A_34 = vector.broadcast %add3A_33 : f32 to vector<400x1xf32>
    %add3A_35 = arith.addf %add3A_32, %add3A_34 : vector<400x1xf32>
    %div3A = vector.broadcast %add3A_35 : vector<400x1xf32> to vector<400x128xf32>
    %div3A_36 = arith.divf %add3A_28, %div3A : vector<400x128xf32>
    %get3A_37 = arith.constant 0 : index
    %get3A_38 = arith.constant 0 : index
    %get3A_39 = vector.load %arg8[%get3A_37, %get3A_38] : memref<1x128xf32, #tpu.memory_space<vmem>>, vector<1x128xf32>
    %add3A_40 = vector.broadcast %get3A_39 : vector<1x128xf32> to vector<400x128xf32>
    %add3A_41 = arith.addf %div3A_36, %add3A_40 : vector<400x128xf32>
    %max3A = arith.constant 0.000000e+00 : f32
    %max3A_42 = vector.broadcast %max3A : f32 to vector<400x128xf32>
    %max3A_43 = arith.maximumf %add3A_41, %max3A_42 : vector<400x128xf32>
    %get3A_44 = arith.constant 0 : index
    %get3A_45 = arith.constant 0 : index
    %get3A_46 = vector.load %arg9[%get3A_44, %get3A_45] : memref<128x128xf32, #tpu.memory_space<vmem>>, vector<128x128xf32>
    %dot_general3A = arith.constant dense<0.000000e+00> : vector<400x128xf32>
    %dot_general3A_47 = tpu.matmul %max3A_43, %get3A_46, %dot_general3A {dimension_numbers = #tpu.dot_dimension_numbers<[1], [0], [0], [1], [0, 0, 1, 1], [], []>, transpose_lhs_hint = false} : vector<400x128xf32>, vector<128x128xf32>, vector<400x128xf32> -> vector<400x128xf32>
    %swap3A = arith.constant 0 : index
    %swap3A_48 = arith.constant 0 : index
    %swap3A_49 = vector.load %arg12[%swap3A, %swap3A_48] : memref<400x128xf32, #tpu.memory_space<vmem>>, vector<400x128xf32>
    tpu.vector_store %arg12[%swap3A, %swap3A_48], %dot_general3A_47 {strides = array<i32>} : memref<400x128xf32, #tpu.memory_space<vmem>>, vector<400x128xf32>,
    %get3A_50 = arith.constant 0 : index
    %get3A_51 = arith.constant 0 : index
    %get3A_52 = vector.load %arg10[%get3A_50, %get3A_51] : memref<128x1xf32, #tpu.memory_space<vmem>>, vector<128x1xf32>
    %dot_general3A_53 = arith.constant dense<0.000000e+00> : vector<400x1xf32>
    %dot_general3A_54 = tpu.matmul %dot_general3A_47, %get3A_52, %dot_general3A_53 {dimension_numbers = #tpu.dot_dimension_numbers<[1], [0], [0], [1], [0, 0, 1, 1], [], []>, transpose_lhs_hint = false} : vector<400x128xf32>, vector<128x1xf32>, vector<400x1xf32> -> vector<400x1xf32>
    %get3A_55 = arith.constant 0 : index
    %get3A_56 = arith.constant 0 : index
    %get3A_57 = vector.load %arg11[%get3A_55, %get3A_56] : memref<128x1xf32, #tpu.memory_space<vmem>>, vector<128x1xf32>
    %dot_general3A_58 = arith.constant dense<0.000000e+00> : vector<400x1xf32>
    %dot_general3A_59 = tpu.matmul %dot_general3A_47, %get3A_57, %dot_general3A_58 {dimension_numbers = #tpu.dot_dimension_numbers<[1], [0], [0], [1], [0, 0, 1, 1], [], []>, transpose_lhs_hint = false} : vector<400x128xf32>, vector<128x1xf32>, vector<400x1xf32> -> vector<400x1xf32>
    %swap3A_60 = arith.constant 0 : index
    %swap3A_61 = arith.constant 0 : index
    %swap3A_62 = vector.load %arg13[%swap3A_60, %swap3A_61] : memref<400x1xf32, #tpu.memory_space<vmem>>, vector<400x1xf32>
    tpu.vector_store %arg13[%swap3A_60, %swap3A_61], %dot_general3A_54 {strides = array<i32>} : memref<400x1xf32, #tpu.memory_space<vmem>>, vector<400x1xf32>,
    %swap3A_63 = arith.constant 0 : index
    %swap3A_64 = arith.constant 0 : index
    %swap3A_65 = vector.load %arg14[%swap3A_63, %swap3A_64] : memref<400x1xf32, #tpu.memory_space<vmem>>, vector<400x1xf32>
    tpu.vector_store %arg14[%swap3A_63, %swap3A_64], %dot_general3A_59 {strides = array<i32>} : memref<400x1xf32, #tpu.memory_space<vmem>>, vector<400x1xf32>,
    %eq3A = arith.constant 0 : i32
    %eq3A_66 = arith.cmpi eq, %arg0, %eq3A : i32
    %convert_element_type3A = arith.extui %eq3A_66 : i1 to i32
    %cond3A = arith.constant 0 : i32
    %cond3A_67 = arith.cmpi ne, %convert_element_type3A, %cond3A : i32
    scf.if %cond3A_67 {
      %broadcast_in_dim3A = arith.constant -1.000000e+30 : f32
      %broadcast_in_dim3A_93 = vector.broadcast %broadcast_in_dim3A : f32 to vector<1x1xf32>
      %swap3A_94 = arith.constant 0 : index
      %swap3A_95 = arith.constant 0 : index
      %swap3A_96 = vector.load %arg15[%swap3A_94, %swap3A_95] : memref<1x1xf32, #tpu.memory_space<vmem>>, vector<1x1xf32>
      tpu.vector_store %arg15[%swap3A_94, %swap3A_95], %broadcast_in_dim3A_93 {strides = array<i32>} : memref<1x1xf32, #tpu.memory_space<vmem>>, vector<1x1xf32>,
      %broadcast_in_dim3A_97 = arith.constant -1.000000e+30 : f32
      %broadcast_in_dim3A_98 = vector.broadcast %broadcast_in_dim3A_97 : f32 to vector<1x1xf32>
      %swap3A_99 = arith.constant 0 : index
      %swap3A_100 = arith.constant 0 : index
      %swap3A_101 = vector.load %arg16[%swap3A_99, %swap3A_100] : memref<1x1xf32, #tpu.memory_space<vmem>>, vector<1x1xf32>
      tpu.vector_store %arg16[%swap3A_99, %swap3A_100], %broadcast_in_dim3A_98 {strides = array<i32>} : memref<1x1xf32, #tpu.memory_space<vmem>>, vector<1x1xf32>,
    } else {
    }
    %get3A_68 = arith.constant 0 : index
    %get3A_69 = arith.constant 0 : index
    %get3A_70 = vector.load %arg15[%get3A_68, %get3A_69] : memref<1x1xf32, #tpu.memory_space<vmem>>, vector<1x1xf32>
    %reduce_max3A = vector.shape_cast %dot_general3A_54 : vector<400x1xf32> to vector<1x400x1xf32>
    %reduce_max3A_71 = arith.constant dense<0xFF800000> : vector<1xf32>
    %reduce_max3A_72 = vector.multi_reduction <maximumf>, %reduce_max3A, %reduce_max3A_71 [1, 2] : vector<1x400x1xf32> to vector<1xf32>
    %reduce_max3A_73 = vector.shape_cast %reduce_max3A_72 : vector<1xf32> to vector<1x1x1xf32>
    %reduce_max3A_74 = vector.extract %reduce_max3A_73[0, 0, 0] : f32 from vector<1x1x1xf32>
    %max3A_75 = vector.broadcast %reduce_max3A_74 : f32 to vector<1x1xf32>
    %max3A_76 = arith.maximumf %get3A_70, %max3A_75 : vector<1x1xf32>
    %swap3A_77 = arith.constant 0 : index
    %swap3A_78 = arith.constant 0 : index
    %swap3A_79 = vector.load %arg15[%swap3A_77, %swap3A_78] : memref<1x1xf32, #tpu.memory_space<vmem>>, vector<1x1xf32>
    tpu.vector_store %arg15[%swap3A_77, %swap3A_78], %max3A_76 {strides = array<i32>} : memref<1x1xf32, #tpu.memory_space<vmem>>, vector<1x1xf32>,
    %get3A_80 = arith.constant 0 : index
    %get3A_81 = arith.constant 0 : index
    %get3A_82 = vector.load %arg16[%get3A_80, %get3A_81] : memref<1x1xf32, #tpu.memory_space<vmem>>, vector<1x1xf32>
    %reduce_max3A_83 = vector.shape_cast %dot_general3A_59 : vector<400x1xf32> to vector<1x400x1xf32>
    %reduce_max3A_84 = arith.constant dense<0xFF800000> : vector<1xf32>
    %reduce_max3A_85 = vector.multi_reduction <maximumf>, %reduce_max3A_83, %reduce_max3A_84 [1, 2] : vector<1x400x1xf32> to vector<1xf32>
    %reduce_max3A_86 = vector.shape_cast %reduce_max3A_85 : vector<1xf32> to vector<1x1x1xf32>
    %reduce_max3A_87 = vector.extract %reduce_max3A_86[0, 0, 0] : f32 from vector<1x1x1xf32>
    %max3A_88 = vector.broadcast %reduce_max3A_87 : f32 to vector<1x1xf32>
    %max3A_89 = arith.maximumf %get3A_82, %max3A_88 : vector<1x1xf32>
    %swap3A_90 = arith.constant 0 : index
    %swap3A_91 = arith.constant 0 : index
    %swap3A_92 = vector.load %arg16[%swap3A_90, %swap3A_91] : memref<1x1xf32, #tpu.memory_space<vmem>>, vector<1x1xf32>
    tpu.vector_store %arg16[%swap3A_90, %swap3A_91], %max3A_89 {strides = array<i32>} : memref<1x1xf32, #tpu.memory_space<vmem>>, vector<1x1xf32>,
    return
  }
  func.func @transform_0(%arg0: i32) -> (i32, i32) {
    %c0_i32 = arith.constant 0 : i32
    %c0_i32_0 = arith.constant 0 : i32
    return %arg0, %c0_i32 : i32, i32
  }
  func.func @transform_1(%arg0: i32) -> (i32, i32) {
    %c0_i32 = arith.constant 0 : i32
    %c0_i32_0 = arith.constant 0 : i32
    return %arg0, %c0_i32 : i32, i32
  }
  func.func @transform_2(%arg0: i32) -> (i32, i32) {
    %c0_i32 = arith.constant 0 : i32
    %c0_i32_0 = arith.constant 0 : i32
    return %arg0, %c0_i32 : i32, i32
  }
  func.func @transform_3(%arg0: i32) -> (i32, i32) {
    %c0_i32 = arith.constant 0 : i32
    %c0_i32_0 = arith.constant 0 : i32
    return %arg0, %c0_i32 : i32, i32
  }
  func.func @transform_4(%arg0: i32) -> (i32, i32) {
    %c0_i32 = arith.constant 0 : i32
    %c0_i32_0 = arith.constant 0 : i32
    return %arg0, %c0_i32 : i32, i32
  }
  func.func @transform_5(%arg0: i32) -> (i32, i32) {
    %c0_i32 = arith.constant 0 : i32
    %c0_i32_0 = arith.constant 0 : i32
    %c0_i32_1 = arith.constant 0 : i32
    return %c0_i32, %c0_i32_0 : i32, i32
  }
  func.func @transform_6(%arg0: i32) -> (i32, i32) {
    %c0_i32 = arith.constant 0 : i32
    %c0_i32_0 = arith.constant 0 : i32
    %c0_i32_1 = arith.constant 0 : i32
    return %c0_i32, %c0_i32_0 : i32, i32
  }
  func.func @transform_7(%arg0: i32) -> (i32, i32) {
    %c0_i32 = arith.constant 0 : i32
    %c0_i32_0 = arith.constant 0 : i32
    %c0_i32_1 = arith.constant 0 : i32
    return %c0_i32, %c0_i32_0 : i32, i32
  }
  func.func @transform_8(%arg0: i32) -> (i32, i32) {
    %c0_i32 = arith.constant 0 : i32
    %c0_i32_0 = arith.constant 0 : i32
    %c0_i32_1 = arith.constant 0 : i32
    return %c0_i32, %c0_i32_0 : i32, i32
  }
  func.func @transform_9(%arg0: i32) -> (i32, i32) {
    %c0_i32 = arith.constant 0 : i32
    %c0_i32_0 = arith.constant 0 : i32
    %c0_i32_1 = arith.constant 0 : i32
    return %c0_i32, %c0_i32_0 : i32, i32
  }
  func.func @transform_10(%arg0: i32) -> (i32, i32) {
    %c0_i32 = arith.constant 0 : i32
    %c0_i32_0 = arith.constant 0 : i32
    %c0_i32_1 = arith.constant 0 : i32
    return %c0_i32, %c0_i32_0 : i32, i32
  }
  func.func @transform_11(%arg0: i32) -> (i32, i32) {
    %c0_i32 = arith.constant 0 : i32
    %c0_i32_0 = arith.constant 0 : i32
    return %arg0, %c0_i32 : i32, i32
  }
  func.func @transform_12(%arg0: i32) -> (i32, i32) {
    %c0_i32 = arith.constant 0 : i32
    %c0_i32_0 = arith.constant 0 : i32
    return %arg0, %c0_i32 : i32, i32
  }
  func.func @transform_13(%arg0: i32) -> (i32, i32) {
    %c0_i32 = arith.constant 0 : i32
    %c0_i32_0 = arith.constant 0 : i32
    return %arg0, %c0_i32 : i32, i32
  }
  func.func @transform_14(%arg0: i32) -> (i32, i32) {
    %c0_i32 = arith.constant 0 : i32
    %c0_i32_0 = arith.constant 0 : i32
    %c0_i32_1 = arith.constant 0 : i32
    return %c0_i32, %c0_i32_0 : i32, i32
  }
  func.func @transform_15(%arg0: i32) -> (i32, i32) {
    %c0_i32 = arith.constant 0 : i32
    %c0_i32_0 = arith.constant 0 : i32
    %c0_i32_1 = arith.constant 0 : i32
    return %c0_i32, %c0_i32_0 : i32, i32
  }
}

module attributes {stable_mosaic.version = 14 : i64} {
  func.func @body(%arg0: memref<16x128xf32, #tpu.memory_space<vmem>>, %arg1: memref<16x10000xf32, #tpu.memory_space<vmem>>, %arg2: memref<10000x128xf32, #tpu.memory_space<vmem>>, %arg3: memref<10000x1xf32, #tpu.memory_space<vmem>>, %arg4: memref<10000x1xf32, #tpu.memory_space<vmem>>, %arg5: memref<16x1xf32, #tpu.memory_space<vmem>>, %arg6: memref<1x1xf32, #tpu.memory_space<vmem>>, %arg7: memref<1x1xf32, #tpu.memory_space<vmem>>, %arg8: memref<1x128xf32, #tpu.memory_space<vmem>>, %arg9: memref<128x128xf32, #tpu.memory_space<vmem>>, %arg10: memref<1x128xf32, #tpu.memory_space<vmem>>, %arg11: memref<1x128xf32, #tpu.memory_space<vmem>>, %arg12: memref<1x128xf32, #tpu.memory_space<vmem>>, %arg13: memref<128x128xf32, #tpu.memory_space<vmem>>, %arg14: memref<1x128xf32, #tpu.memory_space<vmem>>, %arg15: memref<16x128xf32, #tpu.memory_space<vmem>>) attributes {dimension_semantics = [], scalar_prefetch = 0 : i64, scratch_operands = 0 : i64, tpu.core_type = #tpu.core_type<tc>} {
    %get3A = arith.constant 0 : index
    %get3A_0 = arith.constant 0 : index
    %get3A_1 = vector.load %arg1[%get3A, %get3A_0] : memref<16x10000xf32, #tpu.memory_space<vmem>>, vector<16x10000xf32>
    %get3A_2 = arith.constant 0 : index
    %get3A_3 = arith.constant 0 : index
    %get3A_4 = vector.load %arg2[%get3A_2, %get3A_3] : memref<10000x128xf32, #tpu.memory_space<vmem>>, vector<10000x128xf32>
    %dot_general3A = arith.constant dense<0.000000e+00> : vector<16x128xf32>
    %dot_general3A_5 = tpu.matmul %get3A_1, %get3A_4, %dot_general3A {dimension_numbers = #tpu.dot_dimension_numbers<[1], [0], [0], [1], [0, 0, 1, 1], [], []>, transpose_lhs_hint = false} : vector<16x10000xf32>, vector<10000x128xf32>, vector<16x128xf32> -> vector<16x128xf32>
    %get3A_6 = arith.constant 0 : index
    %get3A_7 = arith.constant 0 : index
    %get3A_8 = vector.load %arg3[%get3A_6, %get3A_7] : memref<10000x1xf32, #tpu.memory_space<vmem>>, vector<10000x1xf32>
    %dot_general3A_9 = arith.constant dense<0.000000e+00> : vector<16x1xf32>
    %dot_general3A_10 = tpu.matmul %get3A_1, %get3A_8, %dot_general3A_9 {dimension_numbers = #tpu.dot_dimension_numbers<[1], [0], [0], [1], [0, 0, 1, 1], [], []>, transpose_lhs_hint = false} : vector<16x10000xf32>, vector<10000x1xf32>, vector<16x1xf32> -> vector<16x1xf32>
    %get3A_11 = arith.constant 0 : index
    %get3A_12 = arith.constant 0 : index
    %get3A_13 = vector.load %arg4[%get3A_11, %get3A_12] : memref<10000x1xf32, #tpu.memory_space<vmem>>, vector<10000x1xf32>
    %dot_general3A_14 = arith.constant dense<0.000000e+00> : vector<16x1xf32>
    %dot_general3A_15 = tpu.matmul %get3A_1, %get3A_13, %dot_general3A_14 {dimension_numbers = #tpu.dot_dimension_numbers<[1], [0], [0], [1], [0, 0, 1, 1], [], []>, transpose_lhs_hint = false} : vector<16x10000xf32>, vector<10000x1xf32>, vector<16x1xf32> -> vector<16x1xf32>
    %add3A = arith.addf %dot_general3A_10, %dot_general3A_15 : vector<16x1xf32>
    %get3A_16 = arith.constant 0 : index
    %get3A_17 = arith.constant 0 : index
    %get3A_18 = vector.load %arg7[%get3A_16, %get3A_17] : memref<1x1xf32, #tpu.memory_space<vmem>>, vector<1x1xf32>
    %get3A_19 = vector.extract %get3A_18[0, 0] : f32 from vector<1x1xf32>
    %add3A_20 = vector.broadcast %get3A_19 : f32 to vector<16x1xf32>
    %add3A_21 = arith.addf %add3A, %add3A_20 : vector<16x1xf32>
    %ge3A = arith.constant 0.000000e+00 : f32
    %ge3A_22 = vector.broadcast %ge3A : f32 to vector<16x1xf32>
    %ge3A_23 = arith.cmpf oge, %add3A_21, %ge3A_22 : vector<16x1xf32>
    %mul3A = arith.constant 2.000000e-01 : f32
    %mul3A_24 = vector.broadcast %mul3A : f32 to vector<16x1xf32>
    %mul3A_25 = arith.mulf %add3A_21, %mul3A_24 : vector<16x1xf32>
    %select_n3A = arith.select %ge3A_23, %add3A_21, %mul3A_25 : vector<16x1xi1>, vector<16x1xf32>
    %get3A_26 = arith.constant 0 : index
    %get3A_27 = arith.constant 0 : index
    %get3A_28 = vector.load %arg6[%get3A_26, %get3A_27] : memref<1x1xf32, #tpu.memory_space<vmem>>, vector<1x1xf32>
    %get3A_29 = vector.extract %get3A_28[0, 0] : f32 from vector<1x1xf32>
    %sub3A = vector.broadcast %get3A_29 : f32 to vector<16x1xf32>
    %sub3A_30 = arith.subf %select_n3A, %sub3A : vector<16x1xf32>
    %exp3A = math.exp %sub3A_30 : vector<16x1xf32>
    %get3A_31 = arith.constant 0 : index
    %get3A_32 = arith.constant 0 : index
    %get3A_33 = vector.load %arg0[%get3A_31, %get3A_32] : memref<16x128xf32, #tpu.memory_space<vmem>>, vector<16x128xf32>
    %mul3A_34 = vector.broadcast %exp3A : vector<16x1xf32> to vector<16x128xf32>
    %mul3A_35 = arith.mulf %mul3A_34, %dot_general3A_5 : vector<16x128xf32>
    %add3A_36 = arith.addf %get3A_33, %mul3A_35 : vector<16x128xf32>
    %get3A_37 = arith.constant 0 : index
    %get3A_38 = arith.constant 0 : index
    %get3A_39 = vector.load %arg5[%get3A_37, %get3A_38] : memref<16x1xf32, #tpu.memory_space<vmem>>, vector<16x1xf32>
    %add3A_40 = arith.addf %get3A_39, %exp3A : vector<16x1xf32>
    %add3A_41 = arith.constant 1.000000e-16 : f32
    %add3A_42 = vector.broadcast %add3A_41 : f32 to vector<16x1xf32>
    %add3A_43 = arith.addf %add3A_40, %add3A_42 : vector<16x1xf32>
    %div3A = vector.broadcast %add3A_43 : vector<16x1xf32> to vector<16x128xf32>
    %div3A_44 = arith.divf %add3A_36, %div3A : vector<16x128xf32>
    %get3A_45 = arith.constant 0 : index
    %get3A_46 = arith.constant 0 : index
    %get3A_47 = vector.load %arg8[%get3A_45, %get3A_46] : memref<1x128xf32, #tpu.memory_space<vmem>>, vector<1x128xf32>
    %add3A_48 = vector.broadcast %get3A_47 : vector<1x128xf32> to vector<16x128xf32>
    %add3A_49 = arith.addf %div3A_44, %add3A_48 : vector<16x128xf32>
    %get3A_50 = arith.constant 0 : index
    %get3A_51 = arith.constant 0 : index
    %get3A_52 = vector.load %arg9[%get3A_50, %get3A_51] : memref<128x128xf32, #tpu.memory_space<vmem>>, vector<128x128xf32>
    %dot_general3A_53 = arith.constant dense<0.000000e+00> : vector<16x128xf32>
    %dot_general3A_54 = tpu.matmul %add3A_49, %get3A_52, %dot_general3A_53 {dimension_numbers = #tpu.dot_dimension_numbers<[1], [0], [0], [1], [0, 0, 1, 1], [], []>, transpose_lhs_hint = false} : vector<16x128xf32>, vector<128x128xf32>, vector<16x128xf32> -> vector<16x128xf32>
    %get3A_55 = arith.constant 0 : index
    %get3A_56 = arith.constant 0 : index
    %get3A_57 = vector.load %arg10[%get3A_55, %get3A_56] : memref<1x128xf32, #tpu.memory_space<vmem>>, vector<1x128xf32>
    %add3A_58 = vector.broadcast %get3A_57 : vector<1x128xf32> to vector<16x128xf32>
    %add3A_59 = arith.addf %dot_general3A_54, %add3A_58 : vector<16x128xf32>
    %max3A = arith.constant 0.000000e+00 : f32
    %max3A_60 = vector.broadcast %max3A : f32 to vector<16x128xf32>
    %max3A_61 = arith.maximumf %add3A_59, %max3A_60 : vector<16x128xf32>
    %reduce_sum3A = arith.constant dense<0.000000e+00> : vector<16xf32>
    %reduce_sum3A_62 = vector.multi_reduction <add>, %max3A_61, %reduce_sum3A [1] : vector<16x128xf32> to vector<16xf32>
    %broadcast_in_dim3A = vector.shape_cast %reduce_sum3A_62 : vector<16xf32> to vector<16x1xf32>
    %div3A_63 = arith.constant 1.280000e+02 : f32
    %div3A_64 = vector.broadcast %div3A_63 : f32 to vector<16x1xf32>
    %div3A_65 = arith.divf %broadcast_in_dim3A, %div3A_64 : vector<16x1xf32>
    %sub3A_66 = vector.broadcast %div3A_65 : vector<16x1xf32> to vector<16x128xf32>
    %sub3A_67 = arith.subf %max3A_61, %sub3A_66 : vector<16x128xf32>
    %sub3A_68 = vector.broadcast %div3A_65 : vector<16x1xf32> to vector<16x128xf32>
    %sub3A_69 = arith.subf %max3A_61, %sub3A_68 : vector<16x128xf32>
    %mul3A_70 = arith.mulf %sub3A_67, %sub3A_69 : vector<16x128xf32>
    %reduce_sum3A_71 = arith.constant dense<0.000000e+00> : vector<16xf32>
    %reduce_sum3A_72 = vector.multi_reduction <add>, %mul3A_70, %reduce_sum3A_71 [1] : vector<16x128xf32> to vector<16xf32>
    %broadcast_in_dim3A_73 = vector.shape_cast %reduce_sum3A_72 : vector<16xf32> to vector<16x1xf32>
    %div3A_74 = arith.constant 1.280000e+02 : f32
    %div3A_75 = vector.broadcast %div3A_74 : f32 to vector<16x1xf32>
    %div3A_76 = arith.divf %broadcast_in_dim3A_73, %div3A_75 : vector<16x1xf32>
    %sub3A_77 = vector.broadcast %div3A_65 : vector<16x1xf32> to vector<16x128xf32>
    %sub3A_78 = arith.subf %max3A_61, %sub3A_77 : vector<16x128xf32>
    %add3A_79 = arith.constant 9.99999974E-6 : f32
    %add3A_80 = vector.broadcast %add3A_79 : f32 to vector<16x1xf32>
    %add3A_81 = arith.addf %div3A_76, %add3A_80 : vector<16x1xf32>
    %sqrt3A = math.sqrt %add3A_81 : vector<16x1xf32>
    %div3A_82 = vector.broadcast %sqrt3A : vector<16x1xf32> to vector<16x128xf32>
    %div3A_83 = arith.divf %sub3A_78, %div3A_82 : vector<16x128xf32>
    %get3A_84 = arith.constant 0 : index
    %get3A_85 = arith.constant 0 : index
    %get3A_86 = vector.load %arg11[%get3A_84, %get3A_85] : memref<1x128xf32, #tpu.memory_space<vmem>>, vector<1x128xf32>
    %mul3A_87 = vector.broadcast %get3A_86 : vector<1x128xf32> to vector<16x128xf32>
    %mul3A_88 = arith.mulf %div3A_83, %mul3A_87 : vector<16x128xf32>
    %get3A_89 = arith.constant 0 : index
    %get3A_90 = arith.constant 0 : index
    %get3A_91 = vector.load %arg12[%get3A_89, %get3A_90] : memref<1x128xf32, #tpu.memory_space<vmem>>, vector<1x128xf32>
    %add3A_92 = vector.broadcast %get3A_91 : vector<1x128xf32> to vector<16x128xf32>
    %add3A_93 = arith.addf %mul3A_88, %add3A_92 : vector<16x128xf32>
    %get3A_94 = arith.constant 0 : index
    %get3A_95 = arith.constant 0 : index
    %get3A_96 = vector.load %arg13[%get3A_94, %get3A_95] : memref<128x128xf32, #tpu.memory_space<vmem>>, vector<128x128xf32>
    %dot_general3A_97 = arith.constant dense<0.000000e+00> : vector<16x128xf32>
    %dot_general3A_98 = tpu.matmul %add3A_93, %get3A_96, %dot_general3A_97 {dimension_numbers = #tpu.dot_dimension_numbers<[1], [0], [0], [1], [0, 0, 1, 1], [], []>, transpose_lhs_hint = false} : vector<16x128xf32>, vector<128x128xf32>, vector<16x128xf32> -> vector<16x128xf32>
    %get3A_99 = arith.constant 0 : index
    %get3A_100 = arith.constant 0 : index
    %get3A_101 = vector.load %arg14[%get3A_99, %get3A_100] : memref<1x128xf32, #tpu.memory_space<vmem>>, vector<1x128xf32>
    %add3A_102 = vector.broadcast %get3A_101 : vector<1x128xf32> to vector<16x128xf32>
    %add3A_103 = arith.addf %dot_general3A_98, %add3A_102 : vector<16x128xf32>
    %logistic3A = arith.negf %add3A_103 : vector<16x128xf32>
    %logistic3A_104 = math.exp %logistic3A : vector<16x128xf32>
    %logistic3A_105 = arith.constant 1.000000e+00 : f32
    %logistic3A_106 = vector.broadcast %logistic3A_105 : f32 to vector<16x128xf32>
    %logistic3A_107 = arith.addf %logistic3A_106, %logistic3A_104 : vector<16x128xf32>
    %logistic3A_108 = arith.divf %logistic3A_106, %logistic3A_107 : vector<16x128xf32>
    %swap3A = arith.constant 0 : index
    %swap3A_109 = arith.constant 0 : index
    %swap3A_110 = vector.load %arg15[%swap3A, %swap3A_109] : memref<16x128xf32, #tpu.memory_space<vmem>>, vector<16x128xf32>
    tpu.vector_store %arg15[%swap3A, %swap3A_109], %logistic3A_108 {strides = array<i32>} : memref<16x128xf32, #tpu.memory_space<vmem>>, vector<16x128xf32>,
    return
  }
}

</mosaic_0001>

<sc_bundles>
// kernel: gat_edge_sweep_nr32.3.cloned.1.call-start
scs
__scs_entry_jumppad:
0x0: {  	(pc) =	sbr.rel $0x88, $3  }
0x1: {  	(tag) =	ssettag $0x0;
	lr =	simm.s32 $0x1  }
0x2: {  	[smem:$0x3F8A] =	sst lr;
	_ =	strace $0xD0000000  }
0x3: {  	_ = 	snop  }
0x4: {  	_ = 	snop  }
0x5: {  	_ = 	snop  }
0x6: {  	_ = 	snop  }
0x7: {  	_ = 	snop  }
__scs_overlays_trampoline_lowered:
0x8: {  	[smem:$0x3F99] =	sst s0  }
0x9: {  	[smem:$0x3F9A] =	sst s1  }
0xa: {  	[smem:$0x3F9B] =	sst s2  }
0xb: {  	[smem:$0x3F9C] =	sst s3  }
0xc: {  	[smem:$0x3F9D] =	sst s4  }
0xd: {  	[smem:$0x3F9E] =	sst s5  }
0xe: {  	[smem:$0x3F9F] =	sst s6  }
0xf: {  	[smem:$0x3FA0] =	sst s7  }
0x10: {  	[smem:$0x3FA1] =	sst s8  }
0x11: {  	[smem:$0x3FA2] =	sst s9;
	s0 =	simm.s32 @!p0 $0x0  }
0x12: {  	s1 =	sld [smem:$0x3F88];
	s0 =	simm.s32 @p0 $0x1  }
0x13: {  	[smem:$0x3FA3] =	sst s0;
	s0 =	simm.s32 @!p1 $0x0  }
0x14: {  	s2 =	sld [smem:$0x3F87];
	s0 =	simm.s32 @p1 $0x1  }
0x15: {  	[smem:$0x3FA4] =	sst s0;
	s0 =	simm.s32 @!p2 $0x0  }
0x16: {  	s3 =	sld [smem:$0x3FDB];
	s0 =	simm.s32 @p2 $0x1  }
0x17: {  	s4 =	simm.s32 $0x1BF5;
	[smem:$0x3FA6] =	sst s0  }
0x18: {  	s0 =	sld [smem:$0x3F89];
	_ =	swait.ge [sflag:s4], $0x0  }
0x19: {  	s7 =	sld [smem:$0x3F8A]  }
0x1a: {  	s8 =	sadd.s32 $0xFFFFE003, lr  }
0x1b: {  	s9 =	sadd.s32 $0xFFFFFEF7, lr;
	s5 =	simm.s32 $0xFFFFFFFF;
	p2 =	slt.u32 s8, $0xFFFFF086  }
0x1c: {  	p1 =	slt.u32 s9, $0xF7A;
	s5 =	simm.s32 @!p2 $0x0  }
0x1d: {  	s5 =	simm.s32 @p1 $0x1;
	p0 =	seq.s32 s7, s2  }
0x1e: {  	s7 =	smul.u32 @!p0 $0xF7A, s2;
	p2 =	seq.s32 @!p0 s5, $0x0  }
0x1f: {  	s9 =	smul.u32 $0xF7A, s1;
	s8 =	simm.s32 @!p0 $0x1BF5;
	p2 =	por !p2, p0  }
0x20: {  	[sflag:s8] =	ssyncset.s32 @!p0 $0xFFFFF086;
	s6 =	sadd.s32 @!p0 s3, s7;
	s7 =	simm.s32 @!p0 $0x108  }
0x21: {  	s3 =	sadd.s32 s3, s9;
	s6 =	sadd.s32 @!p0 $0x88, s6;
	s7 =	simm.s32 @p2 $0x1082  }
0x22: {  	[simem:s7], [sflag:s8] =	dma.local @!p0 [hbm:s6], $0xF7A  }
0x23: {  	s9 =	sor.u32 $0xD0000000, s2;
	s6 =	simm.s32 $0x108;
	_ =	swait.ge @!p0 [sflag:s8], $0x0  }
0x24: {  	s3 =	sadd.s32 $0x88, s3;
	s6 =	simm.s32 @!p1 $0x1082;
	[sflag:s4] =	ssyncset.s32 $0xFFFFF086  }
0x25: {  	[simem:s6], [sflag:s4] =	dma.local [hbm:s3], $0xF7A  }
0x26: {  	[smem:$0x3F8A] =	sst s1;
	(tag) =	ssettag s2;
	_ =	strace s9  }
0x27: {  	s1 =	sld [smem:$0x3F9A]  }
0x28: {  	s2 =	sld [smem:$0x3F9B]  }
0x29: {  	s4 =	sld [smem:$0x3F9D]  }
0x2a: {  	p0 =	seq.s32 s5, $0x0;
	s5 =	sld [smem:$0x3F9E]  }
0x2b: {  	s6 =	sld [smem:$0x3F9F]  }
0x2c: {  	s7 =	sld [smem:$0x3FA0]  }
0x2d: {  	s3 =	simm.s32 $0x108;
	s8 =	sld [smem:$0x3FA1]  }
0x2e: {  	s3 =	simm.s32 @!p0 $0x1082;
	s9 =	sld [smem:$0x3FA2]  }
0x2f: {  	lr =	sadd.s32 s0, s3;
	s0 =	sld [smem:$0x3F99]  }
0x30: {  	s3 =	sld [smem:$0x3F9C]  }
0x31: {  	[smem:$0x3FA5] =	sst s10  }
0x32: {  	s10 =	sld [smem:$0x3FA3];
	_ =	sdelay $0x3  }
0x33: {  	p0 =	seq.s32 s10, $0x1;
	s10 =	sld [smem:$0x3FA5];
	_ =	sdelay $0x3  }
0x34: {  	[smem:$0x3FA5] =	sst s10  }
0x35: {  	s10 =	sld [smem:$0x3FA4];
	_ =	sdelay $0x3  }
0x36: {  	p1 =	seq.s32 s10, $0x1;
	s10 =	sld [smem:$0x3FA5];
	_ =	sdelay $0x3  }
0x37: {  	[smem:$0x3FA5] =	sst s10  }
0x38: {  	s10 =	sld [smem:$0x3FA6]  }
0x39: {  	_ = 	snop;
	(pc) =	sbr.ind lr, $3  }
0x3a: {  	_ = 	snop  }
0x3b: {  	_ = 	snop  }
0x3c: {  	p2 =	seq.s32 s10, $0x1;
	s10 =	sld [smem:$0x3FA5]  }
0x3d: {  	_ =	shalt  }
0x3e: {  	_ =	shalt  }
0x3f: {  	_ =	shalt  }
0x40: {  	_ =	shalt  }
0x41: {  	_ =	shalt  }
0x42: {  	_ =	shalt  }
0x43: {  	_ =	shalt  }
0x44: {  	_ =	shalt  }
0x45: {  	_ =	shalt  }
0x46: {  	_ =	shalt  }
0x47: {  	_ =	shalt  }
0x48: {  	_ =	shalt  }
0x49: {  	_ =	shalt  }
0x4a: {  	_ =	shalt  }
0x4b: {  	_ =	shalt  }
0x4c: {  	_ =	shalt  }
0x4d: {  	_ =	shalt  }
0x4e: {  	_ =	shalt  }
0x4f: {  	_ =	shalt  }
0x50: {  	_ =	shalt  }
0x51: {  	_ =	shalt  }
0x52: {  	_ =	shalt  }
0x53: {  	_ =	shalt  }
0x54: {  	_ =	shalt  }
0x55: {  	_ =	shalt  }
0x56: {  	_ =	shalt  }
0x57: {  	_ =	shalt  }
0x58: {  	_ =	shalt  }
0x59: {  	_ =	shalt  }
0x5a: {  	_ =	shalt  }
0x5b: {  	_ =	shalt  }
0x5c: {  	_ =	shalt  }
0x5d: {  	_ =	shalt  }
0x5e: {  	_ =	shalt  }
0x5f: {  	_ =	shalt  }
0x60: {  	_ =	shalt  }
0x61: {  	_ =	shalt  }
0x62: {  	_ =	shalt  }
0x63: {  	_ =	shalt  }
0x64: {  	_ =	shalt  }
0x65: {  	_ =	shalt  }
0x66: {  	_ =	shalt  }
0x67: {  	_ =	shalt  }
0x68: {  	_ =	shalt  }
0x69: {  	_ =	shalt  }
0x6a: {  	_ =	shalt  }
0x6b: {  	_ =	shalt  }
0x6c: {  	_ =	shalt  }
0x6d: {  	_ =	shalt  }
0x6e: {  	_ =	shalt  }
0x6f: {  	_ =	shalt  }
0x70: {  	_ =	shalt  }
0x71: {  	_ =	shalt  }
0x72: {  	_ =	shalt  }
0x73: {  	_ =	shalt  }
0x74: {  	_ =	shalt  }
0x75: {  	_ =	shalt  }
0x76: {  	_ =	shalt  }
0x77: {  	_ =	shalt  }
0x78: {  	_ =	shalt  }
0x79: {  	_ =	shalt  }
0x7a: {  	_ =	shalt  }
0x7b: {  	_ =	shalt  }
0x7c: {  	_ =	shalt  }
0x7d: {  	_ =	shalt  }
0x7e: {  	_ =	shalt  }
0x7f: {  	_ =	shalt  }
0x80: {  	_ =	shalt  }
0x81: {  	_ =	shalt  }
0x82: {  	_ =	shalt  }
0x83: {  	_ =	shalt  }
0x84: {  	_ =	shalt  }
0x85: {  	_ =	shalt  }
0x86: {  	_ =	shalt  }
0x87: {  	_ =	shalt  }
.Lfunc_end0:
.L_simem_size_0:
called_computation.2_lowered:
.L_overlay_start_0:
0x88: {  	s0 =	sld [smem:$0x3FD9]  }
0x89: {  	s1 =	sld [smem:$0x3FFE];
	_ =	sdelay $0x3  }
0x8a: {  	s0 =	sadd.s32 s1, s0  }
0x8b: {  	[smem:$0x3FB1] =	sst s0  }
0x8c: {  	_ = 	snop  }
0x8d: {  	s0 =	sld [smem:$0x3FD0];
	(tm) =	ssettm $0x1  }
0x8e: {  	s16 =	sld [smem:$0x3FFB];
	_ =	sdelay $0x3  }
0x8f: {  	_ =	strace s16  }
0x90: {  	s1 =	sld [smem:$0x3FFC];
	_ =	sdelay $0x3  }
0x91: {  	_ =	strace s1  }
0x92: {  	s1 =	sld [smem:$0x3FFD];
	_ =	sdelay $0x3  }
0x93: {  	_ =	strace s1  }
0x94: {  	_ =	strace $0x8FFFFFFF  }
0x95: {  	s17 =	sld [smem:$0x3FDB];
	_ =	sdelay $0x1  }
0x96: {  	s2 =	simm.s32 $_scs_section_size  }
0x97: {  	s3 =	simm.s32 $_size__tile_overlayer_lowered;
	s4 =	simm.s32 $_tile_overlayer_lowered  }
0x98: {  	s20 =	simm.s32 $0x1BFF;
	s19 =	sshll.u32 s4, $0x1;
	s1 =	sadd.s32 s2, s17  }
0x99: {  	s5 =	simm.s32 $0x0;
	s18 =	sshll.u32 s3, $0x1;
	s3 =	sadd.s32 s19, s1  }
0x9a: {  	[timem:s5], [sflag:s20] =	dma.local [hbm:s3], s18  }
0x9b: {  	_ =	swait.ge [sflag:s20], s18  }
0x9c: {  	s2 =	ssub.s32 $0x0, s18;
	[sflag:s20] =	ssyncset.done $0x0  }
0x9d: {  	[sflag:s20] =	ssyncadd.s32 s2;
	_ =	sdelay $0x1  }
0x9e: {  	s21 =	simm.s32 $0x1B8B  }
0x9f: {  	_ =	swait.ge [sflag:s21], $0x1  }
0xa0: {  	[sflag:s21] =	ssyncset.done $0x0  }
0xa1: {  	s23 =	simm.s32 $0x1B8E;
	s22 =	sld [smem:$0x3FFE];
	[sflag:s21] =	ssyncadd.s32 $0xFFFFFFFF  }
0xa2: {  	s24 =	simm.s32 $execute0_lowered;
	[smem:$0x3FD2] =	sst s23  }
0xa3: {  	s3 =	sshll.u32 s24, $0x1;
	_ =	strace $0x8000004C;
	[dreg:$0x1] =	wrdreg $0xFFFFFFFF  }
0xa4: {  	s25 =	simm.s32 $_size_execute0_lowered;
	s1 =	sadd.s32 s1, s3;
	[dreg:$0x0] =	wrdreg $0x0  }
0xa5: {  	s3 =	sshll.u32 s25, $0x1;
	[dreg:$0x2] =	wrdreg s1  }
0xa6: {  	[dreg:$0x3] =	wrdreg s3  }
0xa7: {  	[dreg:$0x4] =	wrdreg $0xC0  }
0xa8: {  	_ =	task [dreg:s5], $0x5FFFF  }
0xa9: {  	[dreg:$0x1] =	wrdreg $0xFFFFFFFF  }
0xaa: {  	[dreg:$0x0] =	wrdreg $0x60  }
0xab: {  	[dreg:$0x2] =	wrdreg s22  }
0xac: {  	[dreg:$0x3] =	wrdreg s0  }
0xad: {  	[dreg:$0x4] =	wrdreg $0x9  }
0xae: {  	_ =	task.clear_ibuf [dreg:s5], $0x5FFFF;
	_ =	strace $0x9000004C  }
0xaf: {  	s26 =	simm.s32 $0x9;
	_ =	strace $0x8000004E  }
0xb0: {  	_ =	swait.ge [sflag:s26], $0x1  }
0xb1: {  	[sflag:s26] =	ssyncadd.s32 $0xFFFFFFFF  }
0xb2: {  	_ =	strace $0x9000004E  }
0xb3: {  	_ =	sfence  }
0xb4: {  	s28 =	sld [smem:$0x0];
	_ =	sdelay $0x1  }
0xb5: {  	s29 =	srdreg.scid  }
0xb6: {  	s30 =	sshll.u32 s29, $0xD;
	s31 =	sshrl.u32 s29, $0x2  }
0xb7: {  	s2 =	sand.u32 $0x4000, s30;
	s1 =	sand.u32 $0x1, s29;
	s0 =	sadd.s32 s31, s28  }
0xb8: {  	s1 =	sor.u32 s2, s1;
	s0 =	sshll.u32 s0, $0x11  }
0xb9: {  	s0 =	sor.u32 s0, s1  }
0xba: {  	s0 =	sadd.s32 $0x8F2B, s0  }
0xbb: {  	[sflag:s0] =	ssyncadd.remote.s32 $0x1  }
0xbc: {  	_ =	sfence.sel $0xFFFF  }
0xbd: {  	[dreg:$0x0] =	wrdreg $0xFFFFFFFF;
	(pc) =	sbr.abs _section_cstart, $3  }
0xbe: {  	[dreg:$0x1] =	wrdreg $0xFFFFFFFF  }
0xbf: {  	_ =	task.clear_ibuf [dreg:s5], $0x2FFFF;
	_ =	strace $0x9FFFFFFF  }
0xc0: {  	(tm) =	ssettm $0x7FFFFFFF  }
0xc1: {  	_ =	shalt  }
tec
execute0_lowered:
.L_overlay_start_1:
0x0: {  	(tag) =	ssettag $0x1  }
0x1: {  	s1 =	rddreg [dreg:$0x0]  }
0x2: {  	s4 =	rddreg [dreg:$0x1];
	s2 =	simm.s32 $0x0  }
0x3: {  	[smem:$0x7FF] =	sst s2  }
0x4: {  	s0 =	rddreg [dreg:$0x2];
	s3 =	sadd.s32 $0x9E00, s1;
	_ =	strace $0x8000004D  }
0x5: {  	[tilespmem:s2], [sflag:$0x2] =	stream.linear.gather [hbm4b:s3+s2], $0x2780, $0x38;
	[tilespmem:$0xA400] =	vst v63  }
0x6: {  	s3 =	simm.s32 $0x2  }
0x7: {  	_ =	swait.ge [sflag:s3], $0x2780  }
0x8: {  	[sflag:s3] =	ssyncset.done $0x0  }
0x9: {  	s5 =	simm.s32 $0x2780;
	s6 =	sadd.s32 $0xA400, s1;
	[sflag:s3] =	ssyncadd.s32 $0xFFFFD880  }
0xa: {  	[tilespmem:s5], [sflag:$0x2] =	stream.linear.gather [hbm4b:s6+s2], $0x2780, $0x38;
	[tilespmem:$0xA400] =	vst v63  }
0xb: {  	_ =	swait.ge [sflag:s3], $0x2780  }
0xc: {  	[sflag:s3] =	ssyncset.done $0x0  }
0xd: {  	s7 =	simm.s32 $0x4F00;
	s30 =	sadd.s32 $0xAC00, s1;
	[sflag:s3] =	ssyncadd.s32 $0xFFFFD880  }
0xe: {  	[tilespmem:s7], [sflag:$0x2] =	stream.linear.gather [hbm4b:s30+s2], $0x80, $0x38;
	[tilespmem:$0xA400] =	vst v63  }
0xf: {  	s11 =	simm.s32 $0xA200;
	_ =	swait.ge [sflag:s3], $0x80  }
0x10: {  	s15 =	simm.s32 $0x4F80;
	s16 =	simm.s32 $0x5000;
	[sflag:s3] =	ssyncset.done $0x0  }
0x11: {  	s31 =	sadd.s32 $0xAE00, s1;
	s7 =	simm.s32 $0x9200;
	[sflag:s3] =	ssyncadd.s32 $0xFFFFFF80  }
0x12: {  	[tilespmem:s7], [sflag:$0x2] =	stream.linear.gather [hbm4b:s31+s2], $0x1000, $0x38;
	[tilespmem:$0xA400] =	vst v63  }
0x13: {  	s17 =	simm.s32 $0x5080;
	s18 =	simm.s32 $0x5180;
	_ =	swait.ge [sflag:s3], $0x1000  }
0x14: {  	s19 =	simm.s32 $0x80;
	s20 =	simm.s32 $0x5200;
	[sflag:s3] =	ssyncset.done $0x0  }
0x15: {  	s21 =	simm.s32 $0x1;
	s22 =	simm.s32 $0x5100;
	[sflag:s3] =	ssyncadd.s32 $0xFFFFF000  }
0x16: {  	[tilespmem:s11], [sflag:$0x2] =	stream.linear.gather [hbm4b:s4+s2], $0x200, $0x38;
	[tilespmem:$0xA400] =	vst v63  }
0x17: {  	v0 =	vlaneseq.u32;
	s8 =	sadd.s32 $0x1E200, s1;
	s10 =	sadd.s32 $0x14400, s1;
	_ =	swait.ge [sflag:s3], $0x200  }
0x18: {  	s12 =	sadd.s32 $0x28000, s1;
	s13 =	sadd.s32 $0x31E00, s1;
	v1 =	vor.u32 $0x10, v0;
	[sflag:s3] =	ssyncset.done $0x0  }
0x19: {  	s9 =	sadd.s32 $0xB000, s1;
	v2 =	vor.u32 $0x20, v0;
	v3 =	vor.u32 $0x30, v0;
	v4 =	vor.u32 $0x40, v0;
	s4 =	stileid.u32;
	[sflag:s3] =	ssyncadd.s32 $0xFFFFFE00  }
0x1a: {  	s23 =	simm.s32 $0x0;
	v6 =	vor.u32 $0x50, v0;
	v7 =	vor.u32 $0x60, v0;
	v8 =	vor.u32 $0x70, v0;
	s6 =	sadd.s32 $0xD000, s1;
	s14 =	smul.u32 $0x9D, s4;
	v5 =	vld [tilespmem:$0x4F00]  }
.LBB2_1:
0x1b: {  	_ = 	snop  }
0x1c: {  	s24 =	sadd.s32 s14, s23  }
0x1d: {  	s24 =	sshll.u32 s24, $0x4  }
0x1e: {  	s25 =	sadd.s32 s1, s24  }
0x1f: {  	[tilespmem:s15], [sflag:$0x2] =	stream.linear.gather [hbm4b:s25+s2], $0x80, $0x38;
	[tilespmem:$0xA400] =	vst v63  }
0x20: {  	_ =	swait.ge [sflag:s3], $0x80  }
0x21: {  	[sflag:s3] =	ssyncset.done $0x0  }
0x22: {  	s30 =	sadd.s32 s8, s24;
	[sflag:s3] =	ssyncadd.s32 $0xFFFFFF80  }
0x23: {  	[tilespmem:s16], [sflag:$0x2] =	stream.linear.gather [hbm4b:s30+s2], $0x80, $0x38;
	[tilespmem:$0xA400] =	vst v63  }
0x24: {  	_ =	swait.ge [sflag:s3], $0x80  }
0x25: {  	[sflag:s3] =	ssyncset.done $0x0  }
0x26: {  	s31 =	sadd.s32 s10, s24;
	[sflag:s3] =	ssyncadd.s32 $0xFFFFFF80  }
0x27: {  	[tilespmem:s17], [sflag:$0x2] =	stream.linear.gather [hbm4b:s31+s2], $0x80, $0x38;
	[tilespmem:$0xA400] =	vst v63  }
0x28: {  	_ =	swait.ge [sflag:s3], $0x80  }
0x29: {  	[sflag:s3] =	ssyncset.done $0x0  }
0x2a: {  	s24 =	sadd.s32 s12, s24;
	[sflag:s3] =	ssyncadd.s32 $0xFFFFFF80  }
0x2b: {  	[tilespmem:s18], [sflag:$0x2] =	stream.linear.gather [hbm4b:s24+s2], $0x80, $0x38;
	[tilespmem:$0xA400] =	vst v63  }
0x2c: {  	_ =	swait.ge [sflag:s3], $0x80  }
0x2d: {  	[sflag:s3] =	ssyncset.done $0x0  }
0x2e: {  	[sflag:s3] =	ssyncadd.s32 $0xFFFFFF80  }
0x2f: {  	[tilespmem:s20], [sflag:$0x1] =	stream.indirect.gather [hbm4b:s13+s19], $0x80, s15, s19, $0xb8;
	[tilespmem:$0xA400] =	vst v63  }
0x30: {  	v9 =	vld [tilespmem:$0x4F80]  }
0x31: {  	v10 =	vld [tilespmem:$0x5000];
	_ =	sdelay $0x6  }
0x32: {  	v9 =	vld.idx.msk [tilespmem:v9+s2+$0x0], $0xffff  }
0x33: {  	v10 =	vld.idx.msk [tilespmem:v10+s5+$0x0], $0xffff;
	_ =	sdelay $0x1  }
0x34: {  	v11 =	vld [tilespmem:$0x5080];
	_ =	sdelay $0x2  }
0x35: {  	v9 =	vadd.f32 v10, v9;
	_ =	sdelay $0x1  }
0x36: {  	v9 =	vadd.f32 v11, v9;
	_ =	sdelay $0x1  }
0x37: {  	v10 =	vmul.f32 $2.000000030e-01, v9  }
0x38: {  	vm0 =	vge.f32 v9, $0.0e+00  }
0x39: {  	v9 =	vsel vm0, v9, v10  }
0x3a: {  	v9 =	vsub.f32 v9, v5;
	_ =	sdelay $0x1  }
0x3b: {  	v9 =	vmul.f32 $1.442695020e+00, v9;
	_ =	sdelay $0x1  }
0x3c: {  	(erf) = vpow2.f32 v9;
	v9 =	vld [tilespmem:$0x5180];
	_ =	sdelay $0x4  }
0x3d: {  	v9 =	vshll.u32 v9, $0x4  }
0x3e: {  	v9 =	vor.u32 v0, v9;
	_ =	sdelay $0x2  }
0x3f: {  	v10 =	vpop (erf)  }
0x40: {  	[tilespmem:$0x5100] =	vst v10  }
0x41: {  	[tilespmem:v9+s11+$0x0] =	vst.idx.add.f32.msk $0xffff, v10  }
0x42: {  	v9 =	vld [tilespmem:$0x4F90]  }
0x43: {  	v10 =	vld [tilespmem:$0x5010];
	_ =	sdelay $0x6  }
0x44: {  	v9 =	vld.idx.msk [tilespmem:v9+s2+$0x0], $0xffff  }
0x45: {  	v10 =	vld.idx.msk [tilespmem:v10+s5+$0x0], $0xffff;
	_ =	sdelay $0x1  }
0x46: {  	v11 =	vld [tilespmem:$0x5090];
	_ =	sdelay $0x2  }
0x47: {  	v9 =	vadd.f32 v10, v9;
	_ =	sdelay $0x1  }
0x48: {  	v9 =	vadd.f32 v11, v9;
	_ =	sdelay $0x1  }
0x49: {  	v10 =	vmul.f32 $2.000000030e-01, v9  }
0x4a: {  	vm9 =	vge.f32 v9, $0.0e+00  }
0x4b: {  	v9 =	vsel vm9, v9, v10  }
0x4c: {  	v9 =	vsub.f32 v9, v5;
	_ =	sdelay $0x1  }
0x4d: {  	v9 =	vmul.f32 $1.442695020e+00, v9;
	_ =	sdelay $0x1  }
0x4e: {  	(erf) = vpow2.f32 v9;
	v9 =	vld [tilespmem:$0x5190];
	_ =	sdelay $0x4  }
0x4f: {  	v9 =	vshll.u32 v9, $0x4  }
0x50: {  	v9 =	vor.u32 v0, v9;
	_ =	sdelay $0x2  }
0x51: {  	v10 =	vpop (erf)  }
0x52: {  	[tilespmem:$0x5110] =	vst v10  }
0x53: {  	[tilespmem:v9+s11+$0x0] =	vst.idx.add.f32.msk $0xffff, v10  }
0x54: {  	v9 =	vld [tilespmem:$0x4FA0]  }
0x55: {  	v10 =	vld [tilespmem:$0x5020];
	_ =	sdelay $0x6  }
0x56: {  	v9 =	vld.idx.msk [tilespmem:v9+s2+$0x0], $0xffff  }
0x57: {  	v10 =	vld.idx.msk [tilespmem:v10+s5+$0x0], $0xffff;
	_ =	sdelay $0x1  }
0x58: {  	v11 =	vld [tilespmem:$0x50A0];
	_ =	sdelay $0x2  }
0x59: {  	v9 =	vadd.f32 v10, v9;
	_ =	sdelay $0x1  }
0x5a: {  	v9 =	vadd.f32 v11, v9;
	_ =	sdelay $0x1  }
0x5b: {  	v10 =	vmul.f32 $2.000000030e-01, v9  }
0x5c: {  	vm10 =	vge.f32 v9, $0.0e+00  }
0x5d: {  	v9 =	vsel vm10, v9, v10  }
0x5e: {  	v9 =	vsub.f32 v9, v5;
	_ =	sdelay $0x1  }
0x5f: {  	v9 =	vmul.f32 $1.442695020e+00, v9;
	_ =	sdelay $0x1  }
0x60: {  	(erf) = vpow2.f32 v9;
	v9 =	vld [tilespmem:$0x51A0];
	_ =	sdelay $0x4  }
0x61: {  	v9 =	vshll.u32 v9, $0x4  }
0x62: {  	v9 =	vor.u32 v0, v9;
	_ =	sdelay $0x2  }
0x63: {  	v10 =	vpop (erf)  }
0x64: {  	[tilespmem:$0x5120] =	vst v10  }
0x65: {  	[tilespmem:v9+s11+$0x0] =	vst.idx.add.f32.msk $0xffff, v10  }
0x66: {  	v9 =	vld [tilespmem:$0x4FB0]  }
0x67: {  	v10 =	vld [tilespmem:$0x5030];
	_ =	sdelay $0x6  }
0x68: {  	v9 =	vld.idx.msk [tilespmem:v9+s2+$0x0], $0xffff  }
0x69: {  	v10 =	vld.idx.msk [tilespmem:v10+s5+$0x0], $0xffff;
	_ =	sdelay $0x1  }
0x6a: {  	v11 =	vld [tilespmem:$0x50B0];
	_ =	sdelay $0x2  }
0x6b: {  	v9 =	vadd.f32 v10, v9;
	_ =	sdelay $0x1  }
0x6c: {  	v9 =	vadd.f32 v11, v9;
	_ =	sdelay $0x1  }
0x6d: {  	v10 =	vmul.f32 $2.000000030e-01, v9  }
0x6e: {  	vm11 =	vge.f32 v9, $0.0e+00  }
0x6f: {  	v9 =	vsel vm11, v9, v10  }
0x70: {  	v9 =	vsub.f32 v9, v5;
	_ =	sdelay $0x1  }
0x71: {  	v9 =	vmul.f32 $1.442695020e+00, v9;
	_ =	sdelay $0x1  }
0x72: {  	(erf) = vpow2.f32 v9;
	v9 =	vld [tilespmem:$0x51B0];
	_ =	sdelay $0x4  }
0x73: {  	v9 =	vshll.u32 v9, $0x4  }
0x74: {  	v9 =	vor.u32 v0, v9;
	_ =	sdelay $0x2  }
0x75: {  	v10 =	vpop (erf)  }
0x76: {  	[tilespmem:$0x5130] =	vst v10  }
0x77: {  	[tilespmem:v9+s11+$0x0] =	vst.idx.add.f32.msk $0xffff, v10  }
0x78: {  	v9 =	vld [tilespmem:$0x4FC0]  }
0x79: {  	v10 =	vld [tilespmem:$0x5040];
	_ =	sdelay $0x6  }
0x7a: {  	v9 =	vld.idx.msk [tilespmem:v9+s2+$0x0], $0xffff  }
0x7b: {  	v10 =	vld.idx.msk [tilespmem:v10+s5+$0x0], $0xffff;
	_ =	sdelay $0x1  }
0x7c: {  	v11 =	vld [tilespmem:$0x50C0];
	_ =	sdelay $0x2  }
0x7d: {  	v9 =	vadd.f32 v10, v9;
	_ =	sdelay $0x1  }
0x7e: {  	v9 =	vadd.f32 v11, v9;
	_ =	sdelay $0x1  }
0x7f: {  	v10 =	vmul.f32 $2.000000030e-01, v9  }
0x80: {  	vm12 =	vge.f32 v9, $0.0e+00  }
0x81: {  	v9 =	vsel vm12, v9, v10  }
0x82: {  	v9 =	vsub.f32 v9, v5;
	_ =	sdelay $0x1  }
0x83: {  	v9 =	vmul.f32 $1.442695020e+00, v9;
	_ =	sdelay $0x1  }
0x84: {  	(erf) = vpow2.f32 v9;
	v9 =	vld [tilespmem:$0x51C0];
	_ =	sdelay $0x4  }
0x85: {  	v9 =	vshll.u32 v9, $0x4  }
0x86: {  	v9 =	vor.u32 v0, v9;
	_ =	sdelay $0x2  }
0x87: {  	v10 =	vpop (erf)  }
0x88: {  	[tilespmem:$0x5140] =	vst v10  }
0x89: {  	[tilespmem:v9+s11+$0x0] =	vst.idx.add.f32.msk $0xffff, v10  }
0x8a: {  	v9 =	vld [tilespmem:$0x4FD0]  }
0x8b: {  	v10 =	vld [tilespmem:$0x5050];
	_ =	sdelay $0x6  }
0x8c: {  	v9 =	vld.idx.msk [tilespmem:v9+s2+$0x0], $0xffff  }
0x8d: {  	v10 =	vld.idx.msk [tilespmem:v10+s5+$0x0], $0xffff;
	_ =	sdelay $0x1  }
0x8e: {  	v11 =	vld [tilespmem:$0x50D0];
	_ =	sdelay $0x2  }
0x8f: {  	v9 =	vadd.f32 v10, v9;
	_ =	sdelay $0x1  }
0x90: {  	v9 =	vadd.f32 v11, v9;
	_ =	sdelay $0x1  }
0x91: {  	v10 =	vmul.f32 $2.000000030e-01, v9  }
0x92: {  	vm13 =	vge.f32 v9, $0.0e+00  }
0x93: {  	v9 =	vsel vm13, v9, v10  }
0x94: {  	v9 =	vsub.f32 v9, v5;
	_ =	sdelay $0x1  }
0x95: {  	v9 =	vmul.f32 $1.442695020e+00, v9;
	_ =	sdelay $0x1  }
0x96: {  	(erf) = vpow2.f32 v9;
	v9 =	vld [tilespmem:$0x51D0];
	_ =	sdelay $0x4  }
0x97: {  	v9 =	vshll.u32 v9, $0x4  }
0x98: {  	v9 =	vor.u32 v0, v9;
	_ =	sdelay $0x2  }
0x99: {  	v10 =	vpop (erf)  }
0x9a: {  	[tilespmem:$0x5150] =	vst v10  }
0x9b: {  	[tilespmem:v9+s11+$0x0] =	vst.idx.add.f32.msk $0xffff, v10  }
0x9c: {  	v9 =	vld [tilespmem:$0x4FE0]  }
0x9d: {  	v10 =	vld [tilespmem:$0x5060];
	_ =	sdelay $0x6  }
0x9e: {  	v9 =	vld.idx.msk [tilespmem:v9+s2+$0x0], $0xffff  }
0x9f: {  	v10 =	vld.idx.msk [tilespmem:v10+s5+$0x0], $0xffff;
	_ =	sdelay $0x1  }
0xa0: {  	v11 =	vld [tilespmem:$0x50E0];
	_ =	sdelay $0x2  }
0xa1: {  	v9 =	vadd.f32 v10, v9;
	_ =	sdelay $0x1  }
0xa2: {  	v9 =	vadd.f32 v11, v9;
	_ =	sdelay $0x1  }
0xa3: {  	v10 =	vmul.f32 $2.000000030e-01, v9  }
0xa4: {  	vm14 =	vge.f32 v9, $0.0e+00  }
0xa5: {  	v9 =	vsel vm14, v9, v10  }
0xa6: {  	v9 =	vsub.f32 v9, v5;
	_ =	sdelay $0x1  }
0xa7: {  	v9 =	vmul.f32 $1.442695020e+00, v9;
	_ =	sdelay $0x1  }
0xa8: {  	(erf) = vpow2.f32 v9;
	v9 =	vld [tilespmem:$0x51E0];
	_ =	sdelay $0x4  }
0xa9: {  	v9 =	vshll.u32 v9, $0x4  }
0xaa: {  	v9 =	vor.u32 v0, v9;
	_ =	sdelay $0x2  }
0xab: {  	v10 =	vpop (erf)  }
0xac: {  	[tilespmem:$0x5160] =	vst v10  }
0xad: {  	[tilespmem:v9+s11+$0x0] =	vst.idx.add.f32.msk $0xffff, v10  }
0xae: {  	v9 =	vld [tilespmem:$0x4FF0]  }
0xaf: {  	v10 =	vld [tilespmem:$0x5070];
	_ =	sdelay $0x6  }
0xb0: {  	v9 =	vld.idx.msk [tilespmem:v9+s2+$0x0], $0xffff  }
0xb1: {  	v10 =	vld.idx.msk [tilespmem:v10+s5+$0x0], $0xffff;
	_ =	sdelay $0x1  }
0xb2: {  	v11 =	vld [tilespmem:$0x50F0];
	_ =	sdelay $0x2  }
0xb3: {  	v9 =	vadd.f32 v10, v9;
	_ =	sdelay $0x1  }
0xb4: {  	v9 =	vadd.f32 v11, v9;
	_ =	sdelay $0x1  }
0xb5: {  	v10 =	vmul.f32 $2.000000030e-01, v9  }
0xb6: {  	vm15 =	vge.f32 v9, $0.0e+00  }
0xb7: {  	v9 =	vsel vm15, v9, v10  }
0xb8: {  	v9 =	vsub.f32 v9, v5;
	_ =	sdelay $0x1  }
0xb9: {  	v9 =	vmul.f32 $1.442695020e+00, v9;
	_ =	sdelay $0x1  }
0xba: {  	(erf) = vpow2.f32 v9;
	v9 =	vld [tilespmem:$0x51F0];
	_ =	sdelay $0x4  }
0xbb: {  	v9 =	vshll.u32 v9, $0x4  }
0xbc: {  	v9 =	vor.u32 v0, v9;
	_ =	sdelay $0x2  }
0xbd: {  	v10 =	vpop (erf)  }
0xbe: {  	v11 =	vmov s2;
	[tilespmem:$0x5170] =	vst v10  }
0xbf: {  	[tilespmem:v9+s11+$0x0] =	vst.idx.add.f32.msk $0xffff, v10  }
0xc0: {  	_ =	swait.ge [sflag:s21], $0x4000  }
0xc1: {  	[sflag:s21] =	ssyncset.done $0x0  }
0xc2: {  	[sflag:s21] =	ssyncadd.s32 $0xFFFFC000  }
0xc3: {  	v9 =	vld.idx.msk [tilespmem:v11+s18+$0x0], $0xffff;
	_ =	sdelay $0x2  }
0xc4: {  	s24 =	simm.s32 $0x5240;
	v11 =	vld.idx.msk [tilespmem:v11+s22+$0x0], $0xffff  }
0xc5: {  	v10 =	vld [tilespmem:s24+$0xFFFFFFC0]  }
0xc6: {  	v9 =	vshll.u32 v9, $0x7  }
0xc7: {  	v12 =	vor.u32 v0, v9;
	_ =	sdelay $0x2  }
0xc8: {  	v10 =	vmul.f32 v10, v11;
	_ =	sdelay $0x1  }
0xc9: {  	[tilespmem:v12+s7+$0x0] =	vst.idx.add.f32.msk $0xffff, v10  }
0xca: {  	v10 =	vld [tilespmem:s24+$0xFFFFFFD0];
	_ =	sdelay $0x1  }
0xcb: {  	v58 =	vor.u32 v1, v9;
	_ =	sdelay $0x2  }
0xcc: {  	v10 =	vmul.f32 v10, v11;
	_ =	sdelay $0x1  }
0xcd: {  	[tilespmem:v58+s7+$0x0] =	vst.idx.add.f32.msk $0xffff, v10  }
0xce: {  	v10 =	vld [tilespmem:s24+$0xFFFFFFE0];
	_ =	sdelay $0x1  }
0xcf: {  	v59 =	vor.u32 v2, v9;
	_ =	sdelay $0x2  }
0xd0: {  	v10 =	vmul.f32 v10, v11;
	_ =	sdelay $0x1  }
0xd1: {  	[tilespmem:v59+s7+$0x0] =	vst.idx.add.f32.msk $0xffff, v10  }
0xd2: {  	v10 =	vld [tilespmem:s24+$0xFFFFFFF0];
	_ =	sdelay $0x1  }
0xd3: {  	v60 =	vor.u32 v3, v9;
	_ =	sdelay $0x2  }
0xd4: {  	v10 =	vmul.f32 v10, v11;
	_ =	sdelay $0x1  }
0xd5: {  	[tilespmem:v60+s7+$0x0] =	vst.idx.add.f32.msk $0xffff, v10  }
0xd6: {  	v10 =	vld [tilespmem:s24+$0x0];
	_ =	sdelay $0x1  }
0xd7: {  	v61 =	vor.u32 v4, v9;
	_ =	sdelay $0x2  }
0xd8: {  	v10 =	vmul.f32 v10, v11;
	_ =	sdelay $0x1  }
0xd9: {  	[tilespmem:v61+s7+$0x0] =	vst.idx.add.f32.msk $0xffff, v10  }
0xda: {  	v10 =	vld [tilespmem:s24+$0x10];
	_ =	sdelay $0x1  }
0xdb: {  	v62 =	vor.u32 v6, v9;
	_ =	sdelay $0x2  }
0xdc: {  	v10 =	vmul.f32 v10, v11;
	_ =	sdelay $0x1  }
0xdd: {  	[tilespmem:v62+s7+$0x0] =	vst.idx.add.f32.msk $0xffff, v10  }
0xde: {  	v10 =	vld [tilespmem:s24+$0x20];
	_ =	sdelay $0x1  }
0xdf: {  	v63 =	vor.u32 v7, v9;
	_ =	sdelay $0x2  }
0xe0: {  	v10 =	vmul.f32 v10, v11;
	_ =	sdelay $0x1  }
0xe1: {  	[tilespmem:v63+s7+$0x0] =	vst.idx.add.f32.msk $0xffff, v10  }
0xe2: {  	v12 =	vld [tilespmem:s24+$0x30];
	_ =	sdelay $0x1  }
0xe3: {  	s26 =	simm.s32 $0x1;
	v10 =	vor.u32 v8, v9  }
0xe4: {  	v9 =	vmov s26;
	_ =	sdelay $0x1  }
0xe5: {  	s25 =	simm.s32 $0x2;
	v11 =	vmul.f32 v12, v11  }
.LBB2_2:
0xe6: {  	p0 =	sne.s32 s25, $0x7F  }
0xe7: {  	s24 =	sadd.s32 $0x80, s24;
	s26 =	smov.u32 s25;
	s25 =	sadd.s32 $0x1, s25;
	[tilespmem:v10+s7+$0x0] =	vst.idx.add.f32.msk $0xffff, v11  }
0xe8: {  	v10 =	vld.idx.msk [tilespmem:v9+s18+$0x0], $0xffff;
	_ =	sdelay $0x3  }
0xe9: {  	v11 =	vld.idx.msk [tilespmem:v9+s22+$0x0], $0xffff  }
0xea: {  	v9 =	vld [tilespmem:s24+$0xFFFFFFC0]  }
0xeb: {  	v10 =	vshll.u32 v10, $0x7  }
0xec: {  	v12 =	vor.u32 v0, v10;
	_ =	sdelay $0x2  }
0xed: {  	v9 =	vmul.f32 v9, v11;
	_ =	sdelay $0x1  }
0xee: {  	[tilespmem:v12+s7+$0x0] =	vst.idx.add.f32.msk $0xffff, v9  }
0xef: {  	v9 =	vld [tilespmem:s24+$0xFFFFFFD0];
	_ =	sdelay $0x1  }
0xf0: {  	v12 =	vor.u32 v1, v10;
	_ =	sdelay $0x2  }
0xf1: {  	v9 =	vmul.f32 v9, v11;
	_ =	sdelay $0x1  }
0xf2: {  	[tilespmem:v12+s7+$0x0] =	vst.idx.add.f32.msk $0xffff, v9  }
0xf3: {  	v9 =	vld [tilespmem:s24+$0xFFFFFFE0];
	_ =	sdelay $0x1  }
0xf4: {  	v12 =	vor.u32 v2, v10;
	_ =	sdelay $0x2  }
0xf5: {  	v9 =	vmul.f32 v9, v11;
	_ =	sdelay $0x1  }
0xf6: {  	[tilespmem:v12+s7+$0x0] =	vst.idx.add.f32.msk $0xffff, v9  }
0xf7: {  	v9 =	vld [tilespmem:s24+$0xFFFFFFF0];
	_ =	sdelay $0x1  }
0xf8: {  	v12 =	vor.u32 v3, v10;
	_ =	sdelay $0x2  }
0xf9: {  	v9 =	vmul.f32 v9, v11;
	_ =	sdelay $0x1  }
0xfa: {  	[tilespmem:v12+s7+$0x0] =	vst.idx.add.f32.msk $0xffff, v9  }
0xfb: {  	v9 =	vld [tilespmem:s24+$0x0];
	_ =	sdelay $0x1  }
0xfc: {  	v12 =	vor.u32 v4, v10;
	_ =	sdelay $0x2  }
0xfd: {  	v9 =	vmul.f32 v9, v11;
	_ =	sdelay $0x1  }
0xfe: {  	[tilespmem:v12+s7+$0x0] =	vst.idx.add.f32.msk $0xffff, v9  }
0xff: {  	v9 =	vld [tilespmem:s24+$0x10];
	_ =	sdelay $0x1  }
0x100: {  	v12 =	vor.u32 v6, v10;
	_ =	sdelay $0x2  }
0x101: {  	v9 =	vmul.f32 v9, v11;
	_ =	sdelay $0x1  }
0x102: {  	[tilespmem:v12+s7+$0x0] =	vst.idx.add.f32.msk $0xffff, v9  }
0x103: {  	v9 =	vld [tilespmem:s24+$0x20];
	_ =	sdelay $0x1  }
0x104: {  	v12 =	vor.u32 v7, v10;
	_ =	sdelay $0x2  }
0x105: {  	v9 =	vmul.f32 v9, v11;
	_ =	sdelay $0x1  }
0x106: {  	[tilespmem:v12+s7+$0x0] =	vst.idx.add.f32.msk $0xffff, v9  }
0x107: {  	v12 =	vld [tilespmem:s24+$0x30]  }
.Ltmp0:
0x108: {  	(pc) =	sbr.rel @p0 .LBB2_2-.Ltmp0, $3  }
0x109: {  	v10 =	vor.u32 v8, v10  }
0x10a: {  	v9 =	vmov s26;
	_ =	sdelay $0x1  }
0x10b: {  	v11 =	vmul.f32 v12, v11  }
0x10c: {  	_ =	sdelay $0x3  }
0x10d: {  	[tilespmem:v10+s7+$0x0] =	vst.idx.add.f32.msk $0xffff, v11  }
0x10e: {  	v10 =	vld.idx.msk [tilespmem:v9+s18+$0x0], $0xffff;
	_ =	sdelay $0x2  }
0x10f: {  	s24 =	sadd.s32 $0x80, s24;
	v9 =	vld.idx.msk [tilespmem:v9+s22+$0x0], $0xffff  }
0x110: {  	v11 =	vld [tilespmem:s24+$0xFFFFFFC0]  }
0x111: {  	v10 =	vshll.u32 v10, $0x7  }
0x112: {  	v12 =	vor.u32 v0, v10;
	_ =	sdelay $0x2  }
0x113: {  	v11 =	vmul.f32 v11, v9;
	_ =	sdelay $0x1  }
0x114: {  	[tilespmem:v12+s7+$0x0] =	vst.idx.add.f32.msk $0xffff, v11  }
0x115: {  	v11 =	vld [tilespmem:s24+$0xFFFFFFD0];
	_ =	sdelay $0x1  }
0x116: {  	v58 =	vor.u32 v1, v10;
	_ =	sdelay $0x2  }
0x117: {  	v11 =	vmul.f32 v11, v9;
	_ =	sdelay $0x1  }
0x118: {  	[tilespmem:v58+s7+$0x0] =	vst.idx.add.f32.msk $0xffff, v11  }
0x119: {  	v11 =	vld [tilespmem:s24+$0xFFFFFFE0];
	_ =	sdelay $0x1  }
0x11a: {  	v59 =	vor.u32 v2, v10;
	_ =	sdelay $0x2  }
0x11b: {  	v11 =	vmul.f32 v11, v9;
	_ =	sdelay $0x1  }
0x11c: {  	[tilespmem:v59+s7+$0x0] =	vst.idx.add.f32.msk $0xffff, v11  }
0x11d: {  	v11 =	vld [tilespmem:s24+$0xFFFFFFF0];
	_ =	sdelay $0x1  }
0x11e: {  	v60 =	vor.u32 v3, v10;
	_ =	sdelay $0x2  }
0x11f: {  	v11 =	vmul.f32 v11, v9;
	_ =	sdelay $0x1  }
0x120: {  	[tilespmem:v60+s7+$0x0] =	vst.idx.add.f32.msk $0xffff, v11  }
0x121: {  	v11 =	vld [tilespmem:s24+$0x0];
	_ =	sdelay $0x1  }
0x122: {  	v61 =	vor.u32 v4, v10;
	_ =	sdelay $0x2  }
0x123: {  	v11 =	vmul.f32 v11, v9;
	_ =	sdelay $0x1  }
0x124: {  	[tilespmem:v61+s7+$0x0] =	vst.idx.add.f32.msk $0xffff, v11  }
0x125: {  	v11 =	vld [tilespmem:s24+$0x10];
	_ =	sdelay $0x1  }
0x126: {  	v62 =	vor.u32 v6, v10;
	_ =	sdelay $0x2  }
0x127: {  	v11 =	vmul.f32 v11, v9;
	_ =	sdelay $0x1  }
0x128: {  	[tilespmem:v62+s7+$0x0] =	vst.idx.add.f32.msk $0xffff, v11  }
0x129: {  	v11 =	vld [tilespmem:s24+$0x20];
	_ =	sdelay $0x1  }
0x12a: {  	v63 =	vor.u32 v7, v10;
	_ =	sdelay $0x2  }
0x12b: {  	v11 =	vmul.f32 v11, v9;
	_ =	sdelay $0x1  }
0x12c: {  	[tilespmem:v63+s7+$0x0] =	vst.idx.add.f32.msk $0xffff, v11  }
0x12d: {  	v11 =	vld [tilespmem:s24+$0x30]  }
0x12e: {  	s23 =	sadd.s32 $0x1, s23  }
0x12f: {  	p0 =	sne.s32 s23, $0x9D;
	v10 =	vor.u32 v8, v10  }
.Ltmp1:
0x130: {  	_ = 	snop;
	(pc) =	sbr.rel @p0 .LBB2_1-.Ltmp1, $3  }
0x131: {  	_ = 	snop  }
0x132: {  	v9 =	vmul.f32 v11, v9;
	_ =	sdelay $0x1  }
0x133: {  	[tilespmem:v10+s7+$0x0] =	vst.idx.add.f32.msk $0xffff, v9  }
0x134: {  	s1 =	sshrl.u32 s4, $0x3;
	s2 =	sshll.u32 s4, $0x7  }
0x135: {  	s3 =	sshll.u32 s1, $0xF;
	s2 =	sand.u32 $0x380, s2  }
0x136: {  	[bflag:$0x0] =	sbarrier.arrive $0xFFFF;
	s5 =	simm.s32 $0x80;
	s3 =	sor.u32 s2, s3  }
0x137: {  	s7 =	simm.s32 $0x400;
	s8 =	simm.s32 $0x9200;
	s3 =	sshrl.u32 s3, $0x3  }
0x138: {  	s30 =	simm.s32 $0x2;
	s1 =	sshll.u32 s1, $0xC;
	s3 =	sadd.s32 s9, s3  }
0x139: {  	[hbm4b:s3+s5] =	stream.strided.scatter [tilespmem:s8], [sflag:$0x2], $0x1000, s7, s5, $0x38;
	[tilespmem:$0xA400] =	vst v63  }
0x13a: {  	s1 =	sor.u32 s2, s1;
	_ =	swait.ge [sflag:s30], $0x1000  }
0x13b: {  	s1 =	sshrl.u32 s1, $0x3;
	[sflag:s30] =	ssyncset.done $0x0  }
0x13c: {  	s31 =	simm.s32 $0xA200;
	s1 =	sadd.s32 s6, s1;
	[sflag:s30] =	ssyncadd.s32 $0xFFFFF000  }
0x13d: {  	[hbm4b:s1+s5] =	stream.strided.scatter [tilespmem:s31], [sflag:$0x2], $0x200, s7, s5, $0x38;
	[tilespmem:$0xA400] =	vst v63  }
0x13e: {  	_ =	swait.ge [sflag:s30], $0x200  }
0x13f: {  	[sflag:s30] =	ssyncset.done $0x0  }
0x140: {  	[sflag:s30] =	ssyncadd.s32 $0xFFFFFE00  }
0x141: {  	_ =	sfence.sel $0x180000  }
0x142: {  	[bflag:$0x0] =	sbarrier.arrive $0xFFFF  }
0x143: {  	p0 =	sne.s32 s4, $0x0;
	_ =	strace $0x9000004D  }
0x144: {  	s0 =	sadd.s32 @!p0 $0x100000, s0;
	[bflag:$0x2] =	sbarrier.arrive $0xFFFF  }
0x145: {  	[sflag:s0] =	ssyncadd.tile.s32 @!p0 $0x1;
	_ =	shalt  }
.Lfunc_end2:
_tile_overlayer_lowered:
.L_overlay_start_2:
0x146: {  	(tag) =	ssettag $0x2  }
0x147: {  	s0 =	rddreg [dreg:$0x0];
	s2 =	stileid.u32  }
0x148: {  	s1 =	rddreg [dreg:$0x1];
	p0 =	sne.s32 s2, $0x0  }
0x149: {  	s3 =	rddreg [dreg:$0x2];
	[bflag:$0x3] =	sbarrier.arrive $0xFFFF;
	s2 =	simm.s32 @!p0 $0x1C02  }
0x14a: {  	[timem:s3], [sflag:s2] =	dma.local @!p0 [hbm:s0], s1  }
0x14b: {  	s0 =	simm.s32 @!p0 $0x2  }
0x14c: {  	_ =	swait.ge @!p0 [sflag:s0], s1  }
0x14d: {  	s1 =	ssub.s32 @!p0 $0x0, s1;
	[sflag:s0] =	ssyncset.done @!p0 $0x0  }
0x14e: {  	[sflag:s0] =	ssyncadd.s32 @!p0 s1  }
0x14f: {  	[bflag:$0x3] =	sbarrier.arrive $0xFFFF  }
0x150: {  	_ =	shalt  }

// kernel: scatter_offload_async_start.1
scs
__scs_entry_jumppad:
0x0: {  	(pc) =	sbr.rel $0x88, $3  }
0x1: {  	(tag) =	ssettag $0x0;
	lr =	simm.s32 $0x1  }
0x2: {  	[smem:$0x3F8A] =	sst lr;
	_ =	strace $0xD0000000  }
0x3: {  	_ = 	snop  }
0x4: {  	_ = 	snop  }
0x5: {  	_ = 	snop  }
0x6: {  	_ = 	snop  }
0x7: {  	_ = 	snop  }
__scs_overlays_trampoline_lowered:
0x8: {  	[smem:$0x3F99] =	sst s0  }
0x9: {  	[smem:$0x3F9A] =	sst s1  }
0xa: {  	[smem:$0x3F9B] =	sst s2  }
0xb: {  	[smem:$0x3F9C] =	sst s3  }
0xc: {  	[smem:$0x3F9D] =	sst s4  }
0xd: {  	[smem:$0x3F9E] =	sst s5  }
0xe: {  	[smem:$0x3F9F] =	sst s6  }
0xf: {  	[smem:$0x3FA0] =	sst s7  }
0x10: {  	[smem:$0x3FA1] =	sst s8  }
0x11: {  	[smem:$0x3FA2] =	sst s9;
	s0 =	simm.s32 @!p0 $0x0  }
0x12: {  	s1 =	sld [smem:$0x3F88];
	s0 =	simm.s32 @p0 $0x1  }
0x13: {  	[smem:$0x3FA3] =	sst s0;
	s0 =	simm.s32 @!p1 $0x0  }
0x14: {  	s2 =	sld [smem:$0x3F87];
	s0 =	simm.s32 @p1 $0x1  }
0x15: {  	[smem:$0x3FA4] =	sst s0;
	s0 =	simm.s32 @!p2 $0x0  }
0x16: {  	s3 =	sld [smem:$0x3FDB];
	s0 =	simm.s32 @p2 $0x1  }
0x17: {  	s4 =	simm.s32 $0x1BF5;
	[smem:$0x3FA6] =	sst s0  }
0x18: {  	s0 =	sld [smem:$0x3F89];
	_ =	swait.ge [sflag:s4], $0x0  }
0x19: {  	s7 =	sld [smem:$0x3F8A]  }
0x1a: {  	s8 =	sadd.s32 $0xFFFFE003, lr  }
0x1b: {  	s9 =	sadd.s32 $0xFFFFFEF7, lr;
	s5 =	simm.s32 $0xFFFFFFFF;
	p2 =	slt.u32 s8, $0xFFFFF086  }
0x1c: {  	p1 =	slt.u32 s9, $0xF7A;
	s5 =	simm.s32 @!p2 $0x0  }
0x1d: {  	s5 =	simm.s32 @p1 $0x1;
	p0 =	seq.s32 s7, s2  }
0x1e: {  	s7 =	smul.u32 @!p0 $0xF7A, s2;
	p2 =	seq.s32 @!p0 s5, $0x0  }
0x1f: {  	s9 =	smul.u32 $0xF7A, s1;
	s8 =	simm.s32 @!p0 $0x1BF5;
	p2 =	por !p2, p0  }
0x20: {  	[sflag:s8] =	ssyncset.s32 @!p0 $0xFFFFF086;
	s6 =	sadd.s32 @!p0 s3, s7;
	s7 =	simm.s32 @!p0 $0x108  }
0x21: {  	s3 =	sadd.s32 s3, s9;
	s6 =	sadd.s32 @!p0 $0x88, s6;
	s7 =	simm.s32 @p2 $0x1082  }
0x22: {  	[simem:s7], [sflag:s8] =	dma.local @!p0 [hbm:s6], $0xF7A  }
0x23: {  	s9 =	sor.u32 $0xD0000000, s2;
	s6 =	simm.s32 $0x108;
	_ =	swait.ge @!p0 [sflag:s8], $0x0  }
0x24: {  	s3 =	sadd.s32 $0x88, s3;
	s6 =	simm.s32 @!p1 $0x1082;
	[sflag:s4] =	ssyncset.s32 $0xFFFFF086  }
0x25: {  	[simem:s6], [sflag:s4] =	dma.local [hbm:s3], $0xF7A  }
0x26: {  	[smem:$0x3F8A] =	sst s1;
	(tag) =	ssettag s2;
	_ =	strace s9  }
0x27: {  	s1 =	sld [smem:$0x3F9A]  }
0x28: {  	s2 =	sld [smem:$0x3F9B]  }
0x29: {  	s4 =	sld [smem:$0x3F9D]  }
0x2a: {  	p0 =	seq.s32 s5, $0x0;
	s5 =	sld [smem:$0x3F9E]  }
0x2b: {  	s6 =	sld [smem:$0x3F9F]  }
0x2c: {  	s7 =	sld [smem:$0x3FA0]  }
0x2d: {  	s3 =	simm.s32 $0x108;
	s8 =	sld [smem:$0x3FA1]  }
0x2e: {  	s3 =	simm.s32 @!p0 $0x1082;
	s9 =	sld [smem:$0x3FA2]  }
0x2f: {  	lr =	sadd.s32 s0, s3;
	s0 =	sld [smem:$0x3F99]  }
0x30: {  	s3 =	sld [smem:$0x3F9C]  }
0x31: {  	[smem:$0x3FA5] =	sst s10  }
0x32: {  	s10 =	sld [smem:$0x3FA3];
	_ =	sdelay $0x3  }
0x33: {  	p0 =	seq.s32 s10, $0x1;
	s10 =	sld [smem:$0x3FA5];
	_ =	sdelay $0x3  }
0x34: {  	[smem:$0x3FA5] =	sst s10  }
0x35: {  	s10 =	sld [smem:$0x3FA4];
	_ =	sdelay $0x3  }
0x36: {  	p1 =	seq.s32 s10, $0x1;
	s10 =	sld [smem:$0x3FA5];
	_ =	sdelay $0x3  }
0x37: {  	[smem:$0x3FA5] =	sst s10  }
0x38: {  	s10 =	sld [smem:$0x3FA6]  }
0x39: {  	_ = 	snop;
	(pc) =	sbr.ind lr, $3  }
0x3a: {  	_ = 	snop  }
0x3b: {  	_ = 	snop  }
0x3c: {  	p2 =	seq.s32 s10, $0x1;
	s10 =	sld [smem:$0x3FA5]  }
0x3d: {  	_ =	shalt  }
0x3e: {  	_ =	shalt  }
0x3f: {  	_ =	shalt  }
0x40: {  	_ =	shalt  }
0x41: {  	_ =	shalt  }
0x42: {  	_ =	shalt  }
0x43: {  	_ =	shalt  }
0x44: {  	_ =	shalt  }
0x45: {  	_ =	shalt  }
0x46: {  	_ =	shalt  }
0x47: {  	_ =	shalt  }
0x48: {  	_ =	shalt  }
0x49: {  	_ =	shalt  }
0x4a: {  	_ =	shalt  }
0x4b: {  	_ =	shalt  }
0x4c: {  	_ =	shalt  }
0x4d: {  	_ =	shalt  }
0x4e: {  	_ =	shalt  }
0x4f: {  	_ =	shalt  }
0x50: {  	_ =	shalt  }
0x51: {  	_ =	shalt  }
0x52: {  	_ =	shalt  }
0x53: {  	_ =	shalt  }
0x54: {  	_ =	shalt  }
0x55: {  	_ =	shalt  }
0x56: {  	_ =	shalt  }
0x57: {  	_ =	shalt  }
0x58: {  	_ =	shalt  }
0x59: {  	_ =	shalt  }
0x5a: {  	_ =	shalt  }
0x5b: {  	_ =	shalt  }
0x5c: {  	_ =	shalt  }
0x5d: {  	_ =	shalt  }
0x5e: {  	_ =	shalt  }
0x5f: {  	_ =	shalt  }
0x60: {  	_ =	shalt  }
0x61: {  	_ =	shalt  }
0x62: {  	_ =	shalt  }
0x63: {  	_ =	shalt  }
0x64: {  	_ =	shalt  }
0x65: {  	_ =	shalt  }
0x66: {  	_ =	shalt  }
0x67: {  	_ =	shalt  }
0x68: {  	_ =	shalt  }
0x69: {  	_ =	shalt  }
0x6a: {  	_ =	shalt  }
0x6b: {  	_ =	shalt  }
0x6c: {  	_ =	shalt  }
0x6d: {  	_ =	shalt  }
0x6e: {  	_ =	shalt  }
0x6f: {  	_ =	shalt  }
0x70: {  	_ =	shalt  }
0x71: {  	_ =	shalt  }
0x72: {  	_ =	shalt  }
0x73: {  	_ =	shalt  }
0x74: {  	_ =	shalt  }
0x75: {  	_ =	shalt  }
0x76: {  	_ =	shalt  }
0x77: {  	_ =	shalt  }
0x78: {  	_ =	shalt  }
0x79: {  	_ =	shalt  }
0x7a: {  	_ =	shalt  }
0x7b: {  	_ =	shalt  }
0x7c: {  	_ =	shalt  }
0x7d: {  	_ =	shalt  }
0x7e: {  	_ =	shalt  }
0x7f: {  	_ =	shalt  }
0x80: {  	_ =	shalt  }
0x81: {  	_ =	shalt  }
0x82: {  	_ =	shalt  }
0x83: {  	_ =	shalt  }
0x84: {  	_ =	shalt  }
0x85: {  	_ =	shalt  }
0x86: {  	_ =	shalt  }
0x87: {  	_ =	shalt  }
.Lfunc_end0:
.L_simem_size_0:
called_computation.1_lowered:
.L_overlay_start_0:
0x88: {  	s0 =	sld [smem:$0x3FD9]  }
0x89: {  	s1 =	sld [smem:$0x3FFE];
	_ =	sdelay $0x3  }
0x8a: {  	s0 =	sadd.s32 s1, s0  }
0x8b: {  	[smem:$0x3FB1] =	sst s0  }
0x8c: {  	_ = 	snop  }
0x8d: {  	(tm) =	ssettm $0x1  }
0x8e: {  	s15 =	sld [smem:$0x3FFB];
	_ =	sdelay $0x3  }
0x8f: {  	_ =	strace s15  }
0x90: {  	s0 =	sld [smem:$0x3FFC];
	_ =	sdelay $0x3  }
0x91: {  	_ =	strace s0  }
0x92: {  	s0 =	sld [smem:$0x3FFD];
	_ =	sdelay $0x3  }
0x93: {  	_ =	strace s0  }
0x94: {  	_ =	strace $0x8FFFFFFF  }
0x95: {  	s16 =	sld [smem:$0x3FDB];
	_ =	sdelay $0x1  }
0x96: {  	s17 =	simm.s32 $_scs_section_size  }
0x97: {  	s2 =	simm.s32 $_size__tile_overlayer_lowered;
	s3 =	simm.s32 $_tile_overlayer_lowered  }
0x98: {  	s20 =	simm.s32 $0x1BFF;
	s19 =	sshll.u32 s3, $0x1;
	s0 =	sadd.s32 s17, s16  }
0x99: {  	s4 =	simm.s32 $0x0;
	s18 =	sshll.u32 s2, $0x1;
	s2 =	sadd.s32 s19, s0  }
0x9a: {  	[timem:s4], [sflag:s20] =	dma.local [hbm:s2], s18  }
0x9b: {  	_ =	swait.ge [sflag:s20], s18  }
0x9c: {  	s1 =	ssub.s32 $0x0, s18;
	[sflag:s20] =	ssyncset.done $0x0  }
0x9d: {  	[sflag:s20] =	ssyncadd.s32 s1;
	_ =	sdelay $0x1  }
0x9e: {  	s21 =	simm.s32 $0x1B8B  }
0x9f: {  	_ =	swait.ge [sflag:s21], $0x1  }
0xa0: {  	[sflag:s21] =	ssyncset.done $0x0  }
0xa1: {  	s23 =	simm.s32 $0x1B8E;
	s22 =	sld [smem:$0x3FFE];
	[sflag:s21] =	ssyncadd.s32 $0xFFFFFFFF  }
0xa2: {  	s24 =	simm.s32 $execute0_lowered;
	[smem:$0x3FD2] =	sst s23  }
0xa3: {  	s2 =	sshll.u32 s24, $0x1;
	_ =	strace $0x80000046;
	[dreg:$0x1] =	wrdreg $0xFFFFFFFF  }
0xa4: {  	s25 =	simm.s32 $_size_execute0_lowered;
	s0 =	sadd.s32 s0, s2;
	[dreg:$0x0] =	wrdreg $0x0  }
0xa5: {  	s2 =	sshll.u32 s25, $0x1;
	[dreg:$0x2] =	wrdreg s0  }
0xa6: {  	[dreg:$0x3] =	wrdreg s2  }
0xa7: {  	[dreg:$0x4] =	wrdreg $0xC0  }
0xa8: {  	_ =	task [dreg:s4], $0x5FFFF  }
0xa9: {  	[dreg:$0x1] =	wrdreg $0xFFFFFFFF  }
0xaa: {  	[dreg:$0x0] =	wrdreg $0x60  }
0xab: {  	[dreg:$0x2] =	wrdreg s22  }
0xac: {  	[dreg:$0x3] =	wrdreg $0xA  }
0xad: {  	_ =	task.clear_ibuf [dreg:s4], $0x4FFFF;
	_ =	strace $0x90000046  }
0xae: {  	s26 =	simm.s32 $0xA;
	_ =	strace $0x80000048  }
0xaf: {  	_ =	swait.ge [sflag:s26], $0x1  }
0xb0: {  	[sflag:s26] =	ssyncadd.s32 $0xFFFFFFFF  }
0xb1: {  	_ =	strace $0x90000048  }
0xb2: {  	_ =	sfence  }
0xb3: {  	s28 =	sld [smem:$0x0];
	_ =	sdelay $0x1  }
0xb4: {  	s29 =	srdreg.scid  }
0xb5: {  	s30 =	sshll.u32 s29, $0xD;
	s31 =	sshrl.u32 s29, $0x2  }
0xb6: {  	s1 =	sand.u32 $0x1, s29;
	s2 =	sand.u32 $0x4000, s30;
	s0 =	sadd.s32 s31, s28  }
0xb7: {  	s1 =	sor.u32 s2, s1;
	s0 =	sshll.u32 s0, $0x11  }
0xb8: {  	s0 =	sor.u32 s0, s1  }
0xb9: {  	s0 =	sadd.s32 $0x8F2B, s0  }
0xba: {  	[sflag:s0] =	ssyncadd.remote.s32 $0x1  }
0xbb: {  	_ =	sfence.sel $0xFFFF  }
0xbc: {  	[dreg:$0x0] =	wrdreg $0xFFFFFFFF;
	(pc) =	sbr.abs _section_cstart, $3  }
0xbd: {  	[dreg:$0x1] =	wrdreg $0xFFFFFFFF  }
0xbe: {  	_ =	task.clear_ibuf [dreg:s4], $0x2FFFF;
	_ =	strace $0x9FFFFFFF  }
0xbf: {  	(tm) =	ssettm $0x7FFFFFFF  }
tec
execute0_lowered:
.L_overlay_start_1:
0x0: {  	(tag) =	ssettag $0x1  }
0x1: {  	s0 =	rddreg [dreg:$0x0];
	_ =	strace $0x80000047;
	s15 =	stileid.u32  }
0x2: {  	s2 =	simm.s32 $0x1;
	s1 =	smin.u32 s15, $0x8;
	s3 =	sshll.u32 s15, $0x1  }
0x3: {  	v1 =	vimm.s32 $0xFFFFFFFF;
	[sflag:s2] =	ssyncpa.u1 $0x0;
	s1 =	sadd.s32 s1, s3  }
0x4: {  	p0 =	slt.u32 s15, $0x8;
	[tilespmem:$0x10] =	vst v1;
	s4 =	smul.u32 $0x1F40, s1;
	s1 =	simm.s32 $0x5DC0  }
0x5: {  	v0 =	vimm.f32 $0.0e+00;
	[tilespmem:$0x20] =	vst v1;
	s1 =	simm.s32 @!p0 $0x3E80  }
0x6: {  	[tilespmem:$0x30] =	vst v0;
	s1 =	sadd.s32 s1, s4  }
0x7: {  	[tilespmem:$0x40] =	vst v0;
	s5 =	smin.u32 s1, $0x4E200  }
0x8: {  	s7 =	simm.s32 $0x2;
	s8 =	simm.s32 $0x8;
	[tilespmem:$0x50] =	vst v0;
	s9 =	ssub.s32 s5, s4  }
0x9: {  	s31 =	simm.s32 $0x9;
	s16 =	simm.s32 $0x0;
	[tilespmem:$0x60] =	vst v1;
	p0 =	sgt.s32 s9, $0x0  }
0xa: {  	s17 =	simm.s32 $0xF0;
	s18 =	simm.s32 $0xFFFFFFFF;
	[tilespmem:$0x70] =	vst v1;
	s9 =	simm.s32 @!p0 $0x0  }
0xb: {  	s19 =	simm.s32 $0xFFFFC280;
	s20 =	simm.s32 $0xFFFFFFFE;
	[tilespmem:$0x80] =	vst v1;
	s30 =	smulhi.u32 $0x10624DD3, s9  }
0xc: {  	s21 =	simm.s32 $0xF;
	s25 =	simm.s32 $0x0;
	s24 =	simm.s32 $0x0;
	v1 =	vimm.s32 $0x0;
	[tilespmem:$0xB0] =	vst v0  }
0xd: {  	s6 =	sadd.s32 $0x5A6C00, s0;
	s15 =	sshllo.u32 s15, $0x1;
	[tilespmem:$0x90] =	vst v1;
	s10 =	sshrl.u32 s30, $0x9  }
0xe: {  	[tilespmem:$0xA0] =	vst v1;
	[sflag:s7] =	ssyncpa.u1 $0x0;
	s7 =	simm.s32 $0x7;
	s11 =	smul.u32 $0x1F40, s10  }
.Ltmp0:
0xf: {  	s13 =	sor.u32 $0x80, s3;
	[sflag:s7] =	ssyncpa.u1 $0x0;
	(pc) =	sbr.rel .LBB2_1-.Ltmp0, $4  }
0x10: {  	s14 =	sor.u32 $0x81, s3;
	[sflag:s8] =	ssyncpa.u1 $0x0;
	p0 =	sne.s32 s9, s11  }
0x11: {  	s23 =	smov.u32 s4;
	s1 =	sadd.s32 $0x45600, s0;
	s2 =	simm.s32 @!p0 $0x0  }
0x12: {  	vm0 =	vmmov $0xffff;
	v2 =	vlaneseq.u32;
	[sflag:s31] =	ssyncpa.u1 $0x0;
	s9 =	sadd.s32 $0x3B800, s0;
	s10 =	sadd.s32 s2, s10  }
0x13: {  	vm1 =	vmxor vm1, vm1;
	vm2 =	vmmov $0x1;
	vm3 =	vcmask $0x3F3C;
	p0 =	por $0x0, $0x0;
	s11 =	sadd.s32 $0x1, s10;
	s12 =	sadd.s32 $0x2, s10  }
.LBB2_9:
0x14: {  	p1 =	slt.u32 s24, $0x3  }
0x15: {  	s0 =	simm.s32 @!p1 $0x2  }
0x16: {  	_ =	swait.ge @!p1 [sflag:s0], $0x1F40  }
0x17: {  	[sflag:s0] =	ssyncset.done @!p1 $0x0  }
0x18: {  	[sflag:s0] =	ssyncadd.s32 @!p1 $0xFFFFE0C0;
	s0 =	simm.s32 @!p1 $0x9  }
0x19: {  	_ =	swait.ge @!p1 [sflag:s0], $0x10  }
0x1a: {  	[sflag:s0] =	ssyncset.done @!p1 $0x0  }
0x1b: {  	[sflag:s0] =	ssyncadd.s32 @!p1 $0xFFFFFFF0;
	p1 =	sne.s32 s24, s12  }
.Ltmp1:
0x1c: {  	s2 =	sadd.s32 $0x1F40, s23;
	(pc) =	sbr.rel @!p1 .LBB2_10-.Ltmp1, $4  }
0x1d: {  	s22 =	smov.u32 s4;
	s31 =	sadd.s32 $0x1, s24;
	s17 =	sadd.s32 $0x1F40, s17  }
0x1e: {  	s18 =	sadd.s32 $0x1, s18;
	s25 =	smov.u32 s23;
	p2 =	slt.s32 s2, s5  }
0x1f: {  	p0 =	por !p0, !p0;
	s19 =	sadd.s32 $0x1F40, s19;
	s22 =	smov.u32 @p2 s2  }
0x20: {  	s20 =	sadd.s32 $0x1, s20;
	s23 =	smov.u32 s22;
	s24 =	smov.u32 s31  }
.LBB2_1:
0x21: {  	p1 =	sge.u32 s24, s10  }
0x22: {  	s0 =	smulhi.u32 @!p1 $0xAAAAAAAB, s24;
	_ =	sdelay $0x1  }
0x23: {  	s0 =	sshrl.u32 @!p1 s0, $0x1  }
0x24: {  	s0 =	smul.u32 @!p1 $0x3, s0;
	_ =	sdelay $0x1  }
0x25: {  	s0 =	ssub.s32 @!p1 s24, s0  }
0x26: {  	s0 =	smul.u32 @!p1 $0x7D00, s0;
	_ =	sdelay $0x1  }
0x27: {  	s2 =	sshrl.u32 @!p1 s23, $0x3;
	s0 =	sshrl.u32 @!p1 s0, $0x2  }
0x28: {  	s22 =	sand.u32 @!p1 $0x7, s23;
	s2 =	sadd.s32 @!p1 s6, s2;
	s0 =	sadd.s32 @!p1 $0x100, s0  }
0x29: {  	[tilespmem:s0], [sflag:$0x7] =	stream.linear.gather @!p1 [hbm4b:s2+s22], $0x1F40, $0x38;
	[tilespmem:$0x11A60] =	vst v63  }
0x2a: {  	s0 =	sadd.s32 $0xFFFFFFFF, s24  }
0x2b: {  	p1 =	sge.u32 s0, s10  }
.Ltmp2:
0x2c: {  	_ = 	snop;
	(pc) =	sbr.rel @p1 .LBB2_5-.Ltmp2, $1  }
0x2d: {  	_ =	sdelay $0x3  }
0x2e: {  	s2 =	smulhi.u32 $0xAAAAAAAB, s0;
	_ =	sdelay $0x1  }
0x2f: {  	s2 =	sshrl.u32 s2, $0x1  }
0x30: {  	s2 =	smul.u32 $0x3, s2;
	_ =	sdelay $0x1  }
0x31: {  	s2 =	ssub.s32 s0, s2  }
0x32: {  	s2 =	smul.u32 $0x7D00, s2  }
0x33: {  	_ =	swait.ge [sflag:s7], $0x1F40  }
0x34: {  	[sflag:s7] =	ssyncset.done $0x0;
	s2 =	sshrl.u32 s2, $0x2  }
0x35: {  	[sflag:s7] =	ssyncadd.s32 $0xFFFFE0C0;
	(ifvalue) =	ssetifvalue $0xFFFFFFFF;
	v3 =	vld.msk [tilespmem:s2+$0x100 ss:$0x1], $0xffff;
	_ =	sdelay $0x2  }
0x36: {  	s30 =	smulhi.u32 $0xAAAAAAAB, s18;
	p1 =	sne.s32 s24, $0x1  }
0x37: {  	v4 =	vimm.s32 @!p1 $0x0  }
0x38: {  	s2 =	sshrl.u32 s30, $0x1;
	v4 =	vperm.xlane @!p1 v3, v4  }
0x39: {  	s22 =	sshll.u32 s24, $0x4;
	s2 =	smul.u32 $0xFFFE8900, s2;
	vm4 =	vlt.u32 v3, $0x2800  }
0x3a: {  	s22 =	sand.u32 $0x10, s22;
	v3 =	vnsel vm4, $0xFFFFFFFE, v3;
	vm4 =	vlt.u32 @!p1 v4, $0x2800  }
0x3b: {  	s2 =	sshra.s32 s2, $0x2;
	[tilespmem:s22+$0x60] =	vst v3;
	v3 =	vnsel @!p1 vm4, $0xFFFFFFFE, v4  }
0x3c: {  	s28 =	sadd.s32 s2, s17;
	[tilespmem:$0x80] =	vst @!p1 v3  }
0x3d: {  	v3 =	vld.msk [tilespmem:s28+$0x0 ss:$0x1], $0xffff;
	_ =	sdelay $0x4  }
0x3e: {  	(xrf1) =	vunique.msk.u32 $0xffff, v3;
	_ =	sdelay $0xd  }
0x3f: {  	v4 =	vimm.s32 $0xFFFFFFFF;
	v5, _, _ =	vpop (xrf1)  }
0x40: {  	vm5 =	vne.s32 v3, v4;
	vm4 =	veq.s32 v5, v2  }
0x41: {  	vm6 =	vlt.u32 v3, $0x2800;
	vm4 =	vmand vm5, vm4  }
0x42: {  	vm4 =	vmand vm6, vm4  }
0x43: {  	v4 =	vnsel vm4, $0xFFFFFFFF, v3  }
0x44: {  	s31 =	sand.u32 $0x1, s0  }
0x45: {  	s0 =	simm.s32 $0x1F40;
	p1 =	seq.s32 s31, $0x1  }
0x46: {  	s0 =	simm.s32 @!p1 $0x0  }
0x47: {  	s26 =	sadd.s32 $0x7DF0, s0;
	(ifvalue) =	ssetifvalue $0xFFFFFFFF  }
0x48: {  	v3 =	vperm.xlane v3, v1;
	[tilespmem:s26], [sflag:$0x8] =	stream.indirect_vreg.gather [hbm4b:s1+s16], $0x1, v4, vm0, $0x4038;
	v4 =	vnsel vm6, $0xFFFFFFFE, v4;
	[tilespmem:$0x11A60] =	vst v63  }
0x49: {  	s2 =	simm.s32 $0x0;
	s22 =	sadd.s32 $0xFFFFFFF0, s28;
	[tilespmem:s28+$0x0] =	vst v4  }
.LBB2_3:
0x4a: {  	v4 =	vld.msk [tilespmem:s22+$0x0 ss:$0x1], $0xffff;
	s2 =	sadd.s32 $0x10, s2;
	v5 =	vmov v3;
	s28 =	smov.u32 s22  }
0x4b: {  	p1 =	slt.u32 s2, $0x1F30;
	_ =	sdelay $0x4  }
0x4c: {  	v3 =	vperm.xlane v4, v1;
	(xrf1) =	vunique.msk.u32 $0xffff, v4;
	_ =	sdelay $0xd  }
0x4d: {  	v6, _, _ =	vpop (xrf1)  }
0x4e: {  	vm5 =	vne.s32 v4, v5;
	vm4 =	veq.s32 v6, v2  }
0x4f: {  	vm6 =	vlt.u32 v4, $0x2800;
	vm4 =	vmand vm5, vm4  }
0x50: {  	vm4 =	vmand vm6, vm4  }
0x51: {  	v4 =	vnsel vm4, $0xFFFFFFFF, v4  }
.Ltmp3:
0x52: {  	v5 =	vnsel vm6, $0xFFFFFFFE, v4;
	(pc) =	sbr.rel @p1 .LBB2_3-.Ltmp3, $3  }
0x53: {  	_ =	sdelay $0x1  }
0x54: {  	s22 =	sadd.s32 $0xFFFFFFF0, s22;
	s26 =	sadd.s32 $0xFFFFFFF0, s26;
	(ifvalue) =	ssetifvalue $0xFFFFFFFF  }
0x55: {  	[tilespmem:s26], [sflag:$0x8] =	stream.indirect_vreg.gather [hbm4b:s1+s16], $0x1, v4, vm0, $0x4038;
	[tilespmem:s28+$0x0] =	vst v5  }
0x56: {  	s2 =	sshrl.u32 s25, $0x3  }
0x57: {  	s0 =	sadd.s32 $0x9D40, s0;
	s2 =	sadd.s32 s9, s2  }
0x58: {  	[tilespmem:s0], [sflag:$0x8] =	stream.linear.gather [hbm:s2], $0x1F40, $0x38;
	[tilespmem:$0x11A60] =	vst v63  }
.LBB2_5:
0x59: {  	p1 =	slt.u32 s24, $0x2  }
0x5a: {  	p2 =	sge.u32 @!p1 s24, s12  }
0x5b: {  	p1 =	por p1, p2  }
.Ltmp4:
0x5c: {  	_ = 	snop;
	(pc) =	sbr.rel @p1 .LBB2_9-.Ltmp4, $1  }
0x5d: {  	_ =	sdelay $0x3  }
0x5e: {  	s0 =	sadd.s32 $0xFFFFFFFE, s24  }
0x5f: {  	s2 =	smulhi.u32 $0xAAAAAAAB, s0;
	_ =	sdelay $0x1  }
0x60: {  	s2 =	sshrl.u32 s2, $0x1  }
0x61: {  	s2 =	smul.u32 $0x3, s2;
	_ =	sdelay $0x1  }
0x62: {  	s0 =	ssub.s32 s0, s2  }
0x63: {  	_ =	swait.ge [sflag:s8], $0x3E80;
	s0 =	smul.u32 $0x1F40, s0  }
0x64: {  	p1 =	sne.s32 s24, s11;
	[sflag:s8] =	ssyncset.done $0x0  }
0x65: {  	[sflag:s8] =	ssyncadd.s32 $0xFFFFC180;
	s2 =	sadd.s32 @!p1 $0x203F, s0  }
0x66: {  	[spmem:s14] =	stream.linear.scatter @!p1 [tilespmem:s2], [sflag:$0x1], $0x1, $0x38;
	[tilespmem:$0x11A60] =	vst v63  }
0x67: {  	s2 =	simm.s32 @!p1 $0x1  }
0x68: {  	_ =	swait.ge @!p1 [sflag:s2], $0x1  }
0x69: {  	s22 =	sshll.u32 s24, $0x4;
	[sflag:s2] =	ssyncset.done @!p1 $0x0  }
0x6a: {  	s25 =	sand.u32 $0x10, s22;
	[sflag:s2] =	ssyncadd.s32 @!p1 $0xFFFFFFFF  }
0x6b: {  	s2 =	sxor.u32 $0x10, s25;
	v4 =	vld [tilespmem:s25+$0x10]  }
0x6c: {  	v5 =	vld [tilespmem:s2+$0x60]  }
0x6d: {  	v3 =	vld [tilespmem:$0x80];
	_ =	sdelay $0x2  }
0x6e: {  	(v2sf) =	vpush v4, $0x0  }
0x6f: {  	(v2sf) =	vpush v5, $0x0  }
0x70: {  	(v2sf) =	vpush v3, $0x0;
	_ =	sdelay $0xc  }
0x71: {  	s22 =	spop (v2sf)  }
0x72: {  	s26 =	spop (v2sf)  }
0x73: {  	s28 =	spop (v2sf)  }
0x74: {  	p2 =	seq.s32 s22, s26;
	p3 =	seq.s32 s28, s22  }
0x75: {  	p3 =	por p2, p3  }
0x76: {  	s26 =	sand.u32 $0x1, s24;
	v4 =	vpsel p3, $0xFFFFFFFF, v4  }
0x77: {  	s29 =	smul.u32 $0x1F40, s26;
	[tilespmem:s25+$0x10] =	vst.msk $0x1, v4  }
0x78: {  	v4 =	vld [tilespmem:$0x30]  }
0x79: {  	v5 =	vld [tilespmem:s29+$0x9D40]  }
0x7a: {  	v6 =	vld [tilespmem:s25+$0x40];
	_ =	sdelay $0x3  }
0x7b: {  	vm4 =	vmmov vm1;
	v5 =	vadd.f32 v5, v4  }
0x7c: {  	vm5 =	vmmov vm2;
	vm4 =	vmmov @p2 vm2;
	s22 =	sshll.u32 s26, $0x4;
	v4 =	vadd.f32 v6, v4  }
0x7d: {  	s26 =	sor.u32 $0x11A40, s22;
	vm5 =	vmmov @p3 vm1;
	[tilespmem:s29+$0x9D40] =	vst.msk vm4, v5  }
0x7e: {  	[tilespmem:s26+$0x0] =	vst.msk vm5, v4  }
0x7f: {  	v4 =	vld [tilespmem:s29+$0x7DF0];
	_ =	sdelay $0x3  }
0x80: {  	v5 =	vimm.f32 $0.0e+00  }
0x81: {  	v4 =	vshift.insert v4, v5, s21  }
0x82: {  	s22 =	sor.u32 $0x40, s2  }
0x83: {  	[tilespmem:s22+$0x0] =	vst.msk $0x1, v4  }
0x84: {  	[tilespmem:s29+$0x7DFF] =	vst.msk $0x1, v5  }
0x85: {  	v4 =	vld [tilespmem:s0+$0x2030];
	_ =	sdelay $0x1  }
0x86: {  	s22 =	smulhi.u32 $0xAAAAAAAB, s20;
	s0 =	simm.s32 $0x1  }
0x87: {  	s0 =	simm.s32 @!p0 $0x0  }
0x88: {  	s22 =	sshrl.u32 s22, $0x1;
	s0 =	smul.u32 $0x7D00, s0  }
0x89: {  	s22 =	smul.u32 $0xFFFE8900, s22;
	v4 =	vshift.insert v4, v1, s21  }
0x8a: {  	s0 =	sshrl.u32 s0, $0x2  }
0x8b: {  	s22 =	sshra.s32 s22, $0x2;
	s30 =	sadd.s32 $0x9D40, s0;
	[tilespmem:s2+$0x10] =	vst.msk $0x1, v4  }
0x8c: {  	s22 =	sadd.s32 s22, s19;
	v6 =	vld [tilespmem:s30+$0x0]  }
0x8d: {  	v7 =	vld [tilespmem:s22+$0x0];
	_ =	sdelay $0x3  }
0x8e: {  	v5 =	vadd.f32 v6, v5  }
0x8f: {  	vm4 =	vne.s32 v7, $0xFFFFFFFF  }
0x90: {  	(xrf2) =	vadd.seg.scan.f32 vm4, v5;
	_ =	sdelay $0x3  }
0x91: {  	s31 =	sadd.s32 $0x5EC0, s0;
	v5 =	vperm.xlane v4, v1  }
0x92: {  	v6 =	vld [tilespmem:s31+$0x0]  }
0x93: {  	vm5 =	veq.s32 v7, v3;
	vm6 =	veq.s32 v7, v5  }
0x94: {  	vm7 =	vgt.u32 v7, $0xFFFFFFFD;
	vm6 =	vmor vm6, vm5  }
0x95: {  	vm6 =	vmor vm6, vm7  }
0x96: {  	v9 =	vld [tilespmem:$0xA0];
	v7 =	vsel vm6, $0xFFFFFFFF, v7  }
0x97: {  	v10 =	vld [tilespmem:$0x90];
	v6 =	vsel vm5, $0x0, v6;
	v8, _, _ =	vpop (xrf2)  }
0x98: {  	v6 =	vadd.f32 v8, v6  }
0x99: {  	s0 =	sadd.s32 $0xDBC0, s0  }
0x9a: {  	vm4 =	vmand vm4, vm3;
	[tilespmem:s0+$0x0] =	vst v6;
	(ifvalue) =	ssetifvalue $0xFFFFFFFF  }
0x9b: {  	vm6 =	veq.s32 v9, $0x1;
	[hbm4b:s1+s16] =	stream.indirect_vreg.scatter [tilespmem:s0], [sflag:$0x2], $0x1, v7, vm0, $0x4038;
	v7 =	vsel vm4, $0x0, v8;
	[tilespmem:$0x11A60] =	vst v63  }
0x9c: {  	s2 =	simm.s32 $0x0;
	s22 =	sadd.s32 $0x10, s22;
	vm4 =	vmor vm6, vm5;
	v6 =	vsel vm5, v8, v10;
	v7 =	vshift.insert v7, v0, s21  }
.LBB2_7:
0x9d: {  	v8 =	vld [tilespmem:s22+$0x0];
	s30 =	sadd.s32 $0x10, s30  }
0x9e: {  	s31 =	sadd.s32 $0x10, s31;
	v9 =	vld [tilespmem:s30+$0x0]  }
0x9f: {  	s2 =	sadd.s32 $0x10, s2;
	v10 =	vld [tilespmem:s31+$0x0]  }
0xa0: {  	p2 =	slt.u32 s2, $0x1F30;
	_ =	sdelay $0x2  }
0xa1: {  	v7 =	vadd.f32 v9, v7  }
0xa2: {  	vm5 =	vne.s32 v8, $0xFFFFFFFF  }
0xa3: {  	vm6 =	vmand vm5, vm3;
	(xrf2) =	vadd.seg.scan.f32 vm5, v7;
	_ =	sdelay $0x5  }
0xa4: {  	vm7 =	veq.s32 v8, v5;
	vm5 =	veq.s32 v8, v3  }
0xa5: {  	vm8 =	vgt.u32 v8, $0xFFFFFFFD;
	vm4 =	vmor vm4, vm5;
	vm7 =	vmor vm7, vm5  }
0xa6: {  	vm7 =	vmor vm7, vm8  }
0xa7: {  	v8 =	vsel vm7, $0xFFFFFFFF, v8  }
.Ltmp5:
0xa8: {  	v7 =	vsel vm5, $0x0, v10;
	v9, _, _ =	vpop (xrf2);
	(pc) =	sbr.rel @p2 .LBB2_7-.Ltmp5, $4  }
0xa9: {  	v6 =	vsel vm5, v9, v6;
	v10 =	vadd.f32 v9, v7;
	v7 =	vsel vm6, $0x0, v9  }
0xaa: {  	s0 =	sadd.s32 $0x10, s0;
	v7 =	vshift.insert v7, v0, s21  }
0xab: {  	s22 =	sadd.s32 $0x10, s22;
	[tilespmem:s0+$0x0] =	vst v10;
	(ifvalue) =	ssetifvalue $0xFFFFFFFF  }
0xac: {  	[hbm4b:s1+s16] =	stream.indirect_vreg.scatter [tilespmem:s0], [sflag:$0x2], $0x1, v8, vm0, $0x4038;
	[tilespmem:$0x11A60] =	vst v63  }
0xad: {  	v3 =	vld [tilespmem:s29+$0xFAF0];
	_ =	sdelay $0x4  }
0xae: {  	v3 =	vshift.insert v3, v0, s21  }
0xaf: {  	s0 =	simm.s32 $0x30  }
0xb0: {  	[tilespmem:s0+$0x0] =	vst.msk $0x1, v3  }
0xb1: {  	v3 =	vsel vm4, $0x1, v1;
	[tilespmem:$0x90] =	vst v6  }
0xb2: {  	s0 =	sadd.s32 @!p1 $0xFAFF, s29;
	[tilespmem:$0xA0] =	vst v3  }
0xb3: {  	[spmem:s15] =	stream.linear.scatter @!p1 [tilespmem:s0], [sflag:$0x1], $0x1, $0x38;
	[tilespmem:$0x11A60] =	vst v63  }
0xb4: {  	s0 =	simm.s32 @!p1 $0x1  }
0xb5: {  	v3 =	vmctz.xlane @!p1 vm4;
	_ =	swait.ge @!p1 [sflag:s0], $0x1  }
0xb6: {  	(v2sf) =	vpush @!p1 v4, $0x0  }
0xb7: {  	(v2sf) =	vpush @!p1 v3, $0x0;
	_ =	sdelay $0xd  }
0xb8: {  	s2 =	spop @!p1 (v2sf)  }
0xb9: {  	s22 =	spop @!p1 (v2sf)  }
0xba: {  	p2 =	sne.s32 @!p1 s28, s2;
	p3 =	slt.s32 @!p1 s22, $0xF  }
0xbb: {  	[sflag:s0] =	ssyncset.done @!p1 $0x0;
	p2 =	por p2, p1;
	p3 =	por !p3, p1  }
0xbc: {  	[sflag:s0] =	ssyncadd.s32 @!p1 $0xFFFFFFFF;
	v3 =	vimm.s32 @!p2 $0xFFFFFFFF;
	s22 =	simm.s32 @p3 $0xF  }
0xbd: {  	[tilespmem:$0x80] =	vst @!p2 v3;
	s2 =	sadd.s32 @!p1 $0x90, s22  }
0xbe: {  	[spmem:s3] =	stream.linear.scatter @!p1 [tilespmem:s2], [sflag:$0x1], $0x1, $0x38;
	[tilespmem:$0x11A60] =	vst v63  }
0xbf: {  	_ =	swait.ge @!p1 [sflag:s0], $0x1  }
0xc0: {  	[sflag:s0] =	ssyncset.done @!p1 $0x0  }
0xc1: {  	s2 =	simm.s32 @!p1 $0x80;
	[sflag:s0] =	ssyncadd.s32 @!p1 $0xFFFFFFFF  }
0xc2: {  	[spmem:s13] =	stream.linear.scatter @!p1 [tilespmem:s2], [sflag:$0x1], $0x1, $0x38;
	[tilespmem:$0x11A60] =	vst v63  }
0xc3: {  	_ =	swait.ge @!p1 [sflag:s0], $0x1  }
0xc4: {  	[sflag:s0] =	ssyncset.done @!p1 $0x0  }
0xc5: {  	[sflag:s0] =	ssyncadd.s32 @!p1 $0xFFFFFFFF;
	(ifvalue) =	ssetifvalue $0xFFFFFFFF;
	v3 =	vld [tilespmem:s25+$0x10];
	_ =	sdelay $0x3  }
.Ltmp6:
0xc6: {  	_ = 	snop;
	(pc) =	sbr.rel .LBB2_9-.Ltmp6, $3  }
0xc7: {  	_ =	sdelay $0x1  }
0xc8: {  	(ifvalue) =	ssetifvalue $0xFFFFFFFF  }
0xc9: {  	[hbm4b:s1+s16] =	stream.indirect_vreg.scatter [tilespmem:s26], [sflag:$0x9], $0x1, v3, vm0, $0x4038;
	[tilespmem:$0x11A60] =	vst v63  }
.LBB2_10:
0xca: {  	_ =	sfence.sel $0x180000  }
0xcb: {  	s0 =	simm.s32 $0x7;
	[bflag:$0x0] =	sbarrier.arrive $0xFFFF  }
0xcc: {  	s26 =	simm.s32 $0x8;
	[sflag:s0] =	ssyncpa.u1 $0x1  }
0xcd: {  	s28 =	simm.s32 $0x9;
	[sflag:s26] =	ssyncpa.u1 $0x1  }
0xce: {  	[sflag:s28] =	ssyncpa.u1 $0x1  }
0xcf: {  	_ =	sfence.stream.spmem  }
0xd0: {  	s29 =	simm.s32 $0x3;
	[bflag:$0x0] =	sbarrier.arrive $0xFFFF  }
0xd1: {  	s30 =	simm.s32 $0x4;
	[sflag:s29] =	ssyncpa.u1 $0x1  }
0xd2: {  	s31 =	simm.s32 $0x3C;
	s2 =	stileid.u32;
	[sflag:s30] =	ssyncpa.u1 $0x1  }
0xd3: {  	p0 =	sne.s32 s2, $0x0;
	[sflag:s31] =	ssyncpa.u1 $0x1  }
0xd4: {  	s0 =	simm.s32 @p0 $0x1;
	_ =	sfence @p0  }
0xd5: {  	[sflag:s0] =	ssyncpa.u1 @p0 $0x1;
	s0 =	simm.s32 @p0 $0x2  }
0xd6: {  	[sflag:s0] =	ssyncpa.u1 @p0 $0x1  }
0xd7: {  	_ =	strace @p0 $0x90000047  }
0xd8: {  	[bflag:$0x2] =	sbarrier.arrive @p0 $0xFFFF  }
0xd9: {  	_ =	shalt @p0  }
.LBB2_11:
0xda: {  	_ =	sfence.stream.spmem;
	s0 =	simm.s32 $0x5  }
0xdb: {  	s2 =	simm.s32 $0x80;
	s3 =	simm.s32 $0xC0;
	[sflag:s0] =	ssyncpa.u1 $0x0  }
0xdc: {  	[tilespmem:s3], [sflag:$0x5] =	stream.linear.gather [spmem:s2], $0x20, $0x38;
	[tilespmem:$0x11A60] =	vst v63  }
0xdd: {  	s2 =	simm.s32 $0x0;
	s3 =	simm.s32 $0xE0  }
0xde: {  	[tilespmem:s3], [sflag:$0x5] =	stream.linear.gather [spmem:s2], $0x20, $0x38;
	[tilespmem:$0x11A60] =	vst v63  }
.Ltmp7:
0xdf: {  	_ = 	snop;
	(pc) =	sbr.rel .LBB2_12-.Ltmp7, $4  }
0xe0: {  	_ =	swait.ge [sflag:s0], $0x40  }
0xe1: {  	[sflag:s0] =	ssyncset.done $0x0  }
0xe2: {  	s31 =	simm.s32 $0x6;
	[sflag:s0] =	ssyncadd.s32 $0xFFFFFFC0  }
0xe3: {  	s4 =	simm.s32 $0x0;
	[sflag:s31] =	ssyncpa.u1 $0x0  }
.LBB2_17:
0xe4: {  	p0 =	sgt.u32 s5, $0x27FF  }
0xe5: {  	s0 =	sshrl.u32 @!p0 s5, $0x3  }
0xe6: {  	s5 =	sand.u32 @!p0 $0x7, s5;
	s6 =	simm.s32 @!p0 $0xB0;
	s0 =	sadd.s32 @!p0 s1, s0  }
0xe7: {  	[tilespmem:s6], [sflag:$0x6] =	stream.linear.gather @!p0 [hbm4b:s0+s5], $0x1, $0x38;
	[tilespmem:$0x11A60] =	vst v63  }
0xe8: {  	s0 =	simm.s32 @!p0 $0x6  }
0xe9: {  	_ =	swait.ge @!p0 [sflag:s0], $0x1  }
0xea: {  	[sflag:s0] =	ssyncset.done @!p0 $0x0  }
0xeb: {  	[sflag:s0] =	ssyncadd.s32 @!p0 $0xFFFFFFFF  }
0xec: {  	v2 =	vmov @!p0 s4;
	v1 =	vld.msk @!p0 [tilespmem:$0xB0], $0x1;
	_ =	sdelay $0x3  }
0xed: {  	s0 =	simm.s32 @!p0 $0xE0  }
0xee: {  	[tilespmem:v2+s0+$0x0], v1 =	vst.idx.ret.add.f32.msk @!p0 $0x1, v1  }
0xef: {  	[tilespmem:s2+$0xC0] =	vst.msk $0x1, v0  }
0xf0: {  	v0 =	vld.msk [tilespmem:s4+$0xE0], $0x1;
	_ =	sdelay $0x4  }
0xf1: {  	[tilespmem:s2+$0xE0] =	vst.msk $0x1, v0;
	s2 =	sadd.s32 $0x1, s2  }
.LBB2_19:
0xf2: {  	s4 =	sadd.s32 $0x1, s4  }
0xf3: {  	p0 =	sne.s32 s4, $0x20  }
.Ltmp8:
0xf4: {  	_ = 	snop;
	(pc) =	sbr.rel @!p0 .LBB2_20-.Ltmp8, $1  }
0xf5: {  	_ =	sdelay $0x3  }
.LBB2_12:
0xf6: {  	v0 =	vld.msk [tilespmem:s4+$0xC0], $0x1;
	_ =	sdelay $0x4  }
0xf7: {  	(v2sf) =	vpush v0, $0x0;
	_ =	sdelay $0xe  }
0xf8: {  	s5 =	spop (v2sf)  }
0xf9: {  	p0 =	seq.s32 s5, $0xFFFFFFFF  }
.Ltmp9:
0xfa: {  	_ = 	snop;
	(pc) =	sbr.rel @p0 .LBB2_19-.Ltmp9, $1  }
0xfb: {  	_ =	sdelay $0x3  }
0xfc: {  	p0 =	slt.s32 s2, $0x1  }
.Ltmp10:
0xfd: {  	_ = 	snop;
	(pc) =	sbr.rel @p0 .LBB2_17-.Ltmp10, $1  }
0xfe: {  	_ =	sdelay $0x3  }
0xff: {  	s0 =	simm.s32 $0xC0;
	p0 =	por $0x0, $0x0  }
0x100: {  	v1 =	vld.msk @!p0 [tilespmem:s0+$0x0], $0x1;
	_ =	sdelay $0x4  }
0x101: {  	(v2sf) =	vpush @!p0 v1, $0x0;
	_ =	sdelay $0xd  }
0x102: {  	p2 =	sne.s32 s2, $0x1  }
.Ltmp11:
0x103: {  	s6 =	spop @!p0 (v2sf);
	(pc) =	sbr.rel @!p2 .LBB2_16-.Ltmp11, $4  }
0x104: {  	p1 =	seq.s32 @!p0 s5, s6  }
0x105: {  	s6 =	simm.s32 $0x0;
	p1 =	por !p1, p0  }
0x106: {  	s8 =	simm.s32 $0xFFFFFFFF;
	s6 =	simm.s32 @p1 $0xFFFFFFFF  }
0x107: {  	s7 =	simm.s32 $0x1;
	s6 =	smov.u32 @p0 s8  }
.LBB2_15:
0x108: {  	s8 =	smov.u32 s6;
	p0 =	sne.s32 s6, $0xFFFFFFFF  }
0x109: {  	s0 =	sadd.s32 $0x1, s0;
	s6 =	smov.u32 s7;
	s7 =	sadd.s32 $0x1, s7  }
0x10a: {  	p1 =	sne.s32 s2, s7;
	v1 =	vld.msk @!p0 [tilespmem:s0+$0x0], $0x1;
	_ =	sdelay $0x4  }
0x10b: {  	(v2sf) =	vpush @!p0 v1, $0x0;
	_ =	sdelay $0xe  }
.Ltmp12:
0x10c: {  	s9 =	spop @!p0 (v2sf);
	(pc) =	sbr.rel @p1 .LBB2_15-.Ltmp12, $4  }
0x10d: {  	p2 =	seq.s32 @!p0 s5, s9  }
0x10e: {  	p2 =	por !p2, p0  }
0x10f: {  	s6 =	simm.s32 @p2 $0xFFFFFFFF  }
0x110: {  	s6 =	smov.u32 @p0 s8  }
.LBB2_16:
0x111: {  	p0 =	sne.s32 s6, $0xFFFFFFFF  }
.Ltmp13:
0x112: {  	_ = 	snop;
	(pc) =	sbr.rel @!p0 .LBB2_17-.Ltmp13, $1  }
0x113: {  	_ =	sdelay $0x3  }
0x114: {  	v0 =	vld.msk [tilespmem:s4+$0xE0], $0x1;
	v1 =	vmov s6  }
.Ltmp14:
0x115: {  	_ = 	snop;
	(pc) =	sbr.rel .LBB2_19-.Ltmp14, $2  }
0x116: {  	_ =	sdelay $0x2  }
0x117: {  	[tilespmem:v1+s3+$0x0], v0 =	vst.idx.ret.add.f32.msk $0x1, v0  }
.LBB2_20:
0x118: {  	p0 =	slt.s32 s2, $0x1  }
.Ltmp15:
0x119: {  	_ = 	snop;
	(pc) =	sbr.rel @p0 .LBB2_24-.Ltmp15, $3  }
0x11a: {  	_ =	sdelay $0x1  }
0x11b: {  	s0 =	simm.s32 $0x6  }
0x11c: {  	s3 =	simm.s32 $0x0;
	[sflag:s0] =	ssyncpa.u1 $0x1  }
0x11d: {  	s0 =	simm.s32 $0xC0  }
0x11e: {  	v0 =	vld.msk [tilespmem:s0+$0x0], $0x1;
	_ =	sdelay $0x4  }
0x11f: {  	(v2sf) =	vpush v0, $0x0;
	_ =	sdelay $0xe  }
0x120: {  	s2 =	sadd.s32 $0xFFFFFFFF, s2;
	s4 =	spop (v2sf)  }
0x121: {  	p1 =	sne.s32 s2, $0x0;
	p0 =	sgt.u32 s4, $0x27FF  }
.Ltmp16:
0x122: {  	s5 =	sshrl.u32 @!p0 s4, $0x3;
	(pc) =	sbr.rel @!p1 .LBB2_23-.Ltmp16, $4  }
0x123: {  	s0 =	simm.s32 $0xE0;
	s4 =	sand.u32 @!p0 $0x7, s4;
	s5 =	sadd.s32 @!p0 s1, s5  }
0x124: {  	[hbm4b:s5+s4] =	stream.linear.scatter @!p0 [tilespmem:s0], [sflag:$0x5], $0x1, $0x38;
	[tilespmem:$0x11A60] =	vst v63  }
0x125: {  	s5 =	simm.s32 $0x0  }
0x126: {  	s4 =	simm.s32 $0xC1;
	s5 =	simm.s32 @!p0 $0x4  }
.LBB2_22:
0x127: {  	v0 =	vld.msk [tilespmem:s4+$0x0], $0x1;
	s2 =	sadd.s32 $0xFFFFFFFF, s2;
	s3 =	sadd.s32 s3, s5  }
0x128: {  	p0 =	sne.s32 s2, $0x0;
	_ =	sdelay $0x3  }
0x129: {  	(v2sf) =	vpush v0, $0x0;
	_ =	sdelay $0xe  }
.Ltmp17:
0x12a: {  	s6 =	spop (v2sf);
	(pc) =	sbr.rel @p0 .LBB2_22-.Ltmp17, $4  }
0x12b: {  	s5 =	simm.s32 $0x0;
	p1 =	sgt.u32 s6, $0x27FF  }
0x12c: {  	s0 =	sadd.s32 $0x1, s0;
	s5 =	simm.s32 @!p1 $0x4;
	s7 =	sshrl.u32 @!p1 s6, $0x3  }
0x12d: {  	s4 =	sadd.s32 $0x1, s4;
	s6 =	sand.u32 @!p1 $0x7, s6;
	s7 =	sadd.s32 @!p1 s1, s7  }
0x12e: {  	[hbm4b:s7+s6] =	stream.linear.scatter @!p1 [tilespmem:s0], [sflag:$0x5], $0x1, $0x38;
	[tilespmem:$0x11A60] =	vst v63  }
.LBB2_23:
0x12f: {  	s0 =	sadd.s32 s3, s5  }
0x130: {  	s3 =	sshrl.u32 s0, $0x2  }
.LBB2_24:
0x131: {  	s0 =	simm.s32 $0x5  }
0x132: {  	_ =	swait.ge [sflag:s0], s3  }
0x133: {  	s1 =	ssub.s32 $0x0, s3;
	[sflag:s0] =	ssyncset.done $0x0  }
0x134: {  	[sflag:s0] =	ssyncadd.s32 s1  }
0x135: {  	[sflag:s0] =	ssyncpa.u1 $0x1  }
0x136: {  	s29 =	simm.s32 $0x1;
	_ =	sfence  }
0x137: {  	s30 =	simm.s32 $0x2;
	[sflag:s29] =	ssyncpa.u1 $0x1  }
0x138: {  	[sflag:s30] =	ssyncpa.u1 $0x1  }
0x139: {  	_ =	strace $0x90000047  }
0x13a: {  	[bflag:$0x2] =	sbarrier.arrive $0xFFFF  }
0x13b: {  	s31 =	rddreg [dreg:$0x1]  }
0x13c: {  	s0 =	sadd.s32 $0x100000, s31  }
0x13d: {  	[sflag:s0] =	ssyncadd.tile.s32 $0x1;
	_ =	shalt  }
.Lfunc_end2:
_tile_overlayer_lowered:
.L_overlay_start_2:
0x13e: {  	(tag) =	ssettag $0x2  }
0x13f: {  	s0 =	rddreg [dreg:$0x0];
	s2 =	stileid.u32  }
0x140: {  	s1 =	rddreg [dreg:$0x1];
	p0 =	sne.s32 s2, $0x0  }
0x141: {  	s3 =	rddreg [dreg:$0x2];
	[bflag:$0x3] =	sbarrier.arrive $0xFFFF;
	s2 =	simm.s32 @!p0 $0x1C01  }
0x142: {  	[timem:s3], [sflag:s2] =	dma.local @!p0 [hbm:s0], s1  }
0x143: {  	s0 =	simm.s32 @!p0 $0x1  }
0x144: {  	_ =	swait.ge @!p0 [sflag:s0], s1  }
0x145: {  	s1 =	ssub.s32 @!p0 $0x0, s1;
	[sflag:s0] =	ssyncset.done @!p0 $0x0  }
0x146: {  	[sflag:s0] =	ssyncadd.s32 @!p0 s1  }
0x147: {  	[bflag:$0x3] =	sbarrier.arrive $0xFFFF  }
0x148: {  	_ =	shalt  }

// kernel: scatter_offload_async_start
scs
__scs_entry_jumppad:
0x0: {  	(pc) =	sbr.rel $0x88, $3  }
0x1: {  	(tag) =	ssettag $0x0;
	lr =	simm.s32 $0x1  }
0x2: {  	[smem:$0x3F8A] =	sst lr;
	_ =	strace $0xD0000000  }
0x3: {  	_ = 	snop  }
0x4: {  	_ = 	snop  }
0x5: {  	_ = 	snop  }
0x6: {  	_ = 	snop  }
0x7: {  	_ = 	snop  }
__scs_overlays_trampoline_lowered:
0x8: {  	[smem:$0x3F99] =	sst s0  }
0x9: {  	[smem:$0x3F9A] =	sst s1  }
0xa: {  	[smem:$0x3F9B] =	sst s2  }
0xb: {  	[smem:$0x3F9C] =	sst s3  }
0xc: {  	[smem:$0x3F9D] =	sst s4  }
0xd: {  	[smem:$0x3F9E] =	sst s5  }
0xe: {  	[smem:$0x3F9F] =	sst s6  }
0xf: {  	[smem:$0x3FA0] =	sst s7  }
0x10: {  	[smem:$0x3FA1] =	sst s8  }
0x11: {  	[smem:$0x3FA2] =	sst s9;
	s0 =	simm.s32 @!p0 $0x0  }
0x12: {  	s1 =	sld [smem:$0x3F88];
	s0 =	simm.s32 @p0 $0x1  }
0x13: {  	[smem:$0x3FA3] =	sst s0;
	s0 =	simm.s32 @!p1 $0x0  }
0x14: {  	s2 =	sld [smem:$0x3F87];
	s0 =	simm.s32 @p1 $0x1  }
0x15: {  	[smem:$0x3FA4] =	sst s0;
	s0 =	simm.s32 @!p2 $0x0  }
0x16: {  	s3 =	sld [smem:$0x3FDB];
	s0 =	simm.s32 @p2 $0x1  }
0x17: {  	s4 =	simm.s32 $0x1BF5;
	[smem:$0x3FA6] =	sst s0  }
0x18: {  	s0 =	sld [smem:$0x3F89];
	_ =	swait.ge [sflag:s4], $0x0  }
0x19: {  	s7 =	sld [smem:$0x3F8A]  }
0x1a: {  	s8 =	sadd.s32 $0xFFFFE003, lr  }
0x1b: {  	s9 =	sadd.s32 $0xFFFFFEF7, lr;
	s5 =	simm.s32 $0xFFFFFFFF;
	p2 =	slt.u32 s8, $0xFFFFF086  }
0x1c: {  	p1 =	slt.u32 s9, $0xF7A;
	s5 =	simm.s32 @!p2 $0x0  }
0x1d: {  	s5 =	simm.s32 @p1 $0x1;
	p0 =	seq.s32 s7, s2  }
0x1e: {  	s7 =	smul.u32 @!p0 $0xF7A, s2;
	p2 =	seq.s32 @!p0 s5, $0x0  }
0x1f: {  	s9 =	smul.u32 $0xF7A, s1;
	s8 =	simm.s32 @!p0 $0x1BF5;
	p2 =	por !p2, p0  }
0x20: {  	[sflag:s8] =	ssyncset.s32 @!p0 $0xFFFFF086;
	s6 =	sadd.s32 @!p0 s3, s7;
	s7 =	simm.s32 @!p0 $0x108  }
0x21: {  	s3 =	sadd.s32 s3, s9;
	s6 =	sadd.s32 @!p0 $0x88, s6;
	s7 =	simm.s32 @p2 $0x1082  }
0x22: {  	[simem:s7], [sflag:s8] =	dma.local @!p0 [hbm:s6], $0xF7A  }
0x23: {  	s9 =	sor.u32 $0xD0000000, s2;
	s6 =	simm.s32 $0x108;
	_ =	swait.ge @!p0 [sflag:s8], $0x0  }
0x24: {  	s3 =	sadd.s32 $0x88, s3;
	s6 =	simm.s32 @!p1 $0x1082;
	[sflag:s4] =	ssyncset.s32 $0xFFFFF086  }
0x25: {  	[simem:s6], [sflag:s4] =	dma.local [hbm:s3], $0xF7A  }
0x26: {  	[smem:$0x3F8A] =	sst s1;
	(tag) =	ssettag s2;
	_ =	strace s9  }
0x27: {  	s1 =	sld [smem:$0x3F9A]  }
0x28: {  	s2 =	sld [smem:$0x3F9B]  }
0x29: {  	s4 =	sld [smem:$0x3F9D]  }
0x2a: {  	p0 =	seq.s32 s5, $0x0;
	s5 =	sld [smem:$0x3F9E]  }
0x2b: {  	s6 =	sld [smem:$0x3F9F]  }
0x2c: {  	s7 =	sld [smem:$0x3FA0]  }
0x2d: {  	s3 =	simm.s32 $0x108;
	s8 =	sld [smem:$0x3FA1]  }
0x2e: {  	s3 =	simm.s32 @!p0 $0x1082;
	s9 =	sld [smem:$0x3FA2]  }
0x2f: {  	lr =	sadd.s32 s0, s3;
	s0 =	sld [smem:$0x3F99]  }
0x30: {  	s3 =	sld [smem:$0x3F9C]  }
0x31: {  	[smem:$0x3FA5] =	sst s10  }
0x32: {  	s10 =	sld [smem:$0x3FA3];
	_ =	sdelay $0x3  }
0x33: {  	p0 =	seq.s32 s10, $0x1;
	s10 =	sld [smem:$0x3FA5];
	_ =	sdelay $0x3  }
0x34: {  	[smem:$0x3FA5] =	sst s10  }
0x35: {  	s10 =	sld [smem:$0x3FA4];
	_ =	sdelay $0x3  }
0x36: {  	p1 =	seq.s32 s10, $0x1;
	s10 =	sld [smem:$0x3FA5];
	_ =	sdelay $0x3  }
0x37: {  	[smem:$0x3FA5] =	sst s10  }
0x38: {  	s10 =	sld [smem:$0x3FA6]  }
0x39: {  	_ = 	snop;
	(pc) =	sbr.ind lr, $3  }
0x3a: {  	_ = 	snop  }
0x3b: {  	_ = 	snop  }
0x3c: {  	p2 =	seq.s32 s10, $0x1;
	s10 =	sld [smem:$0x3FA5]  }
0x3d: {  	_ =	shalt  }
0x3e: {  	_ =	shalt  }
0x3f: {  	_ =	shalt  }
0x40: {  	_ =	shalt  }
0x41: {  	_ =	shalt  }
0x42: {  	_ =	shalt  }
0x43: {  	_ =	shalt  }
0x44: {  	_ =	shalt  }
0x45: {  	_ =	shalt  }
0x46: {  	_ =	shalt  }
0x47: {  	_ =	shalt  }
0x48: {  	_ =	shalt  }
0x49: {  	_ =	shalt  }
0x4a: {  	_ =	shalt  }
0x4b: {  	_ =	shalt  }
0x4c: {  	_ =	shalt  }
0x4d: {  	_ =	shalt  }
0x4e: {  	_ =	shalt  }
0x4f: {  	_ =	shalt  }
0x50: {  	_ =	shalt  }
0x51: {  	_ =	shalt  }
0x52: {  	_ =	shalt  }
0x53: {  	_ =	shalt  }
0x54: {  	_ =	shalt  }
0x55: {  	_ =	shalt  }
0x56: {  	_ =	shalt  }
0x57: {  	_ =	shalt  }
0x58: {  	_ =	shalt  }
0x59: {  	_ =	shalt  }
0x5a: {  	_ =	shalt  }
0x5b: {  	_ =	shalt  }
0x5c: {  	_ =	shalt  }
0x5d: {  	_ =	shalt  }
0x5e: {  	_ =	shalt  }
0x5f: {  	_ =	shalt  }
0x60: {  	_ =	shalt  }
0x61: {  	_ =	shalt  }
0x62: {  	_ =	shalt  }
0x63: {  	_ =	shalt  }
0x64: {  	_ =	shalt  }
0x65: {  	_ =	shalt  }
0x66: {  	_ =	shalt  }
0x67: {  	_ =	shalt  }
0x68: {  	_ =	shalt  }
0x69: {  	_ =	shalt  }
0x6a: {  	_ =	shalt  }
0x6b: {  	_ =	shalt  }
0x6c: {  	_ =	shalt  }
0x6d: {  	_ =	shalt  }
0x6e: {  	_ =	shalt  }
0x6f: {  	_ =	shalt  }
0x70: {  	_ =	shalt  }
0x71: {  	_ =	shalt  }
0x72: {  	_ =	shalt  }
0x73: {  	_ =	shalt  }
0x74: {  	_ =	shalt  }
0x75: {  	_ =	shalt  }
0x76: {  	_ =	shalt  }
0x77: {  	_ =	shalt  }
0x78: {  	_ =	shalt  }
0x79: {  	_ =	shalt  }
0x7a: {  	_ =	shalt  }
0x7b: {  	_ =	shalt  }
0x7c: {  	_ =	shalt  }
0x7d: {  	_ =	shalt  }
0x7e: {  	_ =	shalt  }
0x7f: {  	_ =	shalt  }
0x80: {  	_ =	shalt  }
0x81: {  	_ =	shalt  }
0x82: {  	_ =	shalt  }
0x83: {  	_ =	shalt  }
0x84: {  	_ =	shalt  }
0x85: {  	_ =	shalt  }
0x86: {  	_ =	shalt  }
0x87: {  	_ =	shalt  }
.Lfunc_end0:
.L_simem_size_0:
called_computation_lowered:
.L_overlay_start_0:
0x88: {  	s2 =	sld [smem:$0x3FD9]  }
0x89: {  	s3 =	sld [smem:$0x3FFE];
	_ =	sdelay $0x1  }
0x8a: {  	s1 =	srdreg.scid  }
0x8b: {  	s0 =	sand.u32 $0x1, s1  }
0x8c: {  	s17 =	sshll.u32 s0, $0xA;
	s2 =	sadd.s32 s3, s2  }
0x8d: {  	s2 =	sadd.s32 s2, s17  }
0x8e: {  	[smem:$0x3FB1] =	sst s2  }
0x8f: {  	_ = 	snop  }
0x90: {  	(tm) =	ssettm $0x1  }
0x91: {  	s18 =	sld [smem:$0x3FFB];
	_ =	sdelay $0x3  }
0x92: {  	_ =	strace s18  }
0x93: {  	s2 =	sld [smem:$0x3FFC];
	_ =	sdelay $0x3  }
0x94: {  	_ =	strace s2  }
0x95: {  	s2 =	sld [smem:$0x3FFD];
	_ =	sdelay $0x3  }
0x96: {  	_ =	strace s2  }
0x97: {  	_ =	strace $0x8FFFFFFF  }
0x98: {  	s19 =	sld [smem:$0x3FDB];
	_ =	sdelay $0x1  }
0x99: {  	s20 =	simm.s32 $_scs_section_size  }
0x9a: {  	s4 =	simm.s32 $_size__tile_overlayer_lowered;
	s5 =	simm.s32 $_tile_overlayer_lowered  }
0x9b: {  	s6 =	simm.s32 $0x1BFF;
	s21 =	sshll.u32 s5, $0x1;
	s3 =	sadd.s32 s20, s19  }
0x9c: {  	s22 =	simm.s32 $0x0;
	s4 =	sshll.u32 s4, $0x1;
	s5 =	sadd.s32 s21, s3  }
0x9d: {  	[timem:s22], [sflag:s6] =	dma.local [hbm:s5], s4  }
0x9e: {  	_ =	swait.ge [sflag:s6], s4  }
0x9f: {  	s4 =	ssub.s32 $0x0, s4;
	[sflag:s6] =	ssyncset.done $0x0  }
0xa0: {  	[sflag:s6] =	ssyncadd.s32 s4;
	_ =	sdelay $0x1  }
0xa1: {  	s23 =	simm.s32 $0x1B8B  }
0xa2: {  	_ =	swait.ge [sflag:s23], $0x1  }
0xa3: {  	[sflag:s23] =	ssyncset.done $0x0  }
0xa4: {  	[sflag:s23] =	ssyncadd.s32 $0xFFFFFFFF  }
0xa5: {  	s4 =	sld [smem:$0x0]  }
0xa6: {  	s5 =	sand.u32 $0xFFFFFFFE, s1  }
0xa7: {  	p0 =	sne.s32 s1, s5  }
0xa8: {  	s5 =	sshll.u32 @p0 s5, $0xE  }
0xa9: {  	s5 =	sadd.s32 @p0 $0x11B8D, s5;
	s6 =	sshll.u32 @p0 s4, $0x11  }
0xaa: {  	s5 =	sor.u32 @p0 s6, s5  }
0xab: {  	[sflag:s5] =	ssyncadd.remote.s32 @p0 $0x1;
	_ =	sdelay $0x1  }
0xac: {  	s5 =	simm.s32 @p0 $0x1B8D  }
0xad: {  	_ =	swait.eq @p0 [sflag:s5], $0x1  }
0xae: {  	[sflag:s5] =	ssyncadd.s32 @p0 $0xFFFFFFFF  }
0xaf: {  	s6 =	sshll.u32 @!p0 s1, $0xE  }
0xb0: {  	s6 =	sor.u32 @!p0 $0x4000, s6;
	s5 =	simm.s32 @!p0 $0x1B8D  }
0xb1: {  	s7 =	sshll.u32 @!p0 s4, $0x11;
	s6 =	sadd.s32 @!p0 $0x11B8D, s6;
	_ =	swait.eq @!p0 [sflag:s5], $0x1  }
0xb2: {  	[sflag:s5] =	ssyncadd.s32 @!p0 $0xFFFFFFFF;
	s5 =	sor.u32 @!p0 s7, s6  }
0xb3: {  	s25 =	simm.s32 $0x1B8E;
	s24 =	sld [smem:$0x3FFE];
	[sflag:s5] =	ssyncadd.remote.s32 @!p0 $0x1  }
0xb4: {  	s26 =	simm.s32 $execute0_lowered;
	[smem:$0x3FD2] =	sst s25  }
0xb5: {  	s6 =	sshll.u32 s26, $0x1;
	_ =	strace $0x80000049;
	[dreg:$0x1] =	wrdreg $0xFFFFFFFF  }
0xb6: {  	s28 =	simm.s32 $_size_execute0_lowered;
	s3 =	sadd.s32 s3, s6;
	[dreg:$0x0] =	wrdreg $0x0  }
0xb7: {  	s6 =	sshll.u32 s28, $0x1;
	[dreg:$0x2] =	wrdreg s3  }
0xb8: {  	[dreg:$0x3] =	wrdreg s6  }
0xb9: {  	[dreg:$0x4] =	wrdreg $0xC0  }
0xba: {  	_ =	task [dreg:s22], $0x5FFFF  }
0xbb: {  	[dreg:$0x1] =	wrdreg $0xFFFFFFFF  }
0xbc: {  	[dreg:$0x0] =	wrdreg $0x60  }
0xbd: {  	[dreg:$0x2] =	wrdreg s24  }
0xbe: {  	[dreg:$0x3] =	wrdreg s1  }
0xbf: {  	[dreg:$0x4] =	wrdreg s4  }
0xc0: {  	[dreg:$0x5] =	wrdreg $0x9  }
0xc1: {  	_ =	task.clear_ibuf [dreg:s22], $0x6FFFF;
	_ =	strace $0x90000049  }
0xc2: {  	s29 =	simm.s32 $0x9;
	_ =	strace $0x8000004B  }
0xc3: {  	_ =	swait.ge [sflag:s29], $0x1  }
0xc4: {  	[sflag:s29] =	ssyncadd.s32 $0xFFFFFFFF  }
0xc5: {  	_ =	strace $0x9000004B  }
0xc6: {  	_ =	sfence  }
0xc7: {  	s30 =	sld [smem:$0x0];
	_ =	sdelay $0x2  }
0xc8: {  	s31 =	sshll.u32 s1, $0xD;
	s1 =	sshrl.u32 s1, $0x2  }
0xc9: {  	s4 =	sand.u32 $0x4000, s31;
	s1 =	sadd.s32 s1, s30  }
0xca: {  	s0 =	sor.u32 s4, s0;
	s1 =	sshll.u32 s1, $0x11  }
0xcb: {  	s0 =	sor.u32 s1, s0  }
0xcc: {  	s0 =	sadd.s32 $0x8F2B, s0  }
0xcd: {  	[sflag:s0] =	ssyncadd.remote.s32 $0x1  }
0xce: {  	_ =	sfence.sel $0xFFFF  }
0xcf: {  	[dreg:$0x0] =	wrdreg $0xFFFFFFFF;
	(pc) =	sbr.abs _section_cstart, $3  }
0xd0: {  	[dreg:$0x1] =	wrdreg $0xFFFFFFFF  }
0xd1: {  	_ =	task.clear_ibuf [dreg:s22], $0x2FFFF;
	_ =	strace $0x9FFFFFFF  }
0xd2: {  	(tm) =	ssettm $0x7FFFFFFF  }
0xd3: {  	_ =	shalt  }
tec
execute0_lowered:
.L_overlay_start_1:
0x0: {  	(tag) =	ssettag $0x1  }
0x1: {  	s2 =	rddreg [dreg:$0x0]  }
0x2: {  	s3 =	rddreg [dreg:$0x1];
	_ =	strace $0x8000004A;
	s0 =	simm.s32 $0x1  }
0x3: {  	v0 =	vimm.s32 $0x0;
	[sflag:s0] =	ssyncpa.u1 $0x0;
	s0 =	simm.s32 $0x108  }
0x4: {  	[tilespmem:s0+$0x70] =	vst v0  }
0x5: {  	[tilespmem:s0+$0x60] =	vst v0  }
0x6: {  	[tilespmem:s0+$0x50] =	vst v0  }
0x7: {  	[tilespmem:s0+$0x40] =	vst v0  }
0x8: {  	s1 =	sadd.s32 $0x5C4600, s2;
	[tilespmem:s0+$0x30] =	vst v0  }
0x9: {  	s15 =	sadd.s32 $0x5B0A00, s2;
	s6 =	sadd.s32 $0xC4C00, s2;
	[tilespmem:s0+$0x20] =	vst v0  }
0xa: {  	s14 =	sadd.s32 $0x5BA800, s2;
	s5 =	sand.u32 $0x1, s3;
	s3 =	simm.s32 $0x40;
	[tilespmem:s0+$0x10] =	vst v0  }
.LBB2_1:
0xb: {  	s3 =	sadd.s32 $0x40, s3;
	[tilespmem:s0+$0x0] =	vst v0;
	s0 =	sadd.s32 $0x80, s0  }
0xc: {  	p0 =	slt.u32 s3, $0x3C40;
	[tilespmem:s0+$0x70] =	vst v0  }
0xd: {  	[tilespmem:s0+$0x60] =	vst v0  }
.Ltmp0:
0xe: {  	[tilespmem:s0+$0x50] =	vst v0;
	(pc) =	sbr.rel @p0 .LBB2_1-.Ltmp0, $4  }
0xf: {  	[tilespmem:s0+$0x40] =	vst v0  }
0x10: {  	[tilespmem:s0+$0x30] =	vst v0  }
0x11: {  	[tilespmem:s0+$0x20] =	vst v0  }
0x12: {  	[tilespmem:s0+$0x10] =	vst v0  }
0x13: {  	s9 =	stileid.u32  }
0x14: {  	s2 =	smul.u32 $0x29, s9  }
0x15: {  	s3 =	smin.u32 s9, $0xB  }
0x16: {  	s2 =	sadd.s32 s3, s2  }
0x17: {  	p0 =	slt.u32 s9, $0xB;
	s7 =	smul.u32 $0xF0, s2;
	s2 =	simm.s32 $0x2760  }
0x18: {  	s2 =	simm.s32 @!p0 $0x2670  }
0x19: {  	s2 =	sadd.s32 s2, s7  }
0x1a: {  	s8 =	smin.u32 s2, $0x27100  }
0x1b: {  	s2 =	ssub.s32 s8, s7  }
0x1c: {  	p0 =	sgt.s32 s2, $0x0  }
0x1d: {  	s29 =	simm.s32 $0x2;
	s10 =	simm.s32 $0x9;
	s2 =	simm.s32 @!p0 $0x0  }
0x1e: {  	s4 =	simm.s32 $0xA;
	s11 =	simm.s32 $0xB;
	s28 =	smulhi.u32 $0x88888889, s2  }
0x1f: {  	[dreg:$0x4] =	wrdreg s5;
	s31 =	smul.u32 $0x4E20, s5;
	s12 =	simm.s32 $0x1  }
0x20: {  	s22 =	simm.s32 $0x0;
	s18 =	simm.s32 $0xC;
	s30 =	sshrl.u32 s28, $0x7  }
0x21: {  	s20 =	simm.s32 $0x0;
	s21 =	simm.s32 $0x0;
	s3 =	smul.u32 $0xF0, s30  }
.Ltmp1:
0x22: {  	[tilespmem:s0+$0x0] =	vst v0;
	v0 =	vimm.s32 $0xFFFFFFFF;
	[sflag:s29] =	ssyncpa.u1 $0x0;
	s16 =	sshll.u32 s9, $0x8;
	(pc) =	sbr.rel .LBB2_3-.Ltmp1, $4  }
0x23: {  	[tilespmem:$0xF208] =	vst v0;
	[sflag:s10] =	ssyncpa.u1 $0x0;
	p0 =	sne.s32 s2, s3;
	s2 =	simm.s32 $0x1  }
0x24: {  	s14 =	sadd.s32 s31, s14;
	[sflag:s4] =	ssyncpa.u1 $0x0;
	s2 =	simm.s32 @!p0 $0x0  }
0x25: {  	s15 =	sadd.s32 s31, s15;
	[sflag:s11] =	ssyncpa.u1 $0x0;
	s13 =	sadd.s32 s2, s30  }
0x26: {  	v0 =	vlaneseq.u32;
	s19 =	smov.u32 s7;
	p0 =	por $0x0, $0x0;
	s17 =	sadd.s32 $0x1, s13  }
.LBB2_18:
0x27: {  	s0 =	sshrl.u32 s31, $0x2  }
.LBB2_20:
0x28: {  	_ =	swait.ge [sflag:s18], s0  }
0x29: {  	s31 =	ssub.s32 $0x0, s0;
	v1 =	vmov s24;
	vm0 =	veq.s32 v0, $0x0;
	[sflag:s18] =	ssyncset.done $0x0  }
0x2a: {  	vm15 =	veq.s32 v0, $0x2;
	v1 =	vsel vm0, s30, v1;
	[sflag:s18] =	ssyncadd.s32 s31  }
0x2b: {  	v1 =	vsel vm15, s22, v1;
	[sflag:s18] =	ssyncpa.u1 $0x1  }
0x2c: {  	[tilespmem:$0xF208] =	vst v1  }
.LBB2_21:
0x2d: {  	s0 =	sadd.s32 $0xF0, s19  }
0x2e: {  	s2 =	smov.u32 s7;
	p1 =	slt.s32 s0, s8  }
0x2f: {  	s2 =	smov.u32 @p1 s0;
	p1 =	sne.s32 s21, s17  }
.Ltmp2:
0x30: {  	_ = 	snop;
	(pc) =	sbr.rel @!p1 .LBB2_22-.Ltmp2, $3  }
0x31: {  	_ =	sdelay $0x1  }
0x32: {  	s22 =	smov.u32 s20;
	s31 =	sadd.s32 $0x1, s21;
	s20 =	smov.u32 s19  }
0x33: {  	p0 =	por !p0, !p0;
	s21 =	smov.u32 s31;
	s19 =	smov.u32 s2  }
.LBB2_3:
0x34: {  	p1 =	sge.u32 s21, s13  }
0x35: {  	s0 =	smulhi.u32 @!p1 $0xAAAAAAAB, s21  }
0x36: {  	s2 =	smov.u32 s19;
	p2 =	sgt.s32 @!p1 s19, $0x27010  }
0x37: {  	s3 =	sshra.s32 @!p1 s19, $0x1F;
	p2 =	por !p2, p1;
	s0 =	sshrl.u32 @!p1 s0, $0x1  }
0x38: {  	s3 =	sand.u32 @!p1 s3, s19;
	s2 =	simm.s32 @p2 $0x27010;
	s0 =	smul.u32 @!p1 $0x3, s0  }
0x39: {  	s2 =	ssub.s32 @!p1 s2, s3  }
0x3a: {  	s2 =	sadd.s32 @!p1 $0xFFFD8FF0, s2;
	s0 =	ssub.s32 @!p1 s21, s0  }
0x3b: {  	s3 =	sshll.u32 @!p1 s2, $0x2;
	p2 =	sgt.s32 @!p1 s2, $0xEF;
	s0 =	smul.u32 @!p1 $0x3C0, s0  }
0x3c: {  	s4 =	sand.u32 @!p1 $0x7, s19;
	s2 =	ssub.s32 @!p1 $0x3C0, s3;
	p2 =	por !p2, p1  }
0x3d: {  	s3 =	sshrl.u32 @!p1 s19, $0x3;
	s2 =	sshrl.u32 @!p1 s2, $0x2;
	s0 =	sshrl.u32 @!p1 s0, $0x2  }
0x3e: {  	s3 =	sadd.s32 @!p1 s3, s14;
	s2 =	simm.s32 @!p2 $0x0;
	s0 =	sadd.s32 @!p1 $0x10248, s0  }
0x3f: {  	[tilespmem:s0], [sflag:$0xA] =	stream.linear.gather @!p1 [hbm4b:s3+s4], s2, $0x38;
	[tilespmem:$0x1F6F8] =	vst v63  }
0x40: {  	s0 =	sadd.s32 $0xFFFFFFFF, s21  }
0x41: {  	p1 =	sge.u32 s0, s13  }
0x42: {  	p2 =	sgt.s32 @!p1 s20, $0x27010  }
0x43: {  	s2 =	smov.u32 s20;
	s3 =	sshra.s32 @!p1 s20, $0x1F;
	p2 =	por !p2, p1  }
0x44: {  	s3 =	sand.u32 @!p1 s3, s20;
	s2 =	simm.s32 @p2 $0x27010  }
0x45: {  	s2 =	ssub.s32 @!p1 s2, s3  }
0x46: {  	s2 =	sadd.s32 @!p1 $0xFFFD8FF0, s2  }
0x47: {  	s4 =	sand.u32 @!p1 $0x1, s0;
	s3 =	sshll.u32 @!p1 s2, $0x2  }
0x48: {  	p2 =	sgt.s32 @!p1 s2, $0xEF;
	s2 =	ssub.s32 @!p1 $0x3C0, s3;
	s3 =	smulhi.u32 @!p1 $0xAAAAAAAB, s0  }
0x49: {  	s23 =	smul.u32 @!p1 $0x3C0, s4;
	p2 =	por !p2, p1;
	s2 =	sshrl.u32 @!p1 s2, $0x2  }
0x4a: {  	s5 =	simm.s32 @!p1 $0xA;
	s2 =	simm.s32 @!p2 $0x0;
	s3 =	sshrl.u32 @!p1 s3, $0x1  }
0x4b: {  	s23 =	sshrl.u32 @!p1 s23, $0x2;
	_ =	swait.ge @!p1 [sflag:s5], s2;
	s3 =	smul.u32 @!p1 $0x3, s3  }
0x4c: {  	s23 =	sadd.s32 @!p1 $0x10518, s23;
	s24 =	ssub.s32 @!p1 $0x0, s2;
	[sflag:s5] =	ssyncset.done @!p1 $0x0  }
0x4d: {  	[sflag:s5] =	ssyncadd.s32 @!p1 s24;
	s5 =	sshrl.u32 @!p1 s20, $0x3;
	s0 =	ssub.s32 @!p1 s0, s3  }
0x4e: {  	s24 =	sand.u32 @!p1 $0x7, s20;
	s5 =	sadd.s32 @!p1 s5, s15;
	s0 =	smul.u32 @!p1 $0x3C0, s0  }
0x4f: {  	[tilespmem:s23], [sflag:$0xB] =	stream.linear.gather @!p1 [hbm4b:s5+s24], s2, $0x38;
	[tilespmem:$0x1F6F8] =	vst v63  }
0x50: {  	s3 =	ssub.s32 @!p1 $0x27100, s20;
	s2 =	smul.u32 @!p1 $0x1E000, s4  }
0x51: {  	p2 =	slt.s32 @!p1 s3, $0xF0  }
0x52: {  	p2 =	por !p2, p1;
	s0 =	sshrl.u32 @!p1 s0, $0x2;
	s2 =	sshrl.u32 @!p1 s2, $0x2  }
0x53: {  	s3 =	simm.s32 @p2 $0xF0;
	s0 =	sadd.s32 @!p1 $0x10248, s0;
	s2 =	sor.u32 @!p1 $0x106F8, s2  }
0x54: {  	[tilespmem:s2], [sflag:$0x9] =	stream.indirect.gather @!p1 [hbm4b:s6+s3], $0x80, s0, s3, $0xb8;
	[tilespmem:$0x1F6F8] =	vst v63  }
0x55: {  	p1 =	slt.u32 s21, $0x2  }
.Ltmp3:
0x56: {  	_ = 	snop;
	(pc) =	sbr.rel @p1 .LBB2_21-.Ltmp3, $1  }
0x57: {  	_ =	sdelay $0x3  }
0x58: {  	p1 =	sgt.s32 s22, $0x27010  }
0x59: {  	s0 =	smov.u32 s22;
	s2 =	sshra.s32 s22, $0x1F;
	s3 =	ssub.s32 $0x27100, s22  }
0x5a: {  	s0 =	simm.s32 @!p1 $0x27010;
	s2 =	sand.u32 s2, s22;
	p1 =	slt.s32 s3, $0xF0  }
0x5b: {  	s0 =	ssub.s32 s0, s2;
	s3 =	simm.s32 @!p1 $0xF0  }
0x5c: {  	s0 =	sadd.s32 $0xFFFD8FF0, s0;
	s25 =	sshll.u32 s3, $0x7  }
0x5d: {  	s26 =	sshll.u32 s0, $0x2;
	s2 =	sand.u32 $0x3FFFFF80, s25  }
0x5e: {  	p1 =	sgt.s32 s0, $0xEF;
	s29 =	ssub.s32 $0x3C0, s26;
	_ =	swait.ge [sflag:s10], s2  }
0x5f: {  	s2 =	ssub.s32 $0x0, s2;
	[sflag:s10] =	ssyncset.done $0x0;
	s0 =	sshrl.u32 s29, $0x2  }
0x60: {  	[sflag:s10] =	ssyncadd.s32 s2;
	s0 =	simm.s32 @p1 $0x0  }
0x61: {  	_ =	swait.ge [sflag:s11], s0  }
0x62: {  	s0 =	ssub.s32 $0x0, s0;
	[sflag:s11] =	ssyncset.done $0x0  }
0x63: {  	[sflag:s11] =	ssyncadd.s32 s0  }
0x64: {  	v1 =	vld [tilespmem:$0xF208];
	_ =	sdelay $0x4  }
0x65: {  	(v2sf) =	vpush v1, $0x0  }
0x66: {  	(v2sf) =	vpush v1, $0x1  }
0x67: {  	(v2sf) =	vpush v1, $0x2;
	_ =	sdelay $0x3  }
0x68: {  	s0 =	sadd.s32 $0xF0, s22  }
0x69: {  	s2 =	ssub.s32 $0x4E200, s22;
	p1 =	slt.s32 s8, s0  }
0x6a: {  	s0 =	smov.u32 @p1 s8;
	p1 =	sgt.s32 s2, $0x0  }
0x6b: {  	s26 =	ssub.s32 s0, s22;
	s2 =	simm.s32 @!p1 $0x0  }
0x6c: {  	p1 =	slt.s32 s2, s26  }
0x6d: {  	s26 =	smov.u32 @p1 s2  }
0x6e: {  	s25 =	simm.s32 $0x1;
	p1 =	slt.s32 s26, $0x1  }
.Ltmp4:
0x6f: {  	s25 =	simm.s32 @!p0 $0x0;
	(pc) =	sbr.rel @p1 .LBB2_8-.Ltmp4, $4  }
0x70: {  	s31 =	smul.u32 $0x3C0, s25  }
0x71: {  	s28 =	spop (v2sf)  }
0x72: {  	s0 =	sshrl.u32 s31, $0x2;
	s30 =	spop (v2sf)  }
0x73: {  	s23 =	sadd.s32 $0x10518, s0;
	s22 =	spop (v2sf)  }
0x74: {  	s0 =	smin.u32 s26, $0x10  }
0x75: {  	v1 =	vmov s0  }
0x76: {  	p2 =	sgt.s32 s26, $0x10;
	vm1 =	vgt.u32 v1, v0  }
.Ltmp5:
0x77: {  	_ = 	snop;
	(pc) =	sbr.rel @!p2 .LBB2_7-.Ltmp5, $2  }
0x78: {  	_ =	sdelay $0x2  }
0x79: {  	s4 =	simm.s32 $0x10;
	s24 =	sadd.s32 $0xFFFFFFF0, s26;
	s0 =	smov.u32 s23;
	vm0 =	vmmov vm1  }
.LBB2_6:
0x7a: {  	s2 =	smin.u32 s24, $0x10;
	s4 =	sadd.s32 $0x10, s4;
	v1 =	vld.msk [tilespmem:s0+$0x0 ss:$0x1], vm1  }
0x7b: {  	v2 =	vmov s2;
	p2 =	slt.s32 s4, s26  }
0x7c: {  	vm1 =	vgt.u32 v2, v0  }
.Ltmp6:
0x7d: {  	(pc) =	sbr.rel @p2 .LBB2_6-.Ltmp6, $3  }
0x7e: {  	_ =	sdelay $0x1  }
0x7f: {  	v1 =	vshll.u32 v1, $0x4  }
0x80: {  	s24 =	sadd.s32 $0xFFFFFFF0, s24;
	[tilespmem:s0+$0x0] =	vst.msk vm0, v1;
	s0 =	sadd.s32 $0x10, s0;
	vm0 =	vmmov vm1  }
.LBB2_7:
0x81: {  	_ =	sdelay $0x4  }
0x82: {  	v1 =	vld.msk [tilespmem:s0+$0x0 ss:$0x1], vm1;
	_ =	sdelay $0x4  }
0x83: {  	v1 =	vshll.u32 v1, $0x4  }
0x84: {  	[tilespmem:s0+$0x0] =	vst.msk vm0, v1  }
.LBB2_8:
0x85: {  	s0 =	sand.u32 $0x1, s21  }
0x86: {  	s0 =	smul.u32 $0xF0, s0  }
0x87: {  	p2 =	sne.s32 s30, $0xFFFFFFFF  }
0x88: {  	v1 =	vld.msk @!p2 [tilespmem:s0+$0x10518], $0x1;
	_ =	sdelay $0x4  }
0x89: {  	(v2sf) =	vpush @!p2 v1, $0x0;
	_ =	sdelay $0xc  }
.Ltmp7:
0x8a: {  	_ = 	snop;
	(pc) =	sbr.rel @p1 .LBB2_19-.Ltmp7, $4  }
0x8b: {  	_ = 	snop  }
0x8c: {  	s29 =	spop @!p2 (v2sf)  }
0x8d: {  	s22 =	simm.s32 @!p2 $0x0;
	s24 =	smov.u32 s29  }
0x8e: {  	[sflag:s18] =	ssyncpa.u1 $0x0;
	s29 =	smov.u32 @p2 s28;
	s24 =	smov.u32 @p2 s30  }
0x8f: {  	v1 =	vld.msk [tilespmem:s23+$0x0], $0x1;
	_ =	sdelay $0x4  }
0x90: {  	(v2sf) =	vpush v1, $0x0;
	_ =	sdelay $0xe  }
0x91: {  	s2 =	smul.u32 $0x1E000, s25;
	s0 =	spop (v2sf)  }
0x92: {  	s26 =	ssub.s32 $0x0, s26;
	p1 =	seq.s32 s29, s0  }
0x93: {  	s30 =	sadd.s32 $0x1, s26;
	s2 =	sshrl.u32 s2, $0x2;
	p2 =	sgt.s32 @!p1 s29, $0x0  }
0x94: {  	s25 =	sor.u32 $0x10738, s2;
	s2 =	smov.u32 s29;
	p2 =	por !p2, p1  }
0x95: {  	s2 =	simm.s32 @p2 $0x0;
	p2 =	seq.s32 s30, $0x0  }
.Ltmp8:
0x96: {  	_ = 	snop;
	(pc) =	sbr.rel @p2 .LBB2_11-.Ltmp8, $4  }
0x97: {  	_ = 	snop  }
0x98: {  	s28 =	simm.s32 $0x0;
	s31 =	sadd.s32 $0x1, s23;
	s2 =	smin.u32 @!p1 s2, $0x270F0  }
0x99: {  	s4 =	simm.s32 @!p1 $0x1;
	s5 =	simm.s32 @!p1 $0x7988;
	s3 =	sand.u32 @!p1 $0x3FFF8, s2  }
0x9a: {  	s4 =	smov.u32 @p1 s28;
	s2 =	sand.u32 @!p1 $0x7, s2;
	s3 =	sadd.s32 @!p1 s1, s3  }
.LBB2_10:
0x9b: {  	s9 =	smov.u32 s4  }
0x9c: {  	[tilespmem:s5], [sflag:$0x2] =	stream.linear.gather @!p1 [hbm4b:s3+s2], $0x80, $0x38;
	[tilespmem:$0x1F6F8] =	vst v63  }
0x9d: {  	s30 =	sadd.s32 $0x1, s30;
	s2 =	smov.u32 s0;
	v1 =	vld.msk [tilespmem:s31+$0x0], $0x1  }
0x9e: {  	p2 =	seq.s32 s30, $0x0;
	_ =	sdelay $0x3  }
0x9f: {  	(v2sf) =	vpush v1, $0x0;
	_ =	sdelay $0xe  }
0xa0: {  	s0 =	spop (v2sf)  }
0xa1: {  	p1 =	seq.s32 s2, s0  }
0xa2: {  	p3 =	sgt.s32 @!p1 s2, $0x0;
	s3 =	sshll.u32 @!p1 s4, $0x9;
	s4 =	sadd.s32 @!p1 $0x1, s4  }
.Ltmp9:
0xa3: {  	p3 =	por !p3, p1;
	s3 =	sshra.s32 @!p1 s3, $0x2;
	(pc) =	sbr.rel @!p2 .LBB2_10-.Ltmp9, $4  }
0xa4: {  	s4 =	smov.u32 @p1 s9;
	s2 =	simm.s32 @p3 $0x0;
	s5 =	sadd.s32 @!p1 $0x7988, s3  }
0xa5: {  	s2 =	smin.u32 @!p1 s2, $0x270F0  }
0xa6: {  	s3 =	sand.u32 @!p1 $0x3FFF8, s2;
	s2 =	sand.u32 @!p1 $0x7, s2  }
0xa7: {  	s31 =	sadd.s32 $0x1, s31;
	s3 =	sadd.s32 @!p1 s1, s3  }
.LBB2_11:
0xa8: {  	[tilespmem:s5], [sflag:$0x2] =	stream.linear.gather @!p1 [hbm4b:s3+s2], $0x80, $0x38;
	[tilespmem:$0x1F6F8] =	vst v63  }
.Ltmp10:
0xa9: {  	s0 =	sshll.u32 s4, $0x7;
	(pc) =	sbr.rel .LBB2_12-.Ltmp10, $4  }
0xaa: {  	s30 =	simm.s32 $0x2;
	s0 =	sand.u32 $0x3FFFFF80, s0  }
0xab: {  	_ =	swait.ge [sflag:s30], s0  }
0xac: {  	s0 =	ssub.s32 $0x0, s0;
	[sflag:s30] =	ssyncset.done $0x0  }
0xad: {  	s31 =	simm.s32 $0x0;
	[sflag:s30] =	ssyncadd.s32 s0  }
.LBB2_13:
0xae: {  	v1 =	vld [tilespmem:s25+$0xFFFFFFC0];
	_ =	sdelay $0x3  }
0xaf: {  	s0 =	sshra.s32 s0, $0x2  }
0xb0: {  	[tilespmem:s0+$0x108] =	vst.add.f32.msk $0xffff, v1  }
0xb1: {  	v1 =	vld [tilespmem:s25+$0xFFFFFFD0];
	_ =	sdelay $0x4  }
0xb2: {  	[tilespmem:s0+$0x118] =	vst.add.f32.msk $0xffff, v1  }
0xb3: {  	v1 =	vld [tilespmem:s25+$0xFFFFFFE0];
	_ =	sdelay $0x4  }
0xb4: {  	[tilespmem:s0+$0x128] =	vst.add.f32.msk $0xffff, v1  }
0xb5: {  	v1 =	vld [tilespmem:s25+$0xFFFFFFF0];
	_ =	sdelay $0x4  }
0xb6: {  	[tilespmem:s0+$0x138] =	vst.add.f32.msk $0xffff, v1  }
0xb7: {  	v1 =	vld [tilespmem:s25+$0x0];
	_ =	sdelay $0x4  }
0xb8: {  	[tilespmem:s0+$0x148] =	vst.add.f32.msk $0xffff, v1  }
0xb9: {  	v1 =	vld [tilespmem:s25+$0x10];
	_ =	sdelay $0x4  }
0xba: {  	[tilespmem:s0+$0x158] =	vst.add.f32.msk $0xffff, v1  }
0xbb: {  	v1 =	vld [tilespmem:s25+$0x20];
	_ =	sdelay $0x4  }
0xbc: {  	[tilespmem:s0+$0x168] =	vst.add.f32.msk $0xffff, v1  }
0xbd: {  	v1 =	vld [tilespmem:s25+$0x30];
	_ =	sdelay $0x4  }
0xbe: {  	[tilespmem:s0+$0x178] =	vst.add.f32.msk $0xffff, v1  }
.LBB2_17:
0xbf: {  	s26 =	sadd.s32 $0x1, s26  }
0xc0: {  	p1 =	seq.s32 s26, $0x0  }
.Ltmp11:
0xc1: {  	_ = 	snop;
	(pc) =	sbr.rel @p1 .LBB2_18-.Ltmp11, $2  }
0xc2: {  	_ =	sdelay $0x2  }
0xc3: {  	s23 =	sadd.s32 $0x1, s23;
	s25 =	sadd.s32 $0x80, s25;
	s29 =	smov.u32 s30  }
.LBB2_12:
0xc4: {  	v1 =	vld.msk [tilespmem:s23+$0x0], $0x1;
	_ =	sdelay $0x4  }
0xc5: {  	(v2sf) =	vpush v1, $0x0;
	_ =	sdelay $0xe  }
0xc6: {  	s30 =	spop (v2sf)  }
0xc7: {  	p1 =	sne.s32 s29, s30  }
.Ltmp12:
0xc8: {  	_ = 	snop;
	(pc) =	sbr.rel @!p1 .LBB2_13-.Ltmp12, $2  }
0xc9: {  	_ =	sdelay $0x2  }
0xca: {  	s0 =	sshll.u32 s22, $0x9  }
0xcb: {  	p1 =	seq.s32 s29, s24  }
.Ltmp13:
0xcc: {  	_ = 	snop;
	(pc) =	sbr.rel @!p1 .LBB2_15-.Ltmp13, $1  }
0xcd: {  	_ =	sdelay $0x3  }
0xce: {  	s0 =	sshra.s32 s0, $0x2  }
.Ltmp14:
0xcf: {  	s0 =	sadd.s32 $0x108, s0;
	(pc) =	sbr.rel .LBB2_16-.Ltmp14, $4  }
0xd0: {  	[spmem:s16] =	stream.linear.scatter [tilespmem:s0], [sflag:$0x1], $0x80, $0x38;
	[tilespmem:$0x1F6F8] =	vst v63  }
0xd1: {  	_ =	swait.ge [sflag:s12], $0x80  }
0xd2: {  	[sflag:s12] =	ssyncset.done $0x0  }
0xd3: {  	[sflag:s12] =	ssyncadd.s32 $0xFFFFFF80  }
.LBB2_15:
0xd4: {  	s2 =	sshll.u32 s28, $0x9  }
0xd5: {  	s2 =	sshra.s32 s2, $0x2  }
0xd6: {  	v1 =	vld [tilespmem:s2+$0x7988];
	_ =	sdelay $0x3  }
0xd7: {  	s0 =	sshra.s32 s0, $0x2  }
0xd8: {  	[tilespmem:s0+$0x108] =	vst.add.f32.msk $0xffff, v1  }
0xd9: {  	v1 =	vld [tilespmem:s2+$0x7998];
	_ =	sdelay $0x4  }
0xda: {  	[tilespmem:s0+$0x118] =	vst.add.f32.msk $0xffff, v1  }
0xdb: {  	v1 =	vld [tilespmem:s2+$0x79A8];
	_ =	sdelay $0x4  }
0xdc: {  	[tilespmem:s0+$0x128] =	vst.add.f32.msk $0xffff, v1  }
0xdd: {  	v1 =	vld [tilespmem:s2+$0x79B8];
	_ =	sdelay $0x4  }
0xde: {  	[tilespmem:s0+$0x138] =	vst.add.f32.msk $0xffff, v1  }
0xdf: {  	v1 =	vld [tilespmem:s2+$0x79C8];
	_ =	sdelay $0x4  }
0xe0: {  	[tilespmem:s0+$0x148] =	vst.add.f32.msk $0xffff, v1  }
0xe1: {  	v1 =	vld [tilespmem:s2+$0x79D8];
	_ =	sdelay $0x4  }
0xe2: {  	[tilespmem:s0+$0x158] =	vst.add.f32.msk $0xffff, v1  }
0xe3: {  	v1 =	vld [tilespmem:s2+$0x79E8];
	_ =	sdelay $0x4  }
0xe4: {  	[tilespmem:s0+$0x168] =	vst.add.f32.msk $0xffff, v1  }
0xe5: {  	v1 =	vld [tilespmem:s2+$0x79F8];
	_ =	sdelay $0x2  }
0xe6: {  	p1 =	sgt.u32 s29, $0x270F0  }
0xe7: {  	s2 =	sand.u32 @!p1 $0x3FFF8, s29  }
0xe8: {  	s3 =	sadd.s32 $0x108, s0;
	[tilespmem:s0+$0x178] =	vst.add.f32.msk $0xffff, v1;
	s0 =	sadd.s32 @!p1 s1, s2;
	s2 =	sand.u32 @!p1 $0x7, s29  }
0xe9: {  	[hbm4b:s0+s2] =	stream.linear.scatter @!p1 [tilespmem:s3], [sflag:$0xC], $0x80, $0x38;
	[tilespmem:$0x1F6F8] =	vst v63  }
0xea: {  	s0 =	simm.s32 $0x0  }
0xeb: {  	s0 =	simm.s32 @!p1 $0x200  }
0xec: {  	s31 =	sadd.s32 s0, s31  }
.LBB2_16:
0xed: {  	s0 =	sadd.s32 $0x1, s22  }
0xee: {  	s2 =	smulhi.u32 $0x88888889, s0;
	_ =	sdelay $0x1  }
0xef: {  	v1 =	vld [tilespmem:s25+$0xFFFFFFC0];
	s2 =	sshrl.u32 s2, $0x7  }
0xf0: {  	s2 =	smul.u32 $0xF0, s2;
	_ =	sdelay $0x1  }
0xf1: {  	s22 =	ssub.s32 s0, s2  }
0xf2: {  	s0 =	sshll.u32 s22, $0x7  }
0xf3: {  	[tilespmem:s0+$0x108] =	vst v1  }
0xf4: {  	v1 =	vld [tilespmem:s25+$0xFFFFFFD0];
	_ =	sdelay $0x4  }
0xf5: {  	[tilespmem:s0+$0x118] =	vst v1  }
0xf6: {  	v1 =	vld [tilespmem:s25+$0xFFFFFFE0];
	_ =	sdelay $0x4  }
0xf7: {  	[tilespmem:s0+$0x128] =	vst v1  }
0xf8: {  	v1 =	vld [tilespmem:s25+$0xFFFFFFF0];
	_ =	sdelay $0x4  }
0xf9: {  	[tilespmem:s0+$0x138] =	vst v1  }
0xfa: {  	v1 =	vld [tilespmem:s25+$0x0];
	_ =	sdelay $0x4  }
0xfb: {  	[tilespmem:s0+$0x148] =	vst v1  }
0xfc: {  	v1 =	vld [tilespmem:s25+$0x10];
	_ =	sdelay $0x4  }
0xfd: {  	[tilespmem:s0+$0x158] =	vst v1  }
0xfe: {  	v1 =	vld [tilespmem:s25+$0x20];
	_ =	sdelay $0x4  }
0xff: {  	[tilespmem:s0+$0x168] =	vst v1  }
0x100: {  	v1 =	vld [tilespmem:s25+$0x30]  }
.Ltmp15:
0x101: {  	_ = 	snop;
	(pc) =	sbr.rel .LBB2_17-.Ltmp15, $2  }
0x102: {  	_ =	sdelay $0x2  }
0x103: {  	s28 =	sadd.s32 $0x1, s28;
	[tilespmem:s0+$0x178] =	vst v1  }
.LBB2_19:
.Ltmp16:
0x104: {  	(pc) =	sbr.rel .LBB2_20-.Ltmp16, $4  }
0x105: {  	_ = 	snop  }
0x106: {  	s0 =	simm.s32 $0x2  }
0x107: {  	_ =	swait.ge [sflag:s0], $0x0  }
0x108: {  	s30 =	smov.u32 s29;
	[sflag:s0] =	ssyncset.done $0x0;
	s0 =	simm.s32 $0x0  }
.LBB2_22:
0x109: {  	_ =	sfence.sel $0x180000  }
0x10a: {  	s0 =	simm.s32 $0x9;
	[bflag:$0x0] =	sbarrier.arrive $0xFFFF  }
0x10b: {  	s24 =	simm.s32 $0xA;
	[sflag:s0] =	ssyncpa.u1 $0x1  }
0x10c: {  	s25 =	simm.s32 $0xB;
	[sflag:s24] =	ssyncpa.u1 $0x1  }
0x10d: {  	s26 =	simm.s32 $0x2;
	[sflag:s25] =	ssyncpa.u1 $0x1  }
0x10e: {  	[sflag:s26] =	ssyncpa.u1 $0x1  }
0x10f: {  	v0 =	vld [tilespmem:$0xF208];
	_ =	sdelay $0x4  }
0x110: {  	(v2sf) =	vpush v0, $0x0  }
0x111: {  	(v2sf) =	vpush v0, $0x1;
	_ =	sdelay $0x1  }
0x112: {  	(v2sf) =	vpush v0, $0x2;
	_ =	sdelay $0xb  }
0x113: {  	s0 =	spop (v2sf)  }
0x114: {  	s2 =	spop (v2sf)  }
0x115: {  	s3 =	smov.u32 s0;
	p0 =	sne.s32 s0, s2  }
0x116: {  	s4 =	spop (v2sf);
	s3 =	simm.s32 @!p0 $0xFFFFFFFF  }
0x117: {  	v2 =	vimm.s32 $0x1;
	v3 =	vlaneseq.u32;
	p0 =	seq.s32 s4, $0xFFFFFFFF;
	v1 =	vmov s3  }
0x118: {  	s16 =	stileid.u32;
	v0 =	vperm.xlane v0, v2;
	p1 =	sne.s32 @!p0 s0, s2;
	v1 =	vperm.xlane v1, v3  }
0x119: {  	vm0 =	vcmask $0x3F04;
	s6 =	simm.s32 $0xF208;
	s0 =	simm.s32 @!p0 $0x1;
	p1 =	por !p1, p0  }
0x11a: {  	s3 =	sshll.u32 s16, $0x1;
	s2 =	sshll.u32 @!p0 s4, $0x9;
	s0 =	simm.s32 @p1 $0x0;
	v0 =	vsel vm0, v1, v0  }
0x11b: {  	s5 =	sor.u32 $0x1000, s3;
	s2 =	sshra.s32 @!p0 s2, $0x2;
	s0 =	sor.u32 @!p0 s0, s3;
	[tilespmem:$0xF208] =	vst v0  }
0x11c: {  	[spmem:s5] =	stream.linear.scatter [tilespmem:s6], [sflag:$0x1], $0x2, $0x38;
	[tilespmem:$0x1F6F8] =	vst v63  }
0x11d: {  	s2 =	sadd.s32 @!p0 $0x108, s2;
	s0 =	sshll.u32 @!p0 s0, $0x7  }
0x11e: {  	[spmem:s0] =	stream.linear.scatter @!p0 [tilespmem:s2], [sflag:$0x1], $0x80, $0x38;
	[tilespmem:$0x1F6F8] =	vst v63  }
0x11f: {  	s0 =	simm.s32 @!p0 $0x82  }
0x120: {  	s28 =	simm.s32 $0x1;
	s0 =	simm.s32 @p0 $0x2  }
0x121: {  	_ =	swait.ge [sflag:s28], s0  }
0x122: {  	s0 =	ssub.s32 $0x0, s0;
	[sflag:s28] =	ssyncset.done $0x0  }
0x123: {  	p0 =	sne.s32 s16, $0x0;
	[sflag:s28] =	ssyncadd.s32 s0  }
.Ltmp17:
0x124: {  	_ =	sfence.stream.spmem;
	(pc) =	sbr.rel @p0 .LBB2_39-.Ltmp17, $4  }
0x125: {  	s29 =	simm.s32 $0x3;
	[bflag:$0x0] =	sbarrier.arrive $0xFFFF  }
0x126: {  	s30 =	simm.s32 $0x4;
	[sflag:s29] =	ssyncpa.u1 $0x1  }
0x127: {  	s31 =	simm.s32 $0x3C;
	[sflag:s30] =	ssyncpa.u1 $0x1  }
0x128: {  	s15 =	rddreg [dreg:$0x4];
	[sflag:s31] =	ssyncpa.u1 $0x1  }
0x129: {  	_ =	sfence.stream.spmem;
	s0 =	simm.s32 $0x5  }
0x12a: {  	s2 =	simm.s32 $0x1000;
	s3 =	simm.s32 $0xF218;
	[sflag:s0] =	ssyncpa.u1 $0x0  }
0x12b: {  	[tilespmem:s3], [sflag:$0x5] =	stream.linear.gather [spmem:s2], $0x20, $0x38;
	[tilespmem:$0x1F6F8] =	vst v63  }
0x12c: {  	s26 =	simm.s32 $0x0;
	s28 =	simm.s32 $0xF238  }
0x12d: {  	[tilespmem:s28], [sflag:$0x5] =	stream.linear.gather [spmem:s26], $0x1000, $0x38;
	[tilespmem:$0x1F6F8] =	vst v63  }
0x12e: {  	_ =	swait.ge [sflag:s0], $0x1020  }
0x12f: {  	[sflag:s0] =	ssyncset.done $0x0  }
0x130: {  	s29 =	simm.s32 $0x0;
	[sflag:s0] =	ssyncadd.s32 $0xFFFFEFE0  }
0x131: {  	v0 =	vld.msk [tilespmem:s29+$0xF218], $0x1;
	_ =	sdelay $0x1  }
0x132: {  	s30 =	simm.s32 $0x1  }
0x133: {  	v1 =	vld.msk [tilespmem:s30+$0xF218], $0x1;
	_ =	sdelay $0x1  }
0x134: {  	(v2sf) =	vpush v0, $0x0;
	_ =	sdelay $0x2  }
0x135: {  	(v2sf) =	vpush v1, $0x0;
	_ =	sdelay $0x2  }
0x136: {  	s31 =	simm.s32 $0x2  }
0x137: {  	v0 =	vld.msk [tilespmem:s31+$0xF218], $0x1;
	_ =	sdelay $0x2  }
0x138: {  	s4 =	simm.s32 $0xFFFFFFFF;
	s5 =	simm.s32 $0xFFFFFFFF;
	s0 =	simm.s32 $0xC  }
.LBB2_24:
0x139: {  	s2 =	smov.u32 s5;
	s3 =	smov.u32 s4  }
0x13a: {  	s4 =	sshra.s32 s0, $0x2;
	p1 =	sne.s32 s0, $0x7C;
	s0 =	sadd.s32 $0x4, s0;
	(v2sf) =	vpush v0, $0x0  }
0x13b: {  	v0 =	vld.msk [tilespmem:s4+$0xF218], $0x1  }
.Ltmp18:
0x13c: {  	(pc) =	sbr.rel @p1 .LBB2_24-.Ltmp18, $4  }
0x13d: {  	s5 =	spop (v2sf)  }
0x13e: {  	p2 =	sne.s32 s3, $0xFFFFFFFF;
	s4 =	smov.u32 s5  }
0x13f: {  	p3 =	seq.s32 s5, $0xFFFFFFFF;
	s4 =	smov.u32 @p2 s3  }
0x140: {  	s5 =	smov.u32 @p3 s2;
	s4 =	smov.u32 @p3 s3  }
0x141: {  	(v2sf) =	vpush v0, $0x0;
	_ =	sdelay $0x8  }
0x142: {  	s0 =	spop (v2sf)  }
0x143: {  	p1 =	sne.s32 s4, $0xFFFFFFFF;
	s2 =	smov.u32 s0  }
0x144: {  	s9 =	simm.s32 $0x6;
	p2 =	seq.s32 s0, $0xFFFFFFFF;
	s2 =	smov.u32 @p1 s4  }
0x145: {  	s6 =	simm.s32 $0x0;
	s2 =	smov.u32 @p2 s4;
	s3 =	spop (v2sf)  }
0x146: {  	s0 =	smov.u32 @p2 s5;
	p1 =	sne.s32 s2, $0xFFFFFFFF;
	s4 =	smov.u32 s3  }
.Ltmp19:
0x147: {  	p2 =	seq.s32 s3, $0xFFFFFFFF;
	s4 =	smov.u32 @p1 s2;
	(pc) =	sbr.rel .LBB2_26-.Ltmp19, $4  }
0x148: {  	s10 =	simm.s32 $0xF188;
	s4 =	smov.u32 @p2 s2;
	s7 =	spop (v2sf)  }
0x149: {  	s11 =	simm.s32 $0x0;
	p1 =	sne.s32 s4, $0xFFFFFFFF;
	s8 =	smov.u32 s7  }
0x14a: {  	s3 =	smov.u32 @p2 s0;
	p2 =	seq.s32 s7, $0xFFFFFFFF;
	s8 =	smov.u32 @p1 s4  }
0x14b: {  	[sflag:s9] =	ssyncpa.u1 $0x0;
	s7 =	smov.u32 @p2 s3;
	s8 =	smov.u32 @p2 s4  }
.LBB2_32:
0x14c: {  	p1 =	sgt.u32 s12, $0x270F0  }
0x14d: {  	p2 =	seq.s32 @!p1 s12, s8  }
0x14e: {  	p1 =	por p1, p2  }
0x14f: {  	p2 =	sne.s32 @!p1 s12, s7  }
0x150: {  	p1 =	por p1, !p2  }
0x151: {  	s0 =	sshll.u32 @p1 s11, $0x9  }
0x152: {  	s0 =	sand.u32 @!p1 $0x3FFF8, s12  }
0x153: {  	s2 =	sand.u32 @!p1 $0x7, s12;
	s0 =	sadd.s32 @!p1 s1, s0  }
0x154: {  	[tilespmem:s10], [sflag:$0x6] =	stream.linear.gather @!p1 [hbm4b:s0+s2], $0x80, $0x38;
	[tilespmem:$0x1F6F8] =	vst v63  }
0x155: {  	_ =	swait.ge @!p1 [sflag:s9], $0x80  }
0x156: {  	[sflag:s9] =	ssyncset.done @!p1 $0x0  }
0x157: {  	[sflag:s9] =	ssyncadd.s32 @!p1 $0xFFFFFF80  }
0x158: {  	v1 =	vld @!p1 [tilespmem:$0xF188];
	_ =	sdelay $0x2  }
0x159: {  	s0 =	sshll.u32 @!p1 s11, $0x9  }
0x15a: {  	s2 =	sshrl.u32 @!p1 s0, $0x2  }
0x15b: {  	[tilespmem:s2+$0xF238] =	vst.add.f32.msk @!p1 $0xffff, v1  }
0x15c: {  	v1 =	vld @!p1 [tilespmem:$0xF198];
	_ =	sdelay $0x4  }
0x15d: {  	[tilespmem:s2+$0xF248] =	vst.add.f32.msk @!p1 $0xffff, v1  }
0x15e: {  	v1 =	vld @!p1 [tilespmem:$0xF1A8];
	_ =	sdelay $0x4  }
0x15f: {  	[tilespmem:s2+$0xF258] =	vst.add.f32.msk @!p1 $0xffff, v1  }
0x160: {  	v1 =	vld @!p1 [tilespmem:$0xF1B8];
	_ =	sdelay $0x4  }
0x161: {  	[tilespmem:s2+$0xF268] =	vst.add.f32.msk @!p1 $0xffff, v1  }
0x162: {  	v1 =	vld @!p1 [tilespmem:$0xF1C8];
	_ =	sdelay $0x4  }
0x163: {  	[tilespmem:s2+$0xF278] =	vst.add.f32.msk @!p1 $0xffff, v1  }
0x164: {  	v1 =	vld @!p1 [tilespmem:$0xF1D8];
	_ =	sdelay $0x4  }
0x165: {  	[tilespmem:s2+$0xF288] =	vst.add.f32.msk @!p1 $0xffff, v1  }
0x166: {  	v1 =	vld @!p1 [tilespmem:$0xF1E8];
	_ =	sdelay $0x4  }
0x167: {  	[tilespmem:s2+$0xF298] =	vst.add.f32.msk @!p1 $0xffff, v1  }
0x168: {  	v1 =	vld @!p1 [tilespmem:$0xF1F8];
	_ =	sdelay $0x4  }
0x169: {  	[tilespmem:s2+$0xF2A8] =	vst.add.f32.msk @!p1 $0xffff, v1  }
0x16a: {  	s0 =	sshrl.u32 s0, $0x2;
	[tilespmem:s6+$0xF218] =	vst.msk $0x1, v0  }
0x16b: {  	v0 =	vld [tilespmem:s0+$0xF238];
	_ =	sdelay $0x2  }
0x16c: {  	s31 =	sshll.u32 s6, $0x9  }
0x16d: {  	s2 =	sshra.s32 s31, $0x2  }
0x16e: {  	[tilespmem:s2+$0xF238] =	vst v0  }
0x16f: {  	v0 =	vld [tilespmem:s0+$0xF248];
	_ =	sdelay $0x4  }
0x170: {  	[tilespmem:s2+$0xF248] =	vst v0  }
0x171: {  	v0 =	vld [tilespmem:s0+$0xF258];
	_ =	sdelay $0x4  }
0x172: {  	[tilespmem:s2+$0xF258] =	vst v0  }
0x173: {  	v0 =	vld [tilespmem:s0+$0xF268];
	_ =	sdelay $0x4  }
0x174: {  	[tilespmem:s2+$0xF268] =	vst v0  }
0x175: {  	v0 =	vld [tilespmem:s0+$0xF278];
	_ =	sdelay $0x4  }
0x176: {  	[tilespmem:s2+$0xF278] =	vst v0  }
0x177: {  	v0 =	vld [tilespmem:s0+$0xF288];
	_ =	sdelay $0x4  }
0x178: {  	[tilespmem:s2+$0xF288] =	vst v0  }
0x179: {  	v0 =	vld [tilespmem:s0+$0xF298];
	_ =	sdelay $0x4  }
0x17a: {  	[tilespmem:s2+$0xF298] =	vst v0  }
0x17b: {  	v0 =	vld [tilespmem:s0+$0xF2A8];
	_ =	sdelay $0x4  }
0x17c: {  	s6 =	sadd.s32 $0x1, s6;
	[tilespmem:s2+$0xF2A8] =	vst v0  }
.LBB2_33:
0x17d: {  	s11 =	sadd.s32 $0x1, s11  }
0x17e: {  	p1 =	sne.s32 s11, $0x20  }
.Ltmp20:
0x17f: {  	_ = 	snop;
	(pc) =	sbr.rel @!p1 .LBB2_34-.Ltmp20, $1  }
0x180: {  	_ =	sdelay $0x3  }
.LBB2_26:
0x181: {  	v0 =	vld.msk [tilespmem:s11+$0xF218], $0x1;
	_ =	sdelay $0x4  }
0x182: {  	(v2sf) =	vpush v0, $0x0;
	_ =	sdelay $0xe  }
0x183: {  	s12 =	spop (v2sf)  }
0x184: {  	p1 =	seq.s32 s12, $0xFFFFFFFF  }
.Ltmp21:
0x185: {  	_ = 	snop;
	(pc) =	sbr.rel @p1 .LBB2_33-.Ltmp21, $1  }
0x186: {  	_ =	sdelay $0x3  }
0x187: {  	p1 =	slt.s32 s6, $0x1  }
.Ltmp22:
0x188: {  	_ = 	snop;
	(pc) =	sbr.rel @p1 .LBB2_32-.Ltmp22, $1  }
0x189: {  	_ =	sdelay $0x3  }
0x18a: {  	s13 =	simm.s32 $0xF218;
	p1 =	por $0x0, $0x0  }
0x18b: {  	v1 =	vld.msk @!p1 [tilespmem:s13+$0x0], $0x1;
	_ =	sdelay $0x4  }
0x18c: {  	(v2sf) =	vpush @!p1 v1, $0x0;
	_ =	sdelay $0xd  }
0x18d: {  	p3 =	sne.s32 s6, $0x1  }
.Ltmp23:
0x18e: {  	s0 =	spop @!p1 (v2sf);
	(pc) =	sbr.rel @!p3 .LBB2_30-.Ltmp23, $4  }
0x18f: {  	p2 =	seq.s32 @!p1 s12, s0  }
0x190: {  	s14 =	simm.s32 $0x0;
	p2 =	por !p2, p1  }
0x191: {  	s2 =	simm.s32 $0xFFFFFFFF;
	s14 =	simm.s32 @p2 $0xFFFFFFFF  }
0x192: {  	s0 =	simm.s32 $0x1;
	s14 =	smov.u32 @p1 s2  }
.LBB2_29:
0x193: {  	s2 =	smov.u32 s14;
	p1 =	sne.s32 s14, $0xFFFFFFFF  }
0x194: {  	s13 =	sadd.s32 $0x1, s13;
	s14 =	smov.u32 s0;
	s0 =	sadd.s32 $0x1, s0  }
0x195: {  	p2 =	sne.s32 s6, s0;
	v1 =	vld.msk @!p1 [tilespmem:s13+$0x0], $0x1;
	_ =	sdelay $0x4  }
0x196: {  	(v2sf) =	vpush @!p1 v1, $0x0;
	_ =	sdelay $0xe  }
.Ltmp24:
0x197: {  	s3 =	spop @!p1 (v2sf);
	(pc) =	sbr.rel @p2 .LBB2_29-.Ltmp24, $4  }
0x198: {  	p3 =	seq.s32 @!p1 s12, s3  }
0x199: {  	p3 =	por !p3, p1  }
0x19a: {  	s14 =	simm.s32 @p3 $0xFFFFFFFF  }
0x19b: {  	s14 =	smov.u32 @p1 s2  }
.LBB2_30:
0x19c: {  	p1 =	seq.s32 s14, $0xFFFFFFFF  }
.Ltmp25:
0x19d: {  	_ = 	snop;
	(pc) =	sbr.rel @p1 .LBB2_32-.Ltmp25, $1  }
0x19e: {  	_ =	sdelay $0x3  }
0x19f: {  	s0 =	sshll.u32 s11, $0x7  }
0x1a0: {  	s0 =	sand.u32 $0x3FFFFF80, s0  }
0x1a1: {  	v0 =	vld [tilespmem:s0+$0xF238];
	_ =	sdelay $0x2  }
0x1a2: {  	s2 =	sshll.u32 s14, $0x9  }
0x1a3: {  	s2 =	sshra.s32 s2, $0x2  }
0x1a4: {  	[tilespmem:s2+$0xF238] =	vst.add.f32.msk $0xffff, v0  }
0x1a5: {  	v0 =	vld [tilespmem:s0+$0xF248];
	_ =	sdelay $0x4  }
0x1a6: {  	[tilespmem:s2+$0xF248] =	vst.add.f32.msk $0xffff, v0  }
0x1a7: {  	v0 =	vld [tilespmem:s0+$0xF258];
	_ =	sdelay $0x4  }
0x1a8: {  	[tilespmem:s2+$0xF258] =	vst.add.f32.msk $0xffff, v0  }
0x1a9: {  	v0 =	vld [tilespmem:s0+$0xF268];
	_ =	sdelay $0x4  }
0x1aa: {  	[tilespmem:s2+$0xF268] =	vst.add.f32.msk $0xffff, v0  }
0x1ab: {  	v0 =	vld [tilespmem:s0+$0xF278];
	_ =	sdelay $0x4  }
0x1ac: {  	[tilespmem:s2+$0xF278] =	vst.add.f32.msk $0xffff, v0  }
0x1ad: {  	v0 =	vld [tilespmem:s0+$0xF288];
	_ =	sdelay $0x4  }
0x1ae: {  	[tilespmem:s2+$0xF288] =	vst.add.f32.msk $0xffff, v0  }
0x1af: {  	v0 =	vld [tilespmem:s0+$0xF298];
	_ =	sdelay $0x4  }
0x1b0: {  	[tilespmem:s2+$0xF298] =	vst.add.f32.msk $0xffff, v0  }
0x1b1: {  	v0 =	vld [tilespmem:s0+$0xF2A8]  }
.Ltmp26:
0x1b2: {  	_ = 	snop;
	(pc) =	sbr.rel .LBB2_33-.Ltmp26, $2  }
0x1b3: {  	_ =	sdelay $0x2  }
0x1b4: {  	[tilespmem:s2+$0xF2A8] =	vst.add.f32.msk $0xffff, v0  }
.LBB2_34:
0x1b5: {  	s0 =	simm.s32 $0x6;
	p1 =	seq.s32 s6, $0x0  }
0x1b6: {  	[sflag:s0] =	ssyncpa.u1 $0x1;
	v0 =	vimm.s32 @p1 $0xFFFFFFFF  }
0x1b7: {  	s9 =	sadd.s32 $0xFFFFFFFF, s6;
	[tilespmem:$0x10238] =	vst @p1 v0  }
0x1b8: {  	v0 =	vld.msk @!p1 [tilespmem:s9+$0xF218], $0x1;
	_ =	sdelay $0x1  }
0x1b9: {  	v1 =	vld.msk @!p1 [tilespmem:$0xF218], $0x1;
	_ =	sdelay $0x2  }
0x1ba: {  	p2 =	seq.s32 @!p1 s9, $0x0;
	v0 =	vbroadcast @!p1 v0, $0x0  }
0x1bb: {  	vm0 =	vmmov @!p1 $0x1;
	p2 =	por !p2, p1  }
0x1bc: {  	v1 =	vnsel @!p1 vm0, $0xFFFFFFFF, v1;
	vm0 =	vcmask @!p1 $0x308;
	v0 =	vpsel !p2, $0xFFFFFFFF, v0  }
0x1bd: {  	p2 =	sne.s32 @!p1 s8, s7;
	v0 =	vsel @!p1 vm0, v1, v0  }
0x1be: {  	s0 =	simm.s32 @!p1 $0xF238;
	s2 =	simm.s32 @!p1 $0x0;
	p3 =	por !p2, p1;
	[tilespmem:$0x10238] =	vst @!p1 v0  }
0x1bf: {  	[spmem:s2] =	stream.linear.scatter @!p1 [tilespmem:s0], [sflag:$0x1], $0x80, $0x38;
	[tilespmem:$0x1F6F8] =	vst v63  }
0x1c0: {  	s0 =	sshll.u32 @!p3 s9, $0x9  }
0x1c1: {  	s0 =	sshra.s32 @!p3 s0, $0x2  }
0x1c2: {  	s2 =	simm.s32 @!p3 $0x80;
	s0 =	sadd.s32 @!p3 $0xF238, s0  }
0x1c3: {  	[spmem:s2] =	stream.linear.scatter @!p3 [tilespmem:s0], [sflag:$0x1], $0x80, $0x38;
	[tilespmem:$0x1F6F8] =	vst v63  }
0x1c4: {  	s0 =	simm.s32 @!p3 $0x1  }
0x1c5: {  	_ =	swait.ge @!p3 [sflag:s0], $0x100  }
0x1c6: {  	p1 =	por p2, p1;
	[sflag:s0] =	ssyncset.done @!p3 $0x0  }
0x1c7: {  	[sflag:s0] =	ssyncadd.s32 @!p3 $0xFFFFFF00;
	s0 =	simm.s32 @!p1 $0x1  }
0x1c8: {  	_ =	swait.ge @!p1 [sflag:s0], $0x80  }
0x1c9: {  	s29 =	simm.s32 $0x10238;
	[sflag:s0] =	ssyncset.done @!p1 $0x0  }
0x1ca: {  	s30 =	simm.s32 $0x1000;
	s31 =	simm.s32 $0x1;
	[sflag:s0] =	ssyncadd.s32 @!p1 $0xFFFFFF80  }
0x1cb: {  	[spmem:s30] =	stream.linear.scatter [tilespmem:s29], [sflag:$0x1], $0x10, $0x38;
	[tilespmem:$0x1F6F8] =	vst v63  }
0x1cc: {  	_ =	swait.ge [sflag:s31], $0x10  }
0x1cd: {  	[sflag:s31] =	ssyncset.done $0x0  }
0x1ce: {  	p1 =	seq.s32 s15, $0x0;
	s8 =	rddreg [dreg:$0x1];
	[sflag:s31] =	ssyncadd.s32 $0xFFFFFFF0  }
0x1cf: {  	s2 =	sshll.u32 @p1 s8, $0xE;
	s7 =	rddreg [dreg:$0x2]  }
0x1d0: {  	s0 =	sadd.s32 @p1 $0x15C3C, s2;
	s2 =	sshll.u32 @p1 s7, $0x11  }
0x1d1: {  	_ =	sfence.stream.spmem;
	s0 =	sor.u32 @p1 s2, s0  }
0x1d2: {  	[sflag:s0] =	ssyncadd.remote.s32 @p1 $0x1;
	s0 =	simm.s32 @p1 $0x4  }
0x1d3: {  	s3 =	simm.s32 @!p1 $0x3C;
	s2 =	sand.u32 $0xFFFFFFFE, s8;
	_ =	swait.ge @p1 [sflag:s0], $0x22  }
0x1d4: {  	s4 =	simm.s32 @!p1 $0x0;
	s2 =	sadd.s32 @!p1 $0x4, s2;
	[sflag:s0] =	ssyncset.done @p1 $0x0  }
0x1d5: {  	s5 =	simm.s32 @!p1 $0x100;
	[sflag:s0] =	ssyncadd.s32 @p1 $0xFFFFFFDE;
	s0 =	sshll.u32 @!p1 s2, $0x1A  }
0x1d6: {  	s2 =	sshll.u32 @!p1 s2, $0xD;
	s0 =	sor.u32 @!p1 s0, s7;
	_ =	swait.eq @!p1 [sflag:s3], $0x1  }
0x1d7: {  	s2 =	sor.u32 @!p1 $0x1C04, s2;
	s3 =	simm.s32 @!p1 $0x1C03;
	s0 =	sor.u32 @!p1 $0x80004000, s0  }
0x1d8: {  	[spmem:s5], [sflag:s2] =	dma.general @!p1 [spmem:s4], [sflag:s3], length:$0x20, [dreg:$0x0], stride_count:$0x0, ici_dest:s0, dma_misc:DstOpCode:WRITE  }
0x1d9: {  	p2 =	slt.s32 s9, $0x2;
	s4 =	simm.s32 @!p1 $0x200;
	s5 =	simm.s32 @!p1 $0x202  }
0x1da: {  	[spmem:s5], [sflag:s2] =	dma.general @!p1 [spmem:s4], [sflag:s3], length:$0x2, [dreg:$0x0], stride_count:$0x0, ici_dest:s0, dma_misc:DstOpCode:WRITE  }
.Ltmp27:
0x1db: {  	s0 =	simm.s32 @!p1 $0x3;
	(pc) =	sbr.rel @p2 .LBB2_38-.Ltmp27, $4  }
0x1dc: {  	s2 =	sshll.u32 @!p1 s8, $0xE;
	_ =	swait.ge @!p1 [sflag:s0], $0x22  }
0x1dd: {  	s3 =	sshll.u32 @!p1 s7, $0x11;
	s2 =	sadd.s32 @!p1 $0x11C3C, s2;
	[sflag:s0] =	ssyncset.done @!p1 $0x0  }
0x1de: {  	[sflag:s0] =	ssyncadd.s32 @!p1 $0xFFFFFFDE;
	s0 =	sor.u32 @!p1 s3, s2  }
0x1df: {  	[sflag:s0] =	ssyncadd.remote.s32 @!p1 $0xFFFFFFFF;
	s0 =	simm.s32 $0x0  }
0x1e0: {  	s0 =	simm.s32 $0xF219  }
0x1e1: {  	v0 =	vld.msk [tilespmem:s0+$0x0], $0x1;
	_ =	sdelay $0x4  }
0x1e2: {  	(v2sf) =	vpush v0, $0x0;
	_ =	sdelay $0xb  }
0x1e3: {  	s31 =	sadd.s32 $0xFFFFFFFE, s6  }
0x1e4: {  	s0 =	sadd.s32 $0xFFFFFFFF, s31  }
0x1e5: {  	p2 =	sne.s32 s0, $0x0  }
.Ltmp28:
0x1e6: {  	s2 =	spop (v2sf);
	(pc) =	sbr.rel @!p2 .LBB2_37-.Ltmp28, $4  }
0x1e7: {  	s4 =	simm.s32 $0xF2B8;
	s7 =	simm.s32 $0x0;
	p1 =	sgt.u32 s2, $0x270F0  }
0x1e8: {  	s5 =	simm.s32 $0x0;
	s6 =	simm.s32 $0xF21A;
	s3 =	sand.u32 @!p1 $0x3FFF8, s2  }
0x1e9: {  	s2 =	sand.u32 @!p1 $0x7, s2;
	s7 =	simm.s32 @!p1 $0x200;
	s3 =	sadd.s32 @!p1 s1, s3  }
0x1ea: {  	[hbm4b:s3+s2] =	stream.linear.scatter @!p1 [tilespmem:s4], [sflag:$0x5], $0x80, $0x38;
	[tilespmem:$0x1F6F8] =	vst v63  }
.LBB2_36:
0x1eb: {  	v0 =	vld.msk [tilespmem:s6+$0x0], $0x1;
	s0 =	sadd.s32 $0xFFFFFFFF, s0;
	s5 =	sadd.s32 s5, s7  }
0x1ec: {  	p1 =	sne.s32 s0, $0x0;
	_ =	sdelay $0x3  }
0x1ed: {  	(v2sf) =	vpush v0, $0x0;
	_ =	sdelay $0xe  }
.Ltmp29:
0x1ee: {  	s2 =	spop (v2sf);
	(pc) =	sbr.rel @p1 .LBB2_36-.Ltmp29, $4  }
0x1ef: {  	s7 =	simm.s32 $0x0;
	p2 =	sgt.u32 s2, $0x270F0  }
0x1f0: {  	s4 =	sadd.s32 $0x80, s4;
	s7 =	simm.s32 @!p2 $0x200;
	s3 =	sand.u32 @!p2 $0x3FFF8, s2  }
0x1f1: {  	s6 =	sadd.s32 $0x1, s6;
	s2 =	sand.u32 @!p2 $0x7, s2;
	s3 =	sadd.s32 @!p2 s1, s3  }
0x1f2: {  	[hbm4b:s3+s2] =	stream.linear.scatter @!p2 [tilespmem:s4], [sflag:$0x5], $0x80, $0x38;
	[tilespmem:$0x1F6F8] =	vst v63  }
.LBB2_37:
0x1f3: {  	s0 =	sadd.s32 s5, s7  }
0x1f4: {  	s0 =	sshrl.u32 s0, $0x2  }
.LBB2_38:
0x1f5: {  	s2 =	simm.s32 $0x5  }
0x1f6: {  	_ =	swait.ge [sflag:s2], s0  }
0x1f7: {  	s31 =	ssub.s32 $0x0, s0;
	[sflag:s2] =	ssyncset.done $0x0  }
0x1f8: {  	[sflag:s2] =	ssyncadd.s32 s31  }
0x1f9: {  	[sflag:s2] =	ssyncpa.u1 $0x1  }
.LBB2_39:
0x1fa: {  	s0 =	sor.u32 s15, s16  }
0x1fb: {  	p1 =	sne.s32 s0, $0x0  }
.Ltmp30:
0x1fc: {  	_ = 	snop;
	(pc) =	sbr.rel @p1 .LBB2_54-.Ltmp30, $3  }
0x1fd: {  	_ =	sdelay $0x1  }
0x1fe: {  	[bflag:$0x0] =	sbarrier.arrive $0xFFFF  }
0x1ff: {  	_ =	sfence  }
0x200: {  	s0 =	simm.s32 $0x7  }
0x201: {  	s2 =	simm.s32 $0x1000;
	s3 =	simm.s32 $0xF218;
	[sflag:s0] =	ssyncpa.u1 $0x0  }
0x202: {  	[tilespmem:s3], [sflag:$0x7] =	stream.linear.gather [spmem:s2], $0x20, $0x38;
	[tilespmem:$0x1F6F8] =	vst v63  }
0x203: {  	s30 =	simm.s32 $0xF238;
	s2 =	simm.s32 $0x0  }
0x204: {  	[tilespmem:s30], [sflag:$0x7] =	stream.linear.gather [spmem:s2], $0x1000, $0x38;
	[tilespmem:$0x1F6F8] =	vst v63  }
.Ltmp31:
0x205: {  	_ = 	snop;
	(pc) =	sbr.rel .LBB2_41-.Ltmp31, $4  }
0x206: {  	_ =	swait.ge [sflag:s0], $0x1020  }
0x207: {  	[sflag:s0] =	ssyncset.done $0x0  }
0x208: {  	s31 =	simm.s32 $0x8;
	[sflag:s0] =	ssyncadd.s32 $0xFFFFEFE0  }
0x209: {  	s3 =	simm.s32 $0x0;
	[sflag:s31] =	ssyncpa.u1 $0x0  }
.LBB2_47:
0x20a: {  	p1 =	slt.u32 s4, $0x270F1  }
0x20b: {  	s0 =	sand.u32 @p1 $0x3FFF8, s4  }
0x20c: {  	s4 =	sand.u32 @p1 $0x7, s4;
	s5 =	simm.s32 @p1 $0xF188;
	s0 =	sadd.s32 @p1 s1, s0  }
0x20d: {  	[tilespmem:s5], [sflag:$0x8] =	stream.linear.gather @p1 [hbm4b:s0+s4], $0x80, $0x38;
	[tilespmem:$0x1F6F8] =	vst v63  }
0x20e: {  	s0 =	simm.s32 @p1 $0x8  }
0x20f: {  	_ =	swait.ge @p1 [sflag:s0], $0x80  }
0x210: {  	[sflag:s0] =	ssyncset.done @p1 $0x0  }
0x211: {  	[sflag:s0] =	ssyncadd.s32 @p1 $0xFFFFFF80  }
0x212: {  	v1 =	vld @p1 [tilespmem:$0xF188];
	_ =	sdelay $0x2  }
0x213: {  	s0 =	sshll.u32 @p1 s3, $0x9  }
0x214: {  	s4 =	sshrl.u32 @p1 s0, $0x2  }
0x215: {  	[tilespmem:s4+$0xF238] =	vst.add.f32.msk @p1 $0xffff, v1  }
0x216: {  	v1 =	vld @p1 [tilespmem:$0xF198];
	_ =	sdelay $0x4  }
0x217: {  	[tilespmem:s4+$0xF248] =	vst.add.f32.msk @p1 $0xffff, v1  }
0x218: {  	v1 =	vld @p1 [tilespmem:$0xF1A8];
	_ =	sdelay $0x4  }
0x219: {  	[tilespmem:s4+$0xF258] =	vst.add.f32.msk @p1 $0xffff, v1  }
0x21a: {  	v1 =	vld @p1 [tilespmem:$0xF1B8];
	_ =	sdelay $0x4  }
0x21b: {  	[tilespmem:s4+$0xF268] =	vst.add.f32.msk @p1 $0xffff, v1  }
0x21c: {  	v1 =	vld @p1 [tilespmem:$0xF1C8];
	_ =	sdelay $0x4  }
0x21d: {  	[tilespmem:s4+$0xF278] =	vst.add.f32.msk @p1 $0xffff, v1  }
0x21e: {  	v1 =	vld @p1 [tilespmem:$0xF1D8];
	_ =	sdelay $0x4  }
0x21f: {  	[tilespmem:s4+$0xF288] =	vst.add.f32.msk @p1 $0xffff, v1  }
0x220: {  	v1 =	vld @p1 [tilespmem:$0xF1E8];
	_ =	sdelay $0x4  }
0x221: {  	[tilespmem:s4+$0xF298] =	vst.add.f32.msk @p1 $0xffff, v1  }
0x222: {  	v1 =	vld @p1 [tilespmem:$0xF1F8];
	_ =	sdelay $0x3  }
0x223: {  	s5 =	sshll.u32 @!p1 s3, $0x9  }
0x224: {  	s5 =	smov.u32 @p1 s0;
	[tilespmem:s4+$0xF2A8] =	vst.add.f32.msk @p1 $0xffff, v1  }
0x225: {  	s0 =	sshrl.u32 s5, $0x2;
	[tilespmem:s2+$0xF218] =	vst.msk $0x1, v0  }
0x226: {  	v0 =	vld [tilespmem:s0+$0xF238];
	_ =	sdelay $0x2  }
0x227: {  	s31 =	sshll.u32 s2, $0x9  }
0x228: {  	s4 =	sshra.s32 s31, $0x2  }
0x229: {  	[tilespmem:s4+$0xF238] =	vst v0  }
0x22a: {  	v0 =	vld [tilespmem:s0+$0xF248];
	_ =	sdelay $0x4  }
0x22b: {  	[tilespmem:s4+$0xF248] =	vst v0  }
0x22c: {  	v0 =	vld [tilespmem:s0+$0xF258];
	_ =	sdelay $0x4  }
0x22d: {  	[tilespmem:s4+$0xF258] =	vst v0  }
0x22e: {  	v0 =	vld [tilespmem:s0+$0xF268];
	_ =	sdelay $0x4  }
0x22f: {  	[tilespmem:s4+$0xF268] =	vst v0  }
0x230: {  	v0 =	vld [tilespmem:s0+$0xF278];
	_ =	sdelay $0x4  }
0x231: {  	[tilespmem:s4+$0xF278] =	vst v0  }
0x232: {  	v0 =	vld [tilespmem:s0+$0xF288];
	_ =	sdelay $0x4  }
0x233: {  	[tilespmem:s4+$0xF288] =	vst v0  }
0x234: {  	v0 =	vld [tilespmem:s0+$0xF298];
	_ =	sdelay $0x4  }
0x235: {  	[tilespmem:s4+$0xF298] =	vst v0  }
0x236: {  	v0 =	vld [tilespmem:s0+$0xF2A8];
	_ =	sdelay $0x4  }
0x237: {  	s2 =	sadd.s32 $0x1, s2;
	[tilespmem:s4+$0xF2A8] =	vst v0  }
.LBB2_48:
0x238: {  	s3 =	sadd.s32 $0x1, s3  }
0x239: {  	p1 =	sne.s32 s3, $0x20  }
.Ltmp32:
0x23a: {  	_ = 	snop;
	(pc) =	sbr.rel @!p1 .LBB2_49-.Ltmp32, $1  }
0x23b: {  	_ =	sdelay $0x3  }
.LBB2_41:
0x23c: {  	v0 =	vld.msk [tilespmem:s3+$0xF218], $0x1;
	_ =	sdelay $0x4  }
0x23d: {  	(v2sf) =	vpush v0, $0x0;
	_ =	sdelay $0xe  }
0x23e: {  	s4 =	spop (v2sf)  }
0x23f: {  	p1 =	seq.s32 s4, $0xFFFFFFFF  }
.Ltmp33:
0x240: {  	_ = 	snop;
	(pc) =	sbr.rel @p1 .LBB2_48-.Ltmp33, $1  }
0x241: {  	_ =	sdelay $0x3  }
0x242: {  	p1 =	slt.s32 s2, $0x1  }
.Ltmp34:
0x243: {  	_ = 	snop;
	(pc) =	sbr.rel @p1 .LBB2_47-.Ltmp34, $1  }
0x244: {  	_ =	sdelay $0x3  }
0x245: {  	s5 =	simm.s32 $0xF218;
	p1 =	por $0x0, $0x0  }
0x246: {  	v1 =	vld.msk @!p1 [tilespmem:s5+$0x0], $0x1;
	_ =	sdelay $0x4  }
0x247: {  	(v2sf) =	vpush @!p1 v1, $0x0;
	_ =	sdelay $0xd  }
0x248: {  	p3 =	sne.s32 s2, $0x1  }
.Ltmp35:
0x249: {  	s0 =	spop @!p1 (v2sf);
	(pc) =	sbr.rel @!p3 .LBB2_45-.Ltmp35, $4  }
0x24a: {  	p2 =	seq.s32 @!p1 s4, s0  }
0x24b: {  	s6 =	simm.s32 $0x0;
	p2 =	por !p2, p1  }
0x24c: {  	s7 =	simm.s32 $0xFFFFFFFF;
	s6 =	simm.s32 @p2 $0xFFFFFFFF  }
0x24d: {  	s0 =	simm.s32 $0x1;
	s6 =	smov.u32 @p1 s7  }
.LBB2_44:
0x24e: {  	s7 =	smov.u32 s6;
	p1 =	sne.s32 s6, $0xFFFFFFFF  }
0x24f: {  	s5 =	sadd.s32 $0x1, s5;
	s6 =	smov.u32 s0;
	s0 =	sadd.s32 $0x1, s0  }
0x250: {  	p2 =	sne.s32 s2, s0;
	v1 =	vld.msk @!p1 [tilespmem:s5+$0x0], $0x1;
	_ =	sdelay $0x4  }
0x251: {  	(v2sf) =	vpush @!p1 v1, $0x0;
	_ =	sdelay $0xe  }
.Ltmp36:
0x252: {  	s8 =	spop @!p1 (v2sf);
	(pc) =	sbr.rel @p2 .LBB2_44-.Ltmp36, $4  }
0x253: {  	p3 =	seq.s32 @!p1 s4, s8  }
0x254: {  	p3 =	por !p3, p1  }
0x255: {  	s6 =	simm.s32 @p3 $0xFFFFFFFF  }
0x256: {  	s6 =	smov.u32 @p1 s7  }
.LBB2_45:
0x257: {  	p1 =	seq.s32 s6, $0xFFFFFFFF  }
.Ltmp37:
0x258: {  	_ = 	snop;
	(pc) =	sbr.rel @p1 .LBB2_47-.Ltmp37, $1  }
0x259: {  	_ =	sdelay $0x3  }
0x25a: {  	s0 =	sshll.u32 s3, $0x7  }
0x25b: {  	s0 =	sand.u32 $0x3FFFFF80, s0  }
0x25c: {  	v0 =	vld [tilespmem:s0+$0xF238];
	_ =	sdelay $0x2  }
0x25d: {  	s4 =	sshll.u32 s6, $0x9  }
0x25e: {  	s4 =	sshra.s32 s4, $0x2  }
0x25f: {  	[tilespmem:s4+$0xF238] =	vst.add.f32.msk $0xffff, v0  }
0x260: {  	v0 =	vld [tilespmem:s0+$0xF248];
	_ =	sdelay $0x4  }
0x261: {  	[tilespmem:s4+$0xF248] =	vst.add.f32.msk $0xffff, v0  }
0x262: {  	v0 =	vld [tilespmem:s0+$0xF258];
	_ =	sdelay $0x4  }
0x263: {  	[tilespmem:s4+$0xF258] =	vst.add.f32.msk $0xffff, v0  }
0x264: {  	v0 =	vld [tilespmem:s0+$0xF268];
	_ =	sdelay $0x4  }
0x265: {  	[tilespmem:s4+$0xF268] =	vst.add.f32.msk $0xffff, v0  }
0x266: {  	v0 =	vld [tilespmem:s0+$0xF278];
	_ =	sdelay $0x4  }
0x267: {  	[tilespmem:s4+$0xF278] =	vst.add.f32.msk $0xffff, v0  }
0x268: {  	v0 =	vld [tilespmem:s0+$0xF288];
	_ =	sdelay $0x4  }
0x269: {  	[tilespmem:s4+$0xF288] =	vst.add.f32.msk $0xffff, v0  }
0x26a: {  	v0 =	vld [tilespmem:s0+$0xF298];
	_ =	sdelay $0x4  }
0x26b: {  	[tilespmem:s4+$0xF298] =	vst.add.f32.msk $0xffff, v0  }
0x26c: {  	v0 =	vld [tilespmem:s0+$0xF2A8]  }
.Ltmp38:
0x26d: {  	_ = 	snop;
	(pc) =	sbr.rel .LBB2_48-.Ltmp38, $2  }
0x26e: {  	_ =	sdelay $0x2  }
0x26f: {  	[tilespmem:s4+$0xF2A8] =	vst.add.f32.msk $0xffff, v0  }
.LBB2_49:
0x270: {  	p1 =	slt.s32 s2, $0x1  }
.Ltmp39:
0x271: {  	_ = 	snop;
	(pc) =	sbr.rel @p1 .LBB2_53-.Ltmp39, $3  }
0x272: {  	_ =	sdelay $0x1  }
0x273: {  	s0 =	simm.s32 $0x8  }
0x274: {  	s3 =	simm.s32 $0x0;
	[sflag:s0] =	ssyncpa.u1 $0x1  }
0x275: {  	s0 =	simm.s32 $0xF218  }
0x276: {  	v0 =	vld.msk [tilespmem:s0+$0x0], $0x1;
	_ =	sdelay $0x4  }
0x277: {  	(v2sf) =	vpush v0, $0x0;
	_ =	sdelay $0xe  }
0x278: {  	s0 =	sadd.s32 $0xFFFFFFFF, s2;
	s5 =	spop (v2sf)  }
0x279: {  	p2 =	sne.s32 s0, $0x0;
	p1 =	sgt.u32 s5, $0x270F0  }
.Ltmp40:
0x27a: {  	s6 =	sand.u32 @!p1 $0x3FFF8, s5;
	(pc) =	sbr.rel @!p2 .LBB2_52-.Ltmp40, $4  }
0x27b: {  	s4 =	simm.s32 $0xF238;
	s5 =	sand.u32 @!p1 $0x7, s5;
	s2 =	sadd.s32 @!p1 s1, s6  }
0x27c: {  	[hbm4b:s2+s5] =	stream.linear.scatter @!p1 [tilespmem:s4], [sflag:$0x7], $0x80, $0x38;
	[tilespmem:$0x1F6F8] =	vst v63  }
0x27d: {  	s5 =	simm.s32 $0x0  }
0x27e: {  	s2 =	simm.s32 $0xF219;
	s5 =	simm.s32 @!p1 $0x200  }
.LBB2_51:
0x27f: {  	v0 =	vld.msk [tilespmem:s2+$0x0], $0x1;
	s0 =	sadd.s32 $0xFFFFFFFF, s0;
	s3 =	sadd.s32 s3, s5  }
0x280: {  	p1 =	sne.s32 s0, $0x0;
	_ =	sdelay $0x3  }
0x281: {  	(v2sf) =	vpush v0, $0x0;
	_ =	sdelay $0xe  }
.Ltmp41:
0x282: {  	s6 =	spop (v2sf);
	(pc) =	sbr.rel @p1 .LBB2_51-.Ltmp41, $4  }
0x283: {  	s5 =	simm.s32 $0x0;
	p2 =	sgt.u32 s6, $0x270F0  }
0x284: {  	s4 =	sadd.s32 $0x80, s4;
	s5 =	simm.s32 @!p2 $0x200;
	s7 =	sand.u32 @!p2 $0x3FFF8, s6  }
0x285: {  	s2 =	sadd.s32 $0x1, s2;
	s6 =	sand.u32 @!p2 $0x7, s6;
	s7 =	sadd.s32 @!p2 s1, s7  }
0x286: {  	[hbm4b:s7+s6] =	stream.linear.scatter @!p2 [tilespmem:s4], [sflag:$0x7], $0x80, $0x38;
	[tilespmem:$0x1F6F8] =	vst v63  }
.LBB2_52:
0x287: {  	s0 =	sadd.s32 s3, s5  }
0x288: {  	s3 =	sshrl.u32 s0, $0x2  }
.LBB2_53:
0x289: {  	s0 =	simm.s32 $0x7  }
0x28a: {  	_ =	swait.ge [sflag:s0], s3  }
0x28b: {  	s1 =	ssub.s32 $0x0, s3;
	[sflag:s0] =	ssyncset.done $0x0  }
0x28c: {  	[sflag:s0] =	ssyncadd.s32 s1  }
0x28d: {  	[sflag:s0] =	ssyncpa.u1 $0x1  }
.LBB2_54:
0x28e: {  	_ =	sfence;
	s0 =	simm.s32 $0x1  }
0x28f: {  	[sflag:s0] =	ssyncpa.u1 $0x1  }
0x290: {  	_ =	strace $0x9000004A  }
0x291: {  	[bflag:$0x2] =	sbarrier.arrive $0xFFFF  }
0x292: {  	s0 =	rddreg [dreg:$0x3]  }
0x293: {  	s0 =	sadd.s32 @!p0 $0x100000, s0  }
0x294: {  	[sflag:s0] =	ssyncadd.tile.s32 @!p0 $0x1;
	_ =	shalt  }
.Lfunc_end2:
_tile_overlayer_lowered:
.L_overlay_start_2:
0x295: {  	(tag) =	ssettag $0x2  }
0x296: {  	s0 =	rddreg [dreg:$0x0];
	s2 =	stileid.u32  }
0x297: {  	s1 =	rddreg [dreg:$0x1];
	p0 =	sne.s32 s2, $0x0  }
0x298: {  	s3 =	rddreg [dreg:$0x2];
	[bflag:$0x3] =	sbarrier.arrive $0xFFFF;
	s2 =	simm.s32 @!p0 $0x1C01  }
0x299: {  	[timem:s3], [sflag:s2] =	dma.local @!p0 [hbm:s0], s1  }
0x29a: {  	s0 =	simm.s32 @!p0 $0x1  }
0x29b: {  	_ =	swait.ge @!p0 [sflag:s0], s1  }
0x29c: {  	s1 =	ssub.s32 @!p0 $0x0, s1;
	[sflag:s0] =	ssyncset.done @!p0 $0x0  }
0x29d: {  	[sflag:s0] =	ssyncadd.s32 @!p0 s1  }
0x29e: {  	[bflag:$0x3] =	sbarrier.arrive $0xFFFF  }
0x29f: {  	_ =	shalt  }

</sc_bundles>
